<compile_context>
chip_gen: v7x
topology: tpu7x:2x2x1
jax: 0.10.2.dev20260603
libtpu: 0.0.44.dev20260713+nightly
codegen_flags: <defaults>
</compile_context>

<pallas_src>
import functools

import jax
import jax.numpy as jnp
from jax import lax
from jax.experimental import pallas as pl
from jax.experimental.pallas import tpu as pltpu
from jax.experimental.pallas import tpu_sc as plsc

_NC = 2
_NS = 16
_L = 16
_CB = 80


def _proj_body(h_ref, ws_ref, wd_ref, ps_ref, pd_ref):
    hb = h_ref[...]
    ps_ref[...] = jnp.dot(hb, ws_ref[...], preferred_element_type=jnp.float32)
    pd_ref[...] = jnp.dot(hb, wd_ref[...], preferred_element_type=jnp.float32)


def _project(h, w_src, w_dst):
    n, d = h.shape
    bn = 2000
    return pl.pallas_call(
        _proj_body,
        grid=(n // bn,),
        in_specs=[
            pl.BlockSpec((bn, d), lambda i: (i, 0)),
            pl.BlockSpec((d, 2 * d), lambda i: (0, 0)),
            pl.BlockSpec((d, 2 * d), lambda i: (0, 0)),
        ],
        out_specs=[
            pl.BlockSpec((bn, 2 * d), lambda i: (i, 0)),
            pl.BlockSpec((bn, 2 * d), lambda i: (i, 0)),
        ],
        out_shape=[
            jax.ShapeDtypeStruct((n, 2 * d), jnp.float32),
            jax.ShapeDtypeStruct((n, 2 * d), jnp.float32),
        ],
    )(h, w_src, w_dst)


def _gather_body(e, d2, ps_hbm, pd_hbm, src3_hbm, dst3_hbm, g_hbm,
                 idx_s, idx_d, buf_a0, buf_b0, buf_a1, buf_b1,
                 sem_a0, sem_b0, sem_a1, sem_b1):
    c = lax.axis_index("c")
    s = lax.axis_index("s")
    wid = c * _NS + s
    ept = e // (_NC * _NS)
    base = wid * ept
    n_chunks = ept // _CB

    pltpu.sync_copy(src3_hbm.at[wid], idx_s)
    pltpu.sync_copy(dst3_hbm.at[wid], idx_d)

    def start(ci, ba, bb, sa, sb):
        pltpu.async_copy(ps_hbm.at[idx_s.at[ci]], ba, sa)
        pltpu.async_copy(pd_hbm.at[idx_d.at[ci]], bb, sb)

    def finish(ci, ba, bb, sa, sb):
        pltpu.make_async_copy(ps_hbm.at[idx_s.at[ci]], ba, sa).wait()
        pltpu.make_async_copy(pd_hbm.at[idx_d.at[ci]], bb, sb).wait()

        def add_row(r, cc):
            for k in range(d2 // _L):
                sl = pl.ds(k * _L, _L)
                ba[r, sl] = ba[r, sl] + bb[r, sl]
            return cc

        lax.fori_loop(0, _CB, add_row, 0)
        pltpu.sync_copy(ba, g_hbm.at[pl.ds(base + ci * _CB, _CB)])

    start(0, buf_a0, buf_b0, sem_a0, sem_b0)

    def pair(cj, carry):
        c0 = 2 * cj
        start(c0 + 1, buf_a1, buf_b1, sem_a1, sem_b1)
        finish(c0, buf_a0, buf_b0, sem_a0, sem_b0)
        start(c0 + 2, buf_a0, buf_b0, sem_a0, sem_b0)
        finish(c0 + 1, buf_a1, buf_b1, sem_a1, sem_b1)
        return carry

    lax.fori_loop(0, (n_chunks - 1) // 2, pair, 0)
    finish(n_chunks - 1, buf_a0, buf_b0, sem_a0, sem_b0)


def _gather_add(p_src, p_dst, src3, dst3):
    n, d2 = p_src.shape
    nw, nch, cb = src3.shape
    e = nw * nch * cb
    mesh = plsc.VectorSubcoreMesh(core_axis_name="c", subcore_axis_name="s")
    kfn = pl.kernel(
        functools.partial(_gather_body, e, d2),
        out_type=jax.ShapeDtypeStruct((e, d2), jnp.float32),
        mesh=mesh,
        scratch_types=[
            pltpu.VMEM((nch, cb), jnp.int32),
            pltpu.VMEM((nch, cb), jnp.int32),
            pltpu.VMEM((_CB, d2), jnp.float32),
            pltpu.VMEM((_CB, d2), jnp.float32),
            pltpu.VMEM((_CB, d2), jnp.float32),
            pltpu.VMEM((_CB, d2), jnp.float32),
            pltpu.SemaphoreType.DMA,
            pltpu.SemaphoreType.DMA,
            pltpu.SemaphoreType.DMA,
            pltpu.SemaphoreType.DMA,
        ],
    )
    return kfn(p_src, p_dst, src3, dst3)


def _edge_body(d, g_ref, ea_ref, we_ref, b_ref, out_ref):
    x = (g_ref[...]
         + jnp.dot(ea_ref[...], we_ref[...], preferred_element_type=jnp.float32)
         + b_ref[...])
    xg = x[:, :d]
    xm = x[:, d:]
    gate = 1.0 / (1.0 + jnp.exp(-xg))
    msg = jnp.maximum(xm, 0.0) + jnp.log(1.0 + jnp.exp(-jnp.abs(xm)))
    out_ref[...] = gate * msg


def _edge_mlp(g, edge_attr, w_edge, b_cat):
    e, d2 = g.shape
    de = edge_attr.shape[1]
    d = d2 // 2
    be = 2000
    return pl.pallas_call(
        functools.partial(_edge_body, d),
        grid=(e // be,),
        in_specs=[
            pl.BlockSpec((be, d2), lambda i: (i, 0)),
            pl.BlockSpec((be, de), lambda i: (i, 0)),
            pl.BlockSpec((de, d2), lambda i: (0, 0)),
            pl.BlockSpec((1, d2), lambda i: (0, 0)),
        ],
        out_specs=pl.BlockSpec((be, d), lambda i: (i, 0)),
        out_shape=jax.ShapeDtypeStruct((e, d), jnp.float32),
    )(g, edge_attr, w_edge, b_cat)


_RB = 128


def _scatter_body(e, n_pad, d, gm_hbm, dst3_hbm, s_out,
                  idx2, gm_buf, row_buf, s_sh):
    c = lax.axis_index("c")
    s = lax.axis_index("s")
    wid = c * _NS + s
    ept = e // (_NC * _NS)
    base = wid * ept
    rpt = n_pad // _NS
    r0 = s * rpt

    zv = jnp.zeros((_L,), jnp.float32)

    def zrow(j, cc):
        for k in range(d // _L):
            row_buf[j, pl.ds(k * _L, _L)] = zv
        return cc

    lax.fori_loop(0, _RB, zrow, 0)
    pltpu.sync_copy(dst3_hbm.at[wid], idx2)
    for j in range(rpt // _RB):
        pltpu.sync_copy(row_buf, s_sh.at[pl.ds(r0 + j * _RB, _RB)])
    plsc.subcore_barrier()

    def chunk(ci, carry):
        off = base + ci * _CB
        pltpu.sync_copy(gm_hbm.at[pl.ds(off, _CB)], gm_buf)
        pltpu.sync_copy(gm_buf, s_sh.at[idx2.at[ci]], add=True)
        return carry

    lax.fori_loop(0, ept // _CB, chunk, 0)
    plsc.subcore_barrier()
    for j in range(rpt // _RB):
        pltpu.sync_copy(s_sh.at[pl.ds(r0 + j * _RB, _RB)], row_buf)
        pltpu.sync_copy(row_buf, s_out.at[c, pl.ds(r0 + j * _RB, _RB)])


def _count_body(e, n_pad, dst_hbm, c_out, idx1d, cnt1d):
    c = lax.axis_index("c")
    s = lax.axis_index("s")
    wid = c * _NS + s
    ept = e // (_NC * _NS)
    base = wid * ept

    zv = jnp.zeros((_L,), jnp.float32)
    ones_v = jnp.full((_L,), 1.0, jnp.float32)

    def zcnt(j, cc):
        cnt1d[pl.ds(j * _L, _L)] = zv
        return cc

    lax.fori_loop(0, n_pad // _L, zcnt, 0)
    pltpu.sync_copy(dst_hbm.at[pl.ds(base, ept)], idx1d)

    def step(k, cc):
        iv = idx1d[pl.ds(k * _L, _L)]
        plsc.addupdate_scatter(cnt1d, [iv], ones_v)
        return cc

    lax.fori_loop(0, ept // _L, step, 0)
    pltpu.sync_copy(cnt1d, c_out.at[wid, 0])


def _scatter_mean_parts(gm, dst, dst3, n):
    e, d = gm.shape
    blk = _NS * _RB
    n_pad = ((n + blk - 1) // blk) * blk
    nch = dst3.shape[1]
    mesh = plsc.VectorSubcoreMesh(core_axis_name="c", subcore_axis_name="s")
    kfn = pl.kernel(
        functools.partial(_scatter_body, e, n_pad, d),
        out_type=jax.ShapeDtypeStruct((_NC, n_pad, d), jnp.float32),
        mesh=mesh,
        scratch_types=[
            pltpu.VMEM((nch, _CB), jnp.int32),
            pltpu.VMEM((_CB, d), jnp.float32),
            pltpu.VMEM((_RB, d), jnp.float32),
            pltpu.VMEM_SHARED((n_pad, d), jnp.float32),
        ],
    )
    s_parts = kfn(gm, dst3)
    cfn = pl.kernel(
        functools.partial(_count_body, e, n_pad),
        out_type=jax.ShapeDtypeStruct((_NC * _NS, 1, n_pad), jnp.float32),
        mesh=plsc.VectorSubcoreMesh(core_axis_name="c", subcore_axis_name="s"),
        compiler_params=pltpu.CompilerParams(
            use_tc_tiling_on_sc=False, needs_layout_passes=False),
        scratch_types=[
            pltpu.VMEM((e // (_NC * _NS),), jnp.int32),
            pltpu.VMEM((n_pad,), jnp.float32),
        ],
    )
    c_parts = cfn(dst)
    return s_parts, c_parts


def _fin_body(bn, h_ref, s_ref, c_ref, out_ref):
    i = pl.program_id(0)
    ssum = s_ref[0] + s_ref[1]
    cblk = c_ref[:, :, pl.ds(i * bn, bn)]
    cnt = jnp.sum(cblk, axis=(0, 1))[:, None]
    out_ref[...] = h_ref[...] + ssum / jnp.maximum(cnt, 1.0)


def _finalize(h, s_parts, c_parts):
    n, d = h.shape
    n_pad = c_parts.shape[2]
    h_pad = jnp.pad(h, ((0, n_pad - n), (0, 0)))
    bn = 2048
    out = pl.pallas_call(
        functools.partial(_fin_body, bn),
        grid=(n_pad // bn,),
        in_specs=[
            pl.BlockSpec((bn, d), lambda i: (i, 0)),
            pl.BlockSpec((_NC, bn, d), lambda i: (0, i, 0)),
            pl.BlockSpec((_NC * _NS, 1, n_pad), lambda i: (0, 0, 0)),
        ],
        out_specs=pl.BlockSpec((bn, d), lambda i: (i, 0)),
        out_shape=jax.ShapeDtypeStruct((n_pad, d), jnp.float32),
    )(h_pad, s_parts, c_parts)
    return out[:n]


def kernel(h, edge_index, edge_attr, W_e, b_e, W_n, b_n):
    n, d = h.shape
    e = edge_index.shape[1]
    nw = _NC * _NS
    src = edge_index[0]
    dst = edge_index[1]
    src3 = src.reshape(nw, e // (nw * _CB), _CB)
    dst3 = dst.reshape(nw, e // (nw * _CB), _CB)
    w_src = jnp.concatenate([W_e[:d], W_n[:d]], axis=1)
    w_dst = jnp.concatenate([W_e[d:2 * d], W_n[d:2 * d]], axis=1)
    w_edge = jnp.concatenate([W_e[2 * d:], W_n[2 * d:]], axis=1)
    b_cat = jnp.concatenate([b_e, b_n])[None, :]

    p_src, p_dst = _project(h, w_src, w_dst)
    g = _gather_add(p_src, p_dst, src3, dst3)
    gm = _edge_mlp(g, edge_attr, w_edge, b_cat)
    s_parts, c_parts = _scatter_mean_parts(gm, dst, dst3, n)
    return _finalize(h, s_parts, c_parts)

# --- scband reference (transcript-rebuilt; emitter-appended) ---
"""Pipeline reference for scband-cgconv-layer-32066225832046 (READ-ONLY COPY).

The authoritative reference and input builder live on the scoring server;
editing this copy changes nothing except your own understanding.
"""

import jax, jax.numpy as jnp
import numpy as np

N = 10000
E = 320000
D = 128
DE = 16

def setup_inputs(seed: int = 0) -> dict:
    key = jax.random.key(seed)
    k1, k2, k3, k4, k5, k6, k7 = jax.random.split(key, 7)
    h = jax.random.normal(k1, (N, D), dtype=jnp.float32)
    edge_index = jax.random.randint(k2, (2, E), 0, N, dtype=jnp.int32)
    edge_attr = jax.random.normal(k3, (E, DE), dtype=jnp.float32)
    in_dim = 2 * D + DE
    scale = 1.0 / np.sqrt(in_dim)
    W_e = jax.random.uniform(k4, (in_dim, D), dtype=jnp.float32, minval=-scale, maxval=scale)
    b_e = jax.random.uniform(k5, (D,), dtype=jnp.float32, minval=-scale, maxval=scale)
    W_n = jax.random.uniform(k6, (in_dim, D), dtype=jnp.float32, minval=-scale, maxval=scale)
    b_n = jax.random.uniform(k7, (D,), dtype=jnp.float32, minval=-scale, maxval=scale)
    return {"h": h, "edge_index": edge_index, "edge_attr": edge_attr, "W_e": W_e, "b_e": b_e, "W_n": W_n, "b_n": b_n}

def reference(h, edge_index, edge_attr, W_e, b_e, W_n, b_n):
    src = edge_index[0]
    dst = edge_index[1]
    n = h.shape[0]
    h_src = jnp.take(h, src, axis=0)
    h_dst = jnp.take(h, dst, axis=0)
    concat = jnp.concatenate([h_src, h_dst, edge_attr], axis=-1)
    gates = jax.nn.sigmoid(concat @ W_e + b_e)
    messages = jax.nn.softplus(concat @ W_n + b_n)
    gated_messages = gates * messages
    h_new = jax.ops.segment_sum(gated_messages, dst, num_segments=n)
    edge_count = jax.ops.segment_sum(jnp.ones((dst.shape[0],), dtype=h.dtype), dst, num_segments=n)
    edge_count = jnp.clip(edge_count, 1.0, None)[:, None]
    h_new = h_new / edge_count
    return h + h_new

if __name__ == "__main__":
    import jax
    _d = setup_inputs()
    print(jax.jit(kernel)(*tuple(_d.values())))

</pallas_src>

<mosaic_0001>
#map = affine_map<(d0, d1) -> (0, 0)>
#map1 = affine_map<(d0, d1) -> (0, 0, 0)>
module attributes {stable_mosaic.version = 14 : i64} {
  func.func @_gather_body(%arg0: i32, %arg1: i32, %arg2: memref<10000x256xf32, #tpu.memory_space<hbm>>, %arg3: memref<10000x256xf32, #tpu.memory_space<hbm>>, %arg4: memref<32x125x80xi32, #tpu.memory_space<hbm>>, %arg5: memref<32x125x80xi32, #tpu.memory_space<hbm>>, %arg6: memref<320000x256xf32, #tpu.memory_space<hbm>>, %arg7: memref<125x80xi32, #tpu.memory_space<vmem>>, %arg8: memref<125x80xi32, #tpu.memory_space<vmem>>, %arg9: memref<80x256xf32, #tpu.memory_space<vmem>>, %arg10: memref<80x256xf32, #tpu.memory_space<vmem>>, %arg11: memref<80x256xf32, #tpu.memory_space<vmem>>, %arg12: memref<80x256xf32, #tpu.memory_space<vmem>>, %arg13: memref<!tpu.dma_semaphore, #tpu.memory_space<semaphore_mem>>, %arg14: memref<!tpu.dma_semaphore, #tpu.memory_space<semaphore_mem>>, %arg15: memref<!tpu.dma_semaphore, #tpu.memory_space<semaphore_mem>>, %arg16: memref<!tpu.dma_semaphore, #tpu.memory_space<semaphore_mem>>) attributes {dimension_semantics = [#tpu.dimension_semantics<core_parallel>, #tpu.dimension_semantics<subcore_parallel>], iteration_bounds = array<i64: 2, 16>, scalar_prefetch = 0 : i64, scratch_operands = 10 : i64, tpu.core_type = #tpu.core_type<sc_vector_subcore>, window_params = [{transform_indices = #map}, {transform_indices = #map}, {transform_indices = #map1}, {transform_indices = #map1}, {transform_indices = #map}]} {
    %mul3A = arith.constant 16 : i32
    %mul3A_0 = arith.muli %arg0, %mul3A : i32
    %add3A = arith.addi %mul3A_0, %arg1 : i32
    %mul3A_1 = arith.constant 10000 : i32
    %mul3A_2 = arith.muli %add3A, %mul3A_1 : i32
    "tpu.region"() ({
      %run_scoped3A = tpu.sem_alloc : memref<!tpu.dma_semaphore, #tpu.memory_space<semaphore_mem>>
      %dma_start3A_42 = arith.constant 0 : i32
      %dma_start3A_43 = arith.constant 0 : i32
      %dma_start3A_44 = tpu.memref_slice %arg4[%add3A, %dma_start3A_42, %dma_start3A_43] : memref<32x125x80xi32, #tpu.memory_space<hbm>> -> memref<1x125x80xi32, #tpu.memory_space<hbm>>
      %dma_start3A_45 = tpu.memref_squeeze %dma_start3A_44 : memref<1x125x80xi32, #tpu.memory_space<hbm>> -> memref<125x80xi32, #tpu.memory_space<hbm>>
      %dma_start3A_46 = arith.constant 0 : i32
      %dma_start3A_47 = arith.constant 0 : i32
      %dma_start3A_48 = tpu.memref_slice %arg4[%add3A, %dma_start3A_46, %dma_start3A_47] : memref<32x125x80xi32, #tpu.memory_space<hbm>> -> memref<1x125x80xi32, #tpu.memory_space<hbm>>
      %dma_start3A_49 = tpu.memref_squeeze %dma_start3A_48 : memref<1x125x80xi32, #tpu.memory_space<hbm>> -> memref<125x80xi32, #tpu.memory_space<hbm>>
      tpu.enqueue_dma source(%dma_start3A_49 : memref<125x80xi32, #tpu.memory_space<hbm>>) target(%arg7 : memref<125x80xi32, #tpu.memory_space<vmem>>) target_semaphore(%run_scoped3A : memref<!tpu.dma_semaphore, #tpu.memory_space<semaphore_mem>>)
      %dma_wait3A_50 = arith.constant 0 : i32
      %dma_wait3A_51 = arith.constant 0 : i32
      %dma_wait3A_52 = tpu.memref_slice %arg4[%add3A, %dma_wait3A_50, %dma_wait3A_51] : memref<32x125x80xi32, #tpu.memory_space<hbm>> -> memref<1x125x80xi32, #tpu.memory_space<hbm>>
      %dma_wait3A_53 = tpu.memref_squeeze %dma_wait3A_52 : memref<1x125x80xi32, #tpu.memory_space<hbm>> -> memref<125x80xi32, #tpu.memory_space<hbm>>
      %dma_wait3A_54 = arith.constant 0 : i32
      %dma_wait3A_55 = arith.constant 0 : i32
      %dma_wait3A_56 = tpu.memref_slice %arg4[%add3A, %dma_wait3A_54, %dma_wait3A_55] : memref<32x125x80xi32, #tpu.memory_space<hbm>> -> memref<1x125x80xi32, #tpu.memory_space<hbm>>
      %dma_wait3A_57 = tpu.memref_squeeze %dma_wait3A_56 : memref<1x125x80xi32, #tpu.memory_space<hbm>> -> memref<125x80xi32, #tpu.memory_space<hbm>>
      tpu.wait_dma2 semaphore(%run_scoped3A : memref<!tpu.dma_semaphore, #tpu.memory_space<semaphore_mem>>) src(%dma_wait3A_57 : memref<125x80xi32, #tpu.memory_space<hbm>>) dst(%arg7 : memref<125x80xi32, #tpu.memory_space<vmem>>)
      tpu.yield
    }) : () -> ()
    "tpu.region"() ({
      %run_scoped3A = tpu.sem_alloc : memref<!tpu.dma_semaphore, #tpu.memory_space<semaphore_mem>>
      %dma_start3A_42 = arith.constant 0 : i32
      %dma_start3A_43 = arith.constant 0 : i32
      %dma_start3A_44 = tpu.memref_slice %arg5[%add3A, %dma_start3A_42, %dma_start3A_43] : memref<32x125x80xi32, #tpu.memory_space<hbm>> -> memref<1x125x80xi32, #tpu.memory_space<hbm>>
      %dma_start3A_45 = tpu.memref_squeeze %dma_start3A_44 : memref<1x125x80xi32, #tpu.memory_space<hbm>> -> memref<125x80xi32, #tpu.memory_space<hbm>>
      %dma_start3A_46 = arith.constant 0 : i32
      %dma_start3A_47 = arith.constant 0 : i32
      %dma_start3A_48 = tpu.memref_slice %arg5[%add3A, %dma_start3A_46, %dma_start3A_47] : memref<32x125x80xi32, #tpu.memory_space<hbm>> -> memref<1x125x80xi32, #tpu.memory_space<hbm>>
      %dma_start3A_49 = tpu.memref_squeeze %dma_start3A_48 : memref<1x125x80xi32, #tpu.memory_space<hbm>> -> memref<125x80xi32, #tpu.memory_space<hbm>>
      tpu.enqueue_dma source(%dma_start3A_49 : memref<125x80xi32, #tpu.memory_space<hbm>>) target(%arg8 : memref<125x80xi32, #tpu.memory_space<vmem>>) target_semaphore(%run_scoped3A : memref<!tpu.dma_semaphore, #tpu.memory_space<semaphore_mem>>)
      %dma_wait3A_50 = arith.constant 0 : i32
      %dma_wait3A_51 = arith.constant 0 : i32
      %dma_wait3A_52 = tpu.memref_slice %arg5[%add3A, %dma_wait3A_50, %dma_wait3A_51] : memref<32x125x80xi32, #tpu.memory_space<hbm>> -> memref<1x125x80xi32, #tpu.memory_space<hbm>>
      %dma_wait3A_53 = tpu.memref_squeeze %dma_wait3A_52 : memref<1x125x80xi32, #tpu.memory_space<hbm>> -> memref<125x80xi32, #tpu.memory_space<hbm>>
      %dma_wait3A_54 = arith.constant 0 : i32
      %dma_wait3A_55 = arith.constant 0 : i32
      %dma_wait3A_56 = tpu.memref_slice %arg5[%add3A, %dma_wait3A_54, %dma_wait3A_55] : memref<32x125x80xi32, #tpu.memory_space<hbm>> -> memref<1x125x80xi32, #tpu.memory_space<hbm>>
      %dma_wait3A_57 = tpu.memref_squeeze %dma_wait3A_56 : memref<1x125x80xi32, #tpu.memory_space<hbm>> -> memref<125x80xi32, #tpu.memory_space<hbm>>
      tpu.wait_dma2 semaphore(%run_scoped3A : memref<!tpu.dma_semaphore, #tpu.memory_space<semaphore_mem>>) src(%dma_wait3A_57 : memref<125x80xi32, #tpu.memory_space<hbm>>) dst(%arg8 : memref<125x80xi32, #tpu.memory_space<vmem>>)
      tpu.yield
    }) : () -> ()
    %dma_start3A = arith.constant 0 : i32
    %dma_start3A_3 = arith.constant 0 : i32
    %dma_start3A_4 = tpu.memref_slice %arg7[%dma_start3A, %dma_start3A_3] : memref<125x80xi32, #tpu.memory_space<vmem>> -> memref<1x80xi32, #tpu.memory_space<vmem>>
    %dma_start3A_5 = tpu.memref_squeeze %dma_start3A_4 : memref<1x80xi32, #tpu.memory_space<vmem>> -> memref<80xi32, #tpu.memory_space<vmem>>
    %dma_start3A_6 = arith.constant 0 : i32
    %dma_start3A_7 = arith.constant 0 : i32
    %dma_start3A_8 = tpu.memref_slice %arg2[%dma_start3A_6, %dma_start3A_7] : memref<10000x256xf32, #tpu.memory_space<hbm>> -> memref<10000x256xf32, #tpu.memory_space<hbm>>
    tpu.enqueue_indirect_dma source(%dma_start3A_8 : memref<10000x256xf32, #tpu.memory_space<hbm>>) target(%arg9 : memref<80x256xf32, #tpu.memory_space<vmem>>) offsets(%dma_start3A_5 : memref<80xi32, #tpu.memory_space<vmem>>) semaphore(%arg13 : memref<!tpu.dma_semaphore, #tpu.memory_space<semaphore_mem>>)
    %dma_start3A_9 = arith.constant 0 : i32
    %dma_start3A_10 = arith.constant 0 : i32
    %dma_start3A_11 = tpu.memref_slice %arg8[%dma_start3A_9, %dma_start3A_10] : memref<125x80xi32, #tpu.memory_space<vmem>> -> memref<1x80xi32, #tpu.memory_space<vmem>>
    %dma_start3A_12 = tpu.memref_squeeze %dma_start3A_11 : memref<1x80xi32, #tpu.memory_space<vmem>> -> memref<80xi32, #tpu.memory_space<vmem>>
    %dma_start3A_13 = arith.constant 0 : i32
    %dma_start3A_14 = arith.constant 0 : i32
    %dma_start3A_15 = tpu.memref_slice %arg3[%dma_start3A_13, %dma_start3A_14] : memref<10000x256xf32, #tpu.memory_space<hbm>> -> memref<10000x256xf32, #tpu.memory_space<hbm>>
    tpu.enqueue_indirect_dma source(%dma_start3A_15 : memref<10000x256xf32, #tpu.memory_space<hbm>>) target(%arg10 : memref<80x256xf32, #tpu.memory_space<vmem>>) offsets(%dma_start3A_12 : memref<80xi32, #tpu.memory_space<vmem>>) semaphore(%arg14 : memref<!tpu.dma_semaphore, #tpu.memory_space<semaphore_mem>>)
    %scan3A = arith.constant 0 : i32
    %scan3A_16 = arith.constant 0 : i32
    %scan3A_17 = arith.constant 62 : i32
    %scan3A_18 = arith.addi %scan3A_16, %scan3A_17 : i32
    %scan3A_19 = arith.constant 1 : i32
    scf.for %scan3A_42 = %scan3A_16 to %scan3A_18 step %scan3A_19  : i32 {
      %mul3A_43 = arith.constant 2 : i32
      %mul3A_44 = arith.muli %mul3A_43, %scan3A_42 : i32
      %add3A_45 = arith.constant 1 : i32
      %add3A_46 = arith.addi %mul3A_44, %add3A_45 : i32
      %dma_start3A_47 = arith.constant 0 : i32
      %dma_start3A_48 = tpu.memref_slice %arg7[%add3A_46, %dma_start3A_47] : memref<125x80xi32, #tpu.memory_space<vmem>> -> memref<1x80xi32, #tpu.memory_space<vmem>>
      %dma_start3A_49 = tpu.memref_squeeze %dma_start3A_48 : memref<1x80xi32, #tpu.memory_space<vmem>> -> memref<80xi32, #tpu.memory_space<vmem>>
      %dma_start3A_50 = arith.constant 0 : i32
      %dma_start3A_51 = arith.constant 0 : i32
      %dma_start3A_52 = tpu.memref_slice %arg2[%dma_start3A_50, %dma_start3A_51] : memref<10000x256xf32, #tpu.memory_space<hbm>> -> memref<10000x256xf32, #tpu.memory_space<hbm>>
      tpu.enqueue_indirect_dma source(%dma_start3A_52 : memref<10000x256xf32, #tpu.memory_space<hbm>>) target(%arg11 : memref<80x256xf32, #tpu.memory_space<vmem>>) offsets(%dma_start3A_49 : memref<80xi32, #tpu.memory_space<vmem>>) semaphore(%arg15 : memref<!tpu.dma_semaphore, #tpu.memory_space<semaphore_mem>>)
      %dma_start3A_53 = arith.constant 0 : i32
      %dma_start3A_54 = tpu.memref_slice %arg8[%add3A_46, %dma_start3A_53] : memref<125x80xi32, #tpu.memory_space<vmem>> -> memref<1x80xi32, #tpu.memory_space<vmem>>
      %dma_start3A_55 = tpu.memref_squeeze %dma_start3A_54 : memref<1x80xi32, #tpu.memory_space<vmem>> -> memref<80xi32, #tpu.memory_space<vmem>>
      %dma_start3A_56 = arith.constant 0 : i32
      %dma_start3A_57 = arith.constant 0 : i32
      %dma_start3A_58 = tpu.memref_slice %arg3[%dma_start3A_56, %dma_start3A_57] : memref<10000x256xf32, #tpu.memory_space<hbm>> -> memref<10000x256xf32, #tpu.memory_space<hbm>>
      tpu.enqueue_indirect_dma source(%dma_start3A_58 : memref<10000x256xf32, #tpu.memory_space<hbm>>) target(%arg12 : memref<80x256xf32, #tpu.memory_space<vmem>>) offsets(%dma_start3A_55 : memref<80xi32, #tpu.memory_space<vmem>>) semaphore(%arg16 : memref<!tpu.dma_semaphore, #tpu.memory_space<semaphore_mem>>)
      %dma_wait3A_59 = arith.constant 0 : i32
      %dma_wait3A_60 = tpu.memref_slice %arg7[%mul3A_44, %dma_wait3A_59] : memref<125x80xi32, #tpu.memory_space<vmem>> -> memref<1x80xi32, #tpu.memory_space<vmem>>
      %dma_wait3A_61 = tpu.memref_squeeze %dma_wait3A_60 : memref<1x80xi32, #tpu.memory_space<vmem>> -> memref<80xi32, #tpu.memory_space<vmem>>
      %dma_wait3A_62 = arith.constant 0 : i32
      %dma_wait3A_63 = arith.constant 0 : i32
      %dma_wait3A_64 = tpu.memref_slice %arg2[%dma_wait3A_62, %dma_wait3A_63] : memref<10000x256xf32, #tpu.memory_space<hbm>> -> memref<10000x256xf32, #tpu.memory_space<hbm>>
      tpu.wait_indirect_dma semaphore(%arg13 : memref<!tpu.dma_semaphore, #tpu.memory_space<semaphore_mem>>) src(%dma_wait3A_64 : memref<10000x256xf32, #tpu.memory_space<hbm>>) dst(%arg9 : memref<80x256xf32, #tpu.memory_space<vmem>>)
      %dma_wait3A_65 = arith.constant 0 : i32
      %dma_wait3A_66 = tpu.memref_slice %arg8[%mul3A_44, %dma_wait3A_65] : memref<125x80xi32, #tpu.memory_space<vmem>> -> memref<1x80xi32, #tpu.memory_space<vmem>>
      %dma_wait3A_67 = tpu.memref_squeeze %dma_wait3A_66 : memref<1x80xi32, #tpu.memory_space<vmem>> -> memref<80xi32, #tpu.memory_space<vmem>>
      %dma_wait3A_68 = arith.constant 0 : i32
      %dma_wait3A_69 = arith.constant 0 : i32
      %dma_wait3A_70 = tpu.memref_slice %arg3[%dma_wait3A_68, %dma_wait3A_69] : memref<10000x256xf32, #tpu.memory_space<hbm>> -> memref<10000x256xf32, #tpu.memory_space<hbm>>
      tpu.wait_indirect_dma semaphore(%arg14 : memref<!tpu.dma_semaphore, #tpu.memory_space<semaphore_mem>>) src(%dma_wait3A_70 : memref<10000x256xf32, #tpu.memory_space<hbm>>) dst(%arg10 : memref<80x256xf32, #tpu.memory_space<vmem>>)
      %scan3A_71 = arith.constant 0 : i32
      %scan3A_72 = arith.constant 0 : i32
      %scan3A_73 = arith.constant 80 : i32
      %scan3A_74 = arith.addi %scan3A_72, %scan3A_73 : i32
      %scan3A_75 = arith.constant 1 : i32
      scf.for %scan3A_117 = %scan3A_72 to %scan3A_74 step %scan3A_75  : i32 {
        %get3A = arith.index_cast %scan3A_117 : i32 to index
        %get3A_118 = arith.constant 0 : index
        %get3A_119 = tpu.vector_load %arg9[%get3A, %get3A_118] {strides = array<i32>} : memref<80x256xf32, #tpu.memory_space<vmem>>, vector<1x16xf32>,
        %get3A_120 = vector.shape_cast %get3A_119 : vector<1x16xf32> to vector<16xf32>
        %get3A_121 = arith.index_cast %scan3A_117 : i32 to index
        %get3A_122 = arith.constant 0 : index
        %get3A_123 = tpu.vector_load %arg10[%get3A_121, %get3A_122] {strides = array<i32>} : memref<80x256xf32, #tpu.memory_space<vmem>>, vector<1x16xf32>,
        %get3A_124 = vector.shape_cast %get3A_123 : vector<1x16xf32> to vector<16xf32>
        %add3A_125 = arith.addf %get3A_120, %get3A_124 : vector<16xf32>
        %swap3A = arith.index_cast %scan3A_117 : i32 to index
        %swap3A_126 = arith.constant 0 : index
        %swap3A_127 = tpu.vector_load %arg9[%swap3A, %swap3A_126] {strides = array<i32>} : memref<80x256xf32, #tpu.memory_space<vmem>>, vector<1x16xf32>,
        %swap3A_128 = vector.shape_cast %swap3A_127 : vector<1x16xf32> to vector<16xf32>
        %swap3A_129 = vector.shape_cast %add3A_125 : vector<16xf32> to vector<1x16xf32>
        tpu.vector_store %arg9[%swap3A, %swap3A_126], %swap3A_129 {strides = array<i32>} : memref<80x256xf32, #tpu.memory_space<vmem>>, vector<1x16xf32>,
        %get3A_130 = arith.index_cast %scan3A_117 : i32 to index
        %get3A_131 = arith.constant 16 : index
        %get3A_132 = tpu.vector_load %arg9[%get3A_130, %get3A_131] {strides = array<i32>} : memref<80x256xf32, #tpu.memory_space<vmem>>, vector<1x16xf32>,
        %get3A_133 = vector.shape_cast %get3A_132 : vector<1x16xf32> to vector<16xf32>
        %get3A_134 = arith.index_cast %scan3A_117 : i32 to index
        %get3A_135 = arith.constant 16 : index
        %get3A_136 = tpu.vector_load %arg10[%get3A_134, %get3A_135] {strides = array<i32>} : memref<80x256xf32, #tpu.memory_space<vmem>>, vector<1x16xf32>,
        %get3A_137 = vector.shape_cast %get3A_136 : vector<1x16xf32> to vector<16xf32>
        %add3A_138 = arith.addf %get3A_133, %get3A_137 : vector<16xf32>
        %swap3A_139 = arith.index_cast %scan3A_117 : i32 to index
        %swap3A_140 = arith.constant 16 : index
        %swap3A_141 = tpu.vector_load %arg9[%swap3A_139, %swap3A_140] {strides = array<i32>} : memref<80x256xf32, #tpu.memory_space<vmem>>, vector<1x16xf32>,
        %swap3A_142 = vector.shape_cast %swap3A_141 : vector<1x16xf32> to vector<16xf32>
        %swap3A_143 = vector.shape_cast %add3A_138 : vector<16xf32> to vector<1x16xf32>
        tpu.vector_store %arg9[%swap3A_139, %swap3A_140], %swap3A_143 {strides = array<i32>} : memref<80x256xf32, #tpu.memory_space<vmem>>, vector<1x16xf32>,
        %get3A_144 = arith.index_cast %scan3A_117 : i32 to index
        %get3A_145 = arith.constant 32 : index
        %get3A_146 = tpu.vector_load %arg9[%get3A_144, %get3A_145] {strides = array<i32>} : memref<80x256xf32, #tpu.memory_space<vmem>>, vector<1x16xf32>,
        %get3A_147 = vector.shape_cast %get3A_146 : vector<1x16xf32> to vector<16xf32>
        %get3A_148 = arith.index_cast %scan3A_117 : i32 to index
        %get3A_149 = arith.constant 32 : index
        %get3A_150 = tpu.vector_load %arg10[%get3A_148, %get3A_149] {strides = array<i32>} : memref<80x256xf32, #tpu.memory_space<vmem>>, vector<1x16xf32>,
        %get3A_151 = vector.shape_cast %get3A_150 : vector<1x16xf32> to vector<16xf32>
        %add3A_152 = arith.addf %get3A_147, %get3A_151 : vector<16xf32>
        %swap3A_153 = arith.index_cast %scan3A_117 : i32 to index
        %swap3A_154 = arith.constant 32 : index
        %swap3A_155 = tpu.vector_load %arg9[%swap3A_153, %swap3A_154] {strides = array<i32>} : memref<80x256xf32, #tpu.memory_space<vmem>>, vector<1x16xf32>,
        %swap3A_156 = vector.shape_cast %swap3A_155 : vector<1x16xf32> to vector<16xf32>
        %swap3A_157 = vector.shape_cast %add3A_152 : vector<16xf32> to vector<1x16xf32>
        tpu.vector_store %arg9[%swap3A_153, %swap3A_154], %swap3A_157 {strides = array<i32>} : memref<80x256xf32, #tpu.memory_space<vmem>>, vector<1x16xf32>,
        %get3A_158 = arith.index_cast %scan3A_117 : i32 to index
        %get3A_159 = arith.constant 48 : index
        %get3A_160 = tpu.vector_load %arg9[%get3A_158, %get3A_159] {strides = array<i32>} : memref<80x256xf32, #tpu.memory_space<vmem>>, vector<1x16xf32>,
        %get3A_161 = vector.shape_cast %get3A_160 : vector<1x16xf32> to vector<16xf32>
        %get3A_162 = arith.index_cast %scan3A_117 : i32 to index
        %get3A_163 = arith.constant 48 : index
        %get3A_164 = tpu.vector_load %arg10[%get3A_162, %get3A_163] {strides = array<i32>} : memref<80x256xf32, #tpu.memory_space<vmem>>, vector<1x16xf32>,
        %get3A_165 = vector.shape_cast %get3A_164 : vector<1x16xf32> to vector<16xf32>
        %add3A_166 = arith.addf %get3A_161, %get3A_165 : vector<16xf32>
        %swap3A_167 = arith.index_cast %scan3A_117 : i32 to index
        %swap3A_168 = arith.constant 48 : index
        %swap3A_169 = tpu.vector_load %arg9[%swap3A_167, %swap3A_168] {strides = array<i32>} : memref<80x256xf32, #tpu.memory_space<vmem>>, vector<1x16xf32>,
        %swap3A_170 = vector.shape_cast %swap3A_169 : vector<1x16xf32> to vector<16xf32>
        %swap3A_171 = vector.shape_cast %add3A_166 : vector<16xf32> to vector<1x16xf32>
        tpu.vector_store %arg9[%swap3A_167, %swap3A_168], %swap3A_171 {strides = array<i32>} : memref<80x256xf32, #tpu.memory_space<vmem>>, vector<1x16xf32>,
        %get3A_172 = arith.index_cast %scan3A_117 : i32 to index
        %get3A_173 = arith.constant 64 : index
        %get3A_174 = tpu.vector_load %arg9[%get3A_172, %get3A_173] {strides = array<i32>} : memref<80x256xf32, #tpu.memory_space<vmem>>, vector<1x16xf32>,
        %get3A_175 = vector.shape_cast %get3A_174 : vector<1x16xf32> to vector<16xf32>
        %get3A_176 = arith.index_cast %scan3A_117 : i32 to index
        %get3A_177 = arith.constant 64 : index
        %get3A_178 = tpu.vector_load %arg10[%get3A_176, %get3A_177] {strides = array<i32>} : memref<80x256xf32, #tpu.memory_space<vmem>>, vector<1x16xf32>,
        %get3A_179 = vector.shape_cast %get3A_178 : vector<1x16xf32> to vector<16xf32>
        %add3A_180 = arith.addf %get3A_175, %get3A_179 : vector<16xf32>
        %swap3A_181 = arith.index_cast %scan3A_117 : i32 to index
        %swap3A_182 = arith.constant 64 : index
        %swap3A_183 = tpu.vector_load %arg9[%swap3A_181, %swap3A_182] {strides = array<i32>} : memref<80x256xf32, #tpu.memory_space<vmem>>, vector<1x16xf32>,
        %swap3A_184 = vector.shape_cast %swap3A_183 : vector<1x16xf32> to vector<16xf32>
        %swap3A_185 = vector.shape_cast %add3A_180 : vector<16xf32> to vector<1x16xf32>
        tpu.vector_store %arg9[%swap3A_181, %swap3A_182], %swap3A_185 {strides = array<i32>} : memref<80x256xf32, #tpu.memory_space<vmem>>, vector<1x16xf32>,
        %get3A_186 = arith.index_cast %scan3A_117 : i32 to index
        %get3A_187 = arith.constant 80 : index
        %get3A_188 = tpu.vector_load %arg9[%get3A_186, %get3A_187] {strides = array<i32>} : memref<80x256xf32, #tpu.memory_space<vmem>>, vector<1x16xf32>,
        %get3A_189 = vector.shape_cast %get3A_188 : vector<1x16xf32> to vector<16xf32>
        %get3A_190 = arith.index_cast %scan3A_117 : i32 to index
        %get3A_191 = arith.constant 80 : index
        %get3A_192 = tpu.vector_load %arg10[%get3A_190, %get3A_191] {strides = array<i32>} : memref<80x256xf32, #tpu.memory_space<vmem>>, vector<1x16xf32>,
        %get3A_193 = vector.shape_cast %get3A_192 : vector<1x16xf32> to vector<16xf32>
        %add3A_194 = arith.addf %get3A_189, %get3A_193 : vector<16xf32>
        %swap3A_195 = arith.index_cast %scan3A_117 : i32 to index
        %swap3A_196 = arith.constant 80 : index
        %swap3A_197 = tpu.vector_load %arg9[%swap3A_195, %swap3A_196] {strides = array<i32>} : memref<80x256xf32, #tpu.memory_space<vmem>>, vector<1x16xf32>,
        %swap3A_198 = vector.shape_cast %swap3A_197 : vector<1x16xf32> to vector<16xf32>
        %swap3A_199 = vector.shape_cast %add3A_194 : vector<16xf32> to vector<1x16xf32>
        tpu.vector_store %arg9[%swap3A_195, %swap3A_196], %swap3A_199 {strides = array<i32>} : memref<80x256xf32, #tpu.memory_space<vmem>>, vector<1x16xf32>,
        %get3A_200 = arith.index_cast %scan3A_117 : i32 to index
        %get3A_201 = arith.constant 96 : index
        %get3A_202 = tpu.vector_load %arg9[%get3A_200, %get3A_201] {strides = array<i32>} : memref<80x256xf32, #tpu.memory_space<vmem>>, vector<1x16xf32>,
        %get3A_203 = vector.shape_cast %get3A_202 : vector<1x16xf32> to vector<16xf32>
        %get3A_204 = arith.index_cast %scan3A_117 : i32 to index
        %get3A_205 = arith.constant 96 : index
        %get3A_206 = tpu.vector_load %arg10[%get3A_204, %get3A_205] {strides = array<i32>} : memref<80x256xf32, #tpu.memory_space<vmem>>, vector<1x16xf32>,
        %get3A_207 = vector.shape_cast %get3A_206 : vector<1x16xf32> to vector<16xf32>
        %add3A_208 = arith.addf %get3A_203, %get3A_207 : vector<16xf32>
        %swap3A_209 = arith.index_cast %scan3A_117 : i32 to index
        %swap3A_210 = arith.constant 96 : index
        %swap3A_211 = tpu.vector_load %arg9[%swap3A_209, %swap3A_210] {strides = array<i32>} : memref<80x256xf32, #tpu.memory_space<vmem>>, vector<1x16xf32>,
        %swap3A_212 = vector.shape_cast %swap3A_211 : vector<1x16xf32> to vector<16xf32>
        %swap3A_213 = vector.shape_cast %add3A_208 : vector<16xf32> to vector<1x16xf32>
        tpu.vector_store %arg9[%swap3A_209, %swap3A_210], %swap3A_213 {strides = array<i32>} : memref<80x256xf32, #tpu.memory_space<vmem>>, vector<1x16xf32>,
        %get3A_214 = arith.index_cast %scan3A_117 : i32 to index
        %get3A_215 = arith.constant 112 : index
        %get3A_216 = tpu.vector_load %arg9[%get3A_214, %get3A_215] {strides = array<i32>} : memref<80x256xf32, #tpu.memory_space<vmem>>, vector<1x16xf32>,
        %get3A_217 = vector.shape_cast %get3A_216 : vector<1x16xf32> to vector<16xf32>
        %get3A_218 = arith.index_cast %scan3A_117 : i32 to index
        %get3A_219 = arith.constant 112 : index
        %get3A_220 = tpu.vector_load %arg10[%get3A_218, %get3A_219] {strides = array<i32>} : memref<80x256xf32, #tpu.memory_space<vmem>>, vector<1x16xf32>,
        %get3A_221 = vector.shape_cast %get3A_220 : vector<1x16xf32> to vector<16xf32>
        %add3A_222 = arith.addf %get3A_217, %get3A_221 : vector<16xf32>
        %swap3A_223 = arith.index_cast %scan3A_117 : i32 to index
        %swap3A_224 = arith.constant 112 : index
        %swap3A_225 = tpu.vector_load %arg9[%swap3A_223, %swap3A_224] {strides = array<i32>} : memref<80x256xf32, #tpu.memory_space<vmem>>, vector<1x16xf32>,
        %swap3A_226 = vector.shape_cast %swap3A_225 : vector<1x16xf32> to vector<16xf32>
        %swap3A_227 = vector.shape_cast %add3A_222 : vector<16xf32> to vector<1x16xf32>
        tpu.vector_store %arg9[%swap3A_223, %swap3A_224], %swap3A_227 {strides = array<i32>} : memref<80x256xf32, #tpu.memory_space<vmem>>, vector<1x16xf32>,
        %get3A_228 = arith.index_cast %scan3A_117 : i32 to index
        %get3A_229 = arith.constant 128 : index
        %get3A_230 = tpu.vector_load %arg9[%get3A_228, %get3A_229] {strides = array<i32>} : memref<80x256xf32, #tpu.memory_space<vmem>>, vector<1x16xf32>,
        %get3A_231 = vector.shape_cast %get3A_230 : vector<1x16xf32> to vector<16xf32>
        %get3A_232 = arith.index_cast %scan3A_117 : i32 to index
        %get3A_233 = arith.constant 128 : index
        %get3A_234 = tpu.vector_load %arg10[%get3A_232, %get3A_233] {strides = array<i32>} : memref<80x256xf32, #tpu.memory_space<vmem>>, vector<1x16xf32>,
        %get3A_235 = vector.shape_cast %get3A_234 : vector<1x16xf32> to vector<16xf32>
        %add3A_236 = arith.addf %get3A_231, %get3A_235 : vector<16xf32>
        %swap3A_237 = arith.index_cast %scan3A_117 : i32 to index
        %swap3A_238 = arith.constant 128 : index
        %swap3A_239 = tpu.vector_load %arg9[%swap3A_237, %swap3A_238] {strides = array<i32>} : memref<80x256xf32, #tpu.memory_space<vmem>>, vector<1x16xf32>,
        %swap3A_240 = vector.shape_cast %swap3A_239 : vector<1x16xf32> to vector<16xf32>
        %swap3A_241 = vector.shape_cast %add3A_236 : vector<16xf32> to vector<1x16xf32>
        tpu.vector_store %arg9[%swap3A_237, %swap3A_238], %swap3A_241 {strides = array<i32>} : memref<80x256xf32, #tpu.memory_space<vmem>>, vector<1x16xf32>,
        %get3A_242 = arith.index_cast %scan3A_117 : i32 to index
        %get3A_243 = arith.constant 144 : index
        %get3A_244 = tpu.vector_load %arg9[%get3A_242, %get3A_243] {strides = array<i32>} : memref<80x256xf32, #tpu.memory_space<vmem>>, vector<1x16xf32>,
        %get3A_245 = vector.shape_cast %get3A_244 : vector<1x16xf32> to vector<16xf32>
        %get3A_246 = arith.index_cast %scan3A_117 : i32 to index
        %get3A_247 = arith.constant 144 : index
        %get3A_248 = tpu.vector_load %arg10[%get3A_246, %get3A_247] {strides = array<i32>} : memref<80x256xf32, #tpu.memory_space<vmem>>, vector<1x16xf32>,
        %get3A_249 = vector.shape_cast %get3A_248 : vector<1x16xf32> to vector<16xf32>
        %add3A_250 = arith.addf %get3A_245, %get3A_249 : vector<16xf32>
        %swap3A_251 = arith.index_cast %scan3A_117 : i32 to index
        %swap3A_252 = arith.constant 144 : index
        %swap3A_253 = tpu.vector_load %arg9[%swap3A_251, %swap3A_252] {strides = array<i32>} : memref<80x256xf32, #tpu.memory_space<vmem>>, vector<1x16xf32>,
        %swap3A_254 = vector.shape_cast %swap3A_253 : vector<1x16xf32> to vector<16xf32>
        %swap3A_255 = vector.shape_cast %add3A_250 : vector<16xf32> to vector<1x16xf32>
        tpu.vector_store %arg9[%swap3A_251, %swap3A_252], %swap3A_255 {strides = array<i32>} : memref<80x256xf32, #tpu.memory_space<vmem>>, vector<1x16xf32>,
        %get3A_256 = arith.index_cast %scan3A_117 : i32 to index
        %get3A_257 = arith.constant 160 : index
        %get3A_258 = tpu.vector_load %arg9[%get3A_256, %get3A_257] {strides = array<i32>} : memref<80x256xf32, #tpu.memory_space<vmem>>, vector<1x16xf32>,
        %get3A_259 = vector.shape_cast %get3A_258 : vector<1x16xf32> to vector<16xf32>
        %get3A_260 = arith.index_cast %scan3A_117 : i32 to index
        %get3A_261 = arith.constant 160 : index
        %get3A_262 = tpu.vector_load %arg10[%get3A_260, %get3A_261] {strides = array<i32>} : memref<80x256xf32, #tpu.memory_space<vmem>>, vector<1x16xf32>,
        %get3A_263 = vector.shape_cast %get3A_262 : vector<1x16xf32> to vector<16xf32>
        %add3A_264 = arith.addf %get3A_259, %get3A_263 : vector<16xf32>
        %swap3A_265 = arith.index_cast %scan3A_117 : i32 to index
        %swap3A_266 = arith.constant 160 : index
        %swap3A_267 = tpu.vector_load %arg9[%swap3A_265, %swap3A_266] {strides = array<i32>} : memref<80x256xf32, #tpu.memory_space<vmem>>, vector<1x16xf32>,
        %swap3A_268 = vector.shape_cast %swap3A_267 : vector<1x16xf32> to vector<16xf32>
        %swap3A_269 = vector.shape_cast %add3A_264 : vector<16xf32> to vector<1x16xf32>
        tpu.vector_store %arg9[%swap3A_265, %swap3A_266], %swap3A_269 {strides = array<i32>} : memref<80x256xf32, #tpu.memory_space<vmem>>, vector<1x16xf32>,
        %get3A_270 = arith.index_cast %scan3A_117 : i32 to index
        %get3A_271 = arith.constant 176 : index
        %get3A_272 = tpu.vector_load %arg9[%get3A_270, %get3A_271] {strides = array<i32>} : memref<80x256xf32, #tpu.memory_space<vmem>>, vector<1x16xf32>,
        %get3A_273 = vector.shape_cast %get3A_272 : vector<1x16xf32> to vector<16xf32>
        %get3A_274 = arith.index_cast %scan3A_117 : i32 to index
        %get3A_275 = arith.constant 176 : index
        %get3A_276 = tpu.vector_load %arg10[%get3A_274, %get3A_275] {strides = array<i32>} : memref<80x256xf32, #tpu.memory_space<vmem>>, vector<1x16xf32>,
        %get3A_277 = vector.shape_cast %get3A_276 : vector<1x16xf32> to vector<16xf32>
        %add3A_278 = arith.addf %get3A_273, %get3A_277 : vector<16xf32>
        %swap3A_279 = arith.index_cast %scan3A_117 : i32 to index
        %swap3A_280 = arith.constant 176 : index
        %swap3A_281 = tpu.vector_load %arg9[%swap3A_279, %swap3A_280] {strides = array<i32>} : memref<80x256xf32, #tpu.memory_space<vmem>>, vector<1x16xf32>,
        %swap3A_282 = vector.shape_cast %swap3A_281 : vector<1x16xf32> to vector<16xf32>
        %swap3A_283 = vector.shape_cast %add3A_278 : vector<16xf32> to vector<1x16xf32>
        tpu.vector_store %arg9[%swap3A_279, %swap3A_280], %swap3A_283 {strides = array<i32>} : memref<80x256xf32, #tpu.memory_space<vmem>>, vector<1x16xf32>,
        %get3A_284 = arith.index_cast %scan3A_117 : i32 to index
        %get3A_285 = arith.constant 192 : index
        %get3A_286 = tpu.vector_load %arg9[%get3A_284, %get3A_285] {strides = array<i32>} : memref<80x256xf32, #tpu.memory_space<vmem>>, vector<1x16xf32>,
        %get3A_287 = vector.shape_cast %get3A_286 : vector<1x16xf32> to vector<16xf32>
        %get3A_288 = arith.index_cast %scan3A_117 : i32 to index
        %get3A_289 = arith.constant 192 : index
        %get3A_290 = tpu.vector_load %arg10[%get3A_288, %get3A_289] {strides = array<i32>} : memref<80x256xf32, #tpu.memory_space<vmem>>, vector<1x16xf32>,
        %get3A_291 = vector.shape_cast %get3A_290 : vector<1x16xf32> to vector<16xf32>
        %add3A_292 = arith.addf %get3A_287, %get3A_291 : vector<16xf32>
        %swap3A_293 = arith.index_cast %scan3A_117 : i32 to index
        %swap3A_294 = arith.constant 192 : index
        %swap3A_295 = tpu.vector_load %arg9[%swap3A_293, %swap3A_294] {strides = array<i32>} : memref<80x256xf32, #tpu.memory_space<vmem>>, vector<1x16xf32>,
        %swap3A_296 = vector.shape_cast %swap3A_295 : vector<1x16xf32> to vector<16xf32>
        %swap3A_297 = vector.shape_cast %add3A_292 : vector<16xf32> to vector<1x16xf32>
        tpu.vector_store %arg9[%swap3A_293, %swap3A_294], %swap3A_297 {strides = array<i32>} : memref<80x256xf32, #tpu.memory_space<vmem>>, vector<1x16xf32>,
        %get3A_298 = arith.index_cast %scan3A_117 : i32 to index
        %get3A_299 = arith.constant 208 : index
        %get3A_300 = tpu.vector_load %arg9[%get3A_298, %get3A_299] {strides = array<i32>} : memref<80x256xf32, #tpu.memory_space<vmem>>, vector<1x16xf32>,
        %get3A_301 = vector.shape_cast %get3A_300 : vector<1x16xf32> to vector<16xf32>
        %get3A_302 = arith.index_cast %scan3A_117 : i32 to index
        %get3A_303 = arith.constant 208 : index
        %get3A_304 = tpu.vector_load %arg10[%get3A_302, %get3A_303] {strides = array<i32>} : memref<80x256xf32, #tpu.memory_space<vmem>>, vector<1x16xf32>,
        %get3A_305 = vector.shape_cast %get3A_304 : vector<1x16xf32> to vector<16xf32>
        %add3A_306 = arith.addf %get3A_301, %get3A_305 : vector<16xf32>
        %swap3A_307 = arith.index_cast %scan3A_117 : i32 to index
        %swap3A_308 = arith.constant 208 : index
        %swap3A_309 = tpu.vector_load %arg9[%swap3A_307, %swap3A_308] {strides = array<i32>} : memref<80x256xf32, #tpu.memory_space<vmem>>, vector<1x16xf32>,
        %swap3A_310 = vector.shape_cast %swap3A_309 : vector<1x16xf32> to vector<16xf32>
        %swap3A_311 = vector.shape_cast %add3A_306 : vector<16xf32> to vector<1x16xf32>
        tpu.vector_store %arg9[%swap3A_307, %swap3A_308], %swap3A_311 {strides = array<i32>} : memref<80x256xf32, #tpu.memory_space<vmem>>, vector<1x16xf32>,
        %get3A_312 = arith.index_cast %scan3A_117 : i32 to index
        %get3A_313 = arith.constant 224 : index
        %get3A_314 = tpu.vector_load %arg9[%get3A_312, %get3A_313] {strides = array<i32>} : memref<80x256xf32, #tpu.memory_space<vmem>>, vector<1x16xf32>,
        %get3A_315 = vector.shape_cast %get3A_314 : vector<1x16xf32> to vector<16xf32>
        %get3A_316 = arith.index_cast %scan3A_117 : i32 to index
        %get3A_317 = arith.constant 224 : index
        %get3A_318 = tpu.vector_load %arg10[%get3A_316, %get3A_317] {strides = array<i32>} : memref<80x256xf32, #tpu.memory_space<vmem>>, vector<1x16xf32>,
        %get3A_319 = vector.shape_cast %get3A_318 : vector<1x16xf32> to vector<16xf32>
        %add3A_320 = arith.addf %get3A_315, %get3A_319 : vector<16xf32>
        %swap3A_321 = arith.index_cast %scan3A_117 : i32 to index
        %swap3A_322 = arith.constant 224 : index
        %swap3A_323 = tpu.vector_load %arg9[%swap3A_321, %swap3A_322] {strides = array<i32>} : memref<80x256xf32, #tpu.memory_space<vmem>>, vector<1x16xf32>,
        %swap3A_324 = vector.shape_cast %swap3A_323 : vector<1x16xf32> to vector<16xf32>
        %swap3A_325 = vector.shape_cast %add3A_320 : vector<16xf32> to vector<1x16xf32>
        tpu.vector_store %arg9[%swap3A_321, %swap3A_322], %swap3A_325 {strides = array<i32>} : memref<80x256xf32, #tpu.memory_space<vmem>>, vector<1x16xf32>,
        %get3A_326 = arith.index_cast %scan3A_117 : i32 to index
        %get3A_327 = arith.constant 240 : index
        %get3A_328 = tpu.vector_load %arg9[%get3A_326, %get3A_327] {strides = array<i32>} : memref<80x256xf32, #tpu.memory_space<vmem>>, vector<1x16xf32>,
        %get3A_329 = vector.shape_cast %get3A_328 : vector<1x16xf32> to vector<16xf32>
        %get3A_330 = arith.index_cast %scan3A_117 : i32 to index
        %get3A_331 = arith.constant 240 : index
        %get3A_332 = tpu.vector_load %arg10[%get3A_330, %get3A_331] {strides = array<i32>} : memref<80x256xf32, #tpu.memory_space<vmem>>, vector<1x16xf32>,
        %get3A_333 = vector.shape_cast %get3A_332 : vector<1x16xf32> to vector<16xf32>
        %add3A_334 = arith.addf %get3A_329, %get3A_333 : vector<16xf32>
        %swap3A_335 = arith.index_cast %scan3A_117 : i32 to index
        %swap3A_336 = arith.constant 240 : index
        %swap3A_337 = tpu.vector_load %arg9[%swap3A_335, %swap3A_336] {strides = array<i32>} : memref<80x256xf32, #tpu.memory_space<vmem>>, vector<1x16xf32>,
        %swap3A_338 = vector.shape_cast %swap3A_337 : vector<1x16xf32> to vector<16xf32>
        %swap3A_339 = vector.shape_cast %add3A_334 : vector<16xf32> to vector<1x16xf32>
        tpu.vector_store %arg9[%swap3A_335, %swap3A_336], %swap3A_339 {strides = array<i32>} : memref<80x256xf32, #tpu.memory_space<vmem>>, vector<1x16xf32>,
      }
      %scan3A_76 = arith.constant 80 : i32
      %mul3A_77 = arith.constant 80 : i32
      %mul3A_78 = arith.muli %mul3A_44, %mul3A_77 : i32
      %add3A_79 = arith.addi %mul3A_2, %mul3A_78 : i32
      "tpu.region"() ({
        %run_scoped3A = tpu.sem_alloc : memref<!tpu.dma_semaphore, #tpu.memory_space<semaphore_mem>>
        %dma_start3A_117 = arith.constant 0 : i32
        %dma_start3A_118 = tpu.memref_slice %arg6[%add3A_79, %dma_start3A_117] : memref<320000x256xf32, #tpu.memory_space<hbm>> -> memref<80x256xf32, #tpu.memory_space<hbm>>
        %dma_start3A_119 = arith.constant 0 : i32
        %dma_start3A_120 = tpu.memref_slice %arg6[%add3A_79, %dma_start3A_119] : memref<320000x256xf32, #tpu.memory_space<hbm>> -> memref<80x256xf32, #tpu.memory_space<hbm>>
        tpu.enqueue_dma source(%arg9 : memref<80x256xf32, #tpu.memory_space<vmem>>) target(%dma_start3A_120 : memref<80x256xf32, #tpu.memory_space<hbm>>) target_semaphore(%run_scoped3A : memref<!tpu.dma_semaphore, #tpu.memory_space<semaphore_mem>>)
        %dma_wait3A_121 = arith.constant 0 : i32
        %dma_wait3A_122 = tpu.memref_slice %arg6[%add3A_79, %dma_wait3A_121] : memref<320000x256xf32, #tpu.memory_space<hbm>> -> memref<80x256xf32, #tpu.memory_space<hbm>>
        %dma_wait3A_123 = arith.constant 0 : i32
        %dma_wait3A_124 = tpu.memref_slice %arg6[%add3A_79, %dma_wait3A_123] : memref<320000x256xf32, #tpu.memory_space<hbm>> -> memref<80x256xf32, #tpu.memory_space<hbm>>
        tpu.wait_dma2 semaphore(%run_scoped3A : memref<!tpu.dma_semaphore, #tpu.memory_space<semaphore_mem>>) src(%arg9 : memref<80x256xf32, #tpu.memory_space<vmem>>) dst(%dma_wait3A_124 : memref<80x256xf32, #tpu.memory_space<hbm>>)
        tpu.yield
      }) : () -> ()
      %add3A_80 = arith.constant 2 : i32
      %add3A_81 = arith.addi %mul3A_44, %add3A_80 : i32
      %dma_start3A_82 = arith.constant 0 : i32
      %dma_start3A_83 = tpu.memref_slice %arg7[%add3A_81, %dma_start3A_82] : memref<125x80xi32, #tpu.memory_space<vmem>> -> memref<1x80xi32, #tpu.memory_space<vmem>>
      %dma_start3A_84 = tpu.memref_squeeze %dma_start3A_83 : memref<1x80xi32, #tpu.memory_space<vmem>> -> memref<80xi32, #tpu.memory_space<vmem>>
      %dma_start3A_85 = arith.constant 0 : i32
      %dma_start3A_86 = arith.constant 0 : i32
      %dma_start3A_87 = tpu.memref_slice %arg2[%dma_start3A_85, %dma_start3A_86] : memref<10000x256xf32, #tpu.memory_space<hbm>> -> memref<10000x256xf32, #tpu.memory_space<hbm>>
      tpu.enqueue_indirect_dma source(%dma_start3A_87 : memref<10000x256xf32, #tpu.memory_space<hbm>>) target(%arg9 : memref<80x256xf32, #tpu.memory_space<vmem>>) offsets(%dma_start3A_84 : memref<80xi32, #tpu.memory_space<vmem>>) semaphore(%arg13 : memref<!tpu.dma_semaphore, #tpu.memory_space<semaphore_mem>>)
      %dma_start3A_88 = arith.constant 0 : i32
      %dma_start3A_89 = tpu.memref_slice %arg8[%add3A_81, %dma_start3A_88] : memref<125x80xi32, #tpu.memory_space<vmem>> -> memref<1x80xi32, #tpu.memory_space<vmem>>
      %dma_start3A_90 = tpu.memref_squeeze %dma_start3A_89 : memref<1x80xi32, #tpu.memory_space<vmem>> -> memref<80xi32, #tpu.memory_space<vmem>>
      %dma_start3A_91 = arith.constant 0 : i32
      %dma_start3A_92 = arith.constant 0 : i32
      %dma_start3A_93 = tpu.memref_slice %arg3[%dma_start3A_91, %dma_start3A_92] : memref<10000x256xf32, #tpu.memory_space<hbm>> -> memref<10000x256xf32, #tpu.memory_space<hbm>>
      tpu.enqueue_indirect_dma source(%dma_start3A_93 : memref<10000x256xf32, #tpu.memory_space<hbm>>) target(%arg10 : memref<80x256xf32, #tpu.memory_space<vmem>>) offsets(%dma_start3A_90 : memref<80xi32, #tpu.memory_space<vmem>>) semaphore(%arg14 : memref<!tpu.dma_semaphore, #tpu.memory_space<semaphore_mem>>)
      %add3A_94 = arith.constant 1 : i32
      %add3A_95 = arith.addi %mul3A_44, %add3A_94 : i32
      %dma_wait3A_96 = arith.constant 0 : i32
      %dma_wait3A_97 = tpu.memref_slice %arg7[%add3A_95, %dma_wait3A_96] : memref<125x80xi32, #tpu.memory_space<vmem>> -> memref<1x80xi32, #tpu.memory_space<vmem>>
      %dma_wait3A_98 = tpu.memref_squeeze %dma_wait3A_97 : memref<1x80xi32, #tpu.memory_space<vmem>> -> memref<80xi32, #tpu.memory_space<vmem>>
      %dma_wait3A_99 = arith.constant 0 : i32
      %dma_wait3A_100 = arith.constant 0 : i32
      %dma_wait3A_101 = tpu.memref_slice %arg2[%dma_wait3A_99, %dma_wait3A_100] : memref<10000x256xf32, #tpu.memory_space<hbm>> -> memref<10000x256xf32, #tpu.memory_space<hbm>>
      tpu.wait_indirect_dma semaphore(%arg15 : memref<!tpu.dma_semaphore, #tpu.memory_space<semaphore_mem>>) src(%dma_wait3A_101 : memref<10000x256xf32, #tpu.memory_space<hbm>>) dst(%arg11 : memref<80x256xf32, #tpu.memory_space<vmem>>)
      %dma_wait3A_102 = arith.constant 0 : i32
      %dma_wait3A_103 = tpu.memref_slice %arg8[%add3A_95, %dma_wait3A_102] : memref<125x80xi32, #tpu.memory_space<vmem>> -> memref<1x80xi32, #tpu.memory_space<vmem>>
      %dma_wait3A_104 = tpu.memref_squeeze %dma_wait3A_103 : memref<1x80xi32, #tpu.memory_space<vmem>> -> memref<80xi32, #tpu.memory_space<vmem>>
      %dma_wait3A_105 = arith.constant 0 : i32
      %dma_wait3A_106 = arith.constant 0 : i32
      %dma_wait3A_107 = tpu.memref_slice %arg3[%dma_wait3A_105, %dma_wait3A_106] : memref<10000x256xf32, #tpu.memory_space<hbm>> -> memref<10000x256xf32, #tpu.memory_space<hbm>>
      tpu.wait_indirect_dma semaphore(%arg16 : memref<!tpu.dma_semaphore, #tpu.memory_space<semaphore_mem>>) src(%dma_wait3A_107 : memref<10000x256xf32, #tpu.memory_space<hbm>>) dst(%arg12 : memref<80x256xf32, #tpu.memory_space<vmem>>)
      %scan3A_108 = arith.constant 0 : i32
      %scan3A_109 = arith.constant 0 : i32
      %scan3A_110 = arith.constant 80 : i32
      %scan3A_111 = arith.addi %scan3A_109, %scan3A_110 : i32
      %scan3A_112 = arith.constant 1 : i32
      scf.for %scan3A_117 = %scan3A_109 to %scan3A_111 step %scan3A_112  : i32 {
        %get3A = arith.index_cast %scan3A_117 : i32 to index
        %get3A_118 = arith.constant 0 : index
        %get3A_119 = tpu.vector_load %arg11[%get3A, %get3A_118] {strides = array<i32>} : memref<80x256xf32, #tpu.memory_space<vmem>>, vector<1x16xf32>,
        %get3A_120 = vector.shape_cast %get3A_119 : vector<1x16xf32> to vector<16xf32>
        %get3A_121 = arith.index_cast %scan3A_117 : i32 to index
        %get3A_122 = arith.constant 0 : index
        %get3A_123 = tpu.vector_load %arg12[%get3A_121, %get3A_122] {strides = array<i32>} : memref<80x256xf32, #tpu.memory_space<vmem>>, vector<1x16xf32>,
        %get3A_124 = vector.shape_cast %get3A_123 : vector<1x16xf32> to vector<16xf32>
        %add3A_125 = arith.addf %get3A_120, %get3A_124 : vector<16xf32>
        %swap3A = arith.index_cast %scan3A_117 : i32 to index
        %swap3A_126 = arith.constant 0 : index
        %swap3A_127 = tpu.vector_load %arg11[%swap3A, %swap3A_126] {strides = array<i32>} : memref<80x256xf32, #tpu.memory_space<vmem>>, vector<1x16xf32>,
        %swap3A_128 = vector.shape_cast %swap3A_127 : vector<1x16xf32> to vector<16xf32>
        %swap3A_129 = vector.shape_cast %add3A_125 : vector<16xf32> to vector<1x16xf32>
        tpu.vector_store %arg11[%swap3A, %swap3A_126], %swap3A_129 {strides = array<i32>} : memref<80x256xf32, #tpu.memory_space<vmem>>, vector<1x16xf32>,
        %get3A_130 = arith.index_cast %scan3A_117 : i32 to index
        %get3A_131 = arith.constant 16 : index
        %get3A_132 = tpu.vector_load %arg11[%get3A_130, %get3A_131] {strides = array<i32>} : memref<80x256xf32, #tpu.memory_space<vmem>>, vector<1x16xf32>,
        %get3A_133 = vector.shape_cast %get3A_132 : vector<1x16xf32> to vector<16xf32>
        %get3A_134 = arith.index_cast %scan3A_117 : i32 to index
        %get3A_135 = arith.constant 16 : index
        %get3A_136 = tpu.vector_load %arg12[%get3A_134, %get3A_135] {strides = array<i32>} : memref<80x256xf32, #tpu.memory_space<vmem>>, vector<1x16xf32>,
        %get3A_137 = vector.shape_cast %get3A_136 : vector<1x16xf32> to vector<16xf32>
        %add3A_138 = arith.addf %get3A_133, %get3A_137 : vector<16xf32>
        %swap3A_139 = arith.index_cast %scan3A_117 : i32 to index
        %swap3A_140 = arith.constant 16 : index
        %swap3A_141 = tpu.vector_load %arg11[%swap3A_139, %swap3A_140] {strides = array<i32>} : memref<80x256xf32, #tpu.memory_space<vmem>>, vector<1x16xf32>,
        %swap3A_142 = vector.shape_cast %swap3A_141 : vector<1x16xf32> to vector<16xf32>
        %swap3A_143 = vector.shape_cast %add3A_138 : vector<16xf32> to vector<1x16xf32>
        tpu.vector_store %arg11[%swap3A_139, %swap3A_140], %swap3A_143 {strides = array<i32>} : memref<80x256xf32, #tpu.memory_space<vmem>>, vector<1x16xf32>,
        %get3A_144 = arith.index_cast %scan3A_117 : i32 to index
        %get3A_145 = arith.constant 32 : index
        %get3A_146 = tpu.vector_load %arg11[%get3A_144, %get3A_145] {strides = array<i32>} : memref<80x256xf32, #tpu.memory_space<vmem>>, vector<1x16xf32>,
        %get3A_147 = vector.shape_cast %get3A_146 : vector<1x16xf32> to vector<16xf32>
        %get3A_148 = arith.index_cast %scan3A_117 : i32 to index
        %get3A_149 = arith.constant 32 : index
        %get3A_150 = tpu.vector_load %arg12[%get3A_148, %get3A_149] {strides = array<i32>} : memref<80x256xf32, #tpu.memory_space<vmem>>, vector<1x16xf32>,
        %get3A_151 = vector.shape_cast %get3A_150 : vector<1x16xf32> to vector<16xf32>
        %add3A_152 = arith.addf %get3A_147, %get3A_151 : vector<16xf32>
        %swap3A_153 = arith.index_cast %scan3A_117 : i32 to index
        %swap3A_154 = arith.constant 32 : index
        %swap3A_155 = tpu.vector_load %arg11[%swap3A_153, %swap3A_154] {strides = array<i32>} : memref<80x256xf32, #tpu.memory_space<vmem>>, vector<1x16xf32>,
        %swap3A_156 = vector.shape_cast %swap3A_155 : vector<1x16xf32> to vector<16xf32>
        %swap3A_157 = vector.shape_cast %add3A_152 : vector<16xf32> to vector<1x16xf32>
        tpu.vector_store %arg11[%swap3A_153, %swap3A_154], %swap3A_157 {strides = array<i32>} : memref<80x256xf32, #tpu.memory_space<vmem>>, vector<1x16xf32>,
        %get3A_158 = arith.index_cast %scan3A_117 : i32 to index
        %get3A_159 = arith.constant 48 : index
        %get3A_160 = tpu.vector_load %arg11[%get3A_158, %get3A_159] {strides = array<i32>} : memref<80x256xf32, #tpu.memory_space<vmem>>, vector<1x16xf32>,
        %get3A_161 = vector.shape_cast %get3A_160 : vector<1x16xf32> to vector<16xf32>
        %get3A_162 = arith.index_cast %scan3A_117 : i32 to index
        %get3A_163 = arith.constant 48 : index
        %get3A_164 = tpu.vector_load %arg12[%get3A_162, %get3A_163] {strides = array<i32>} : memref<80x256xf32, #tpu.memory_space<vmem>>, vector<1x16xf32>,
        %get3A_165 = vector.shape_cast %get3A_164 : vector<1x16xf32> to vector<16xf32>
        %add3A_166 = arith.addf %get3A_161, %get3A_165 : vector<16xf32>
        %swap3A_167 = arith.index_cast %scan3A_117 : i32 to index
        %swap3A_168 = arith.constant 48 : index
        %swap3A_169 = tpu.vector_load %arg11[%swap3A_167, %swap3A_168] {strides = array<i32>} : memref<80x256xf32, #tpu.memory_space<vmem>>, vector<1x16xf32>,
        %swap3A_170 = vector.shape_cast %swap3A_169 : vector<1x16xf32> to vector<16xf32>
        %swap3A_171 = vector.shape_cast %add3A_166 : vector<16xf32> to vector<1x16xf32>
        tpu.vector_store %arg11[%swap3A_167, %swap3A_168], %swap3A_171 {strides = array<i32>} : memref<80x256xf32, #tpu.memory_space<vmem>>, vector<1x16xf32>,
        %get3A_172 = arith.index_cast %scan3A_117 : i32 to index
        %get3A_173 = arith.constant 64 : index
        %get3A_174 = tpu.vector_load %arg11[%get3A_172, %get3A_173] {strides = array<i32>} : memref<80x256xf32, #tpu.memory_space<vmem>>, vector<1x16xf32>,
        %get3A_175 = vector.shape_cast %get3A_174 : vector<1x16xf32> to vector<16xf32>
        %get3A_176 = arith.index_cast %scan3A_117 : i32 to index
        %get3A_177 = arith.constant 64 : index
        %get3A_178 = tpu.vector_load %arg12[%get3A_176, %get3A_177] {strides = array<i32>} : memref<80x256xf32, #tpu.memory_space<vmem>>, vector<1x16xf32>,
        %get3A_179 = vector.shape_cast %get3A_178 : vector<1x16xf32> to vector<16xf32>
        %add3A_180 = arith.addf %get3A_175, %get3A_179 : vector<16xf32>
        %swap3A_181 = arith.index_cast %scan3A_117 : i32 to index
        %swap3A_182 = arith.constant 64 : index
        %swap3A_183 = tpu.vector_load %arg11[%swap3A_181, %swap3A_182] {strides = array<i32>} : memref<80x256xf32, #tpu.memory_space<vmem>>, vector<1x16xf32>,
        %swap3A_184 = vector.shape_cast %swap3A_183 : vector<1x16xf32> to vector<16xf32>
        %swap3A_185 = vector.shape_cast %add3A_180 : vector<16xf32> to vector<1x16xf32>
        tpu.vector_store %arg11[%swap3A_181, %swap3A_182], %swap3A_185 {strides = array<i32>} : memref<80x256xf32, #tpu.memory_space<vmem>>, vector<1x16xf32>,
        %get3A_186 = arith.index_cast %scan3A_117 : i32 to index
        %get3A_187 = arith.constant 80 : index
        %get3A_188 = tpu.vector_load %arg11[%get3A_186, %get3A_187] {strides = array<i32>} : memref<80x256xf32, #tpu.memory_space<vmem>>, vector<1x16xf32>,
        %get3A_189 = vector.shape_cast %get3A_188 : vector<1x16xf32> to vector<16xf32>
        %get3A_190 = arith.index_cast %scan3A_117 : i32 to index
        %get3A_191 = arith.constant 80 : index
        %get3A_192 = tpu.vector_load %arg12[%get3A_190, %get3A_191] {strides = array<i32>} : memref<80x256xf32, #tpu.memory_space<vmem>>, vector<1x16xf32>,
        %get3A_193 = vector.shape_cast %get3A_192 : vector<1x16xf32> to vector<16xf32>
        %add3A_194 = arith.addf %get3A_189, %get3A_193 : vector<16xf32>
        %swap3A_195 = arith.index_cast %scan3A_117 : i32 to index
        %swap3A_196 = arith.constant 80 : index
        %swap3A_197 = tpu.vector_load %arg11[%swap3A_195, %swap3A_196] {strides = array<i32>} : memref<80x256xf32, #tpu.memory_space<vmem>>, vector<1x16xf32>,
        %swap3A_198 = vector.shape_cast %swap3A_197 : vector<1x16xf32> to vector<16xf32>
        %swap3A_199 = vector.shape_cast %add3A_194 : vector<16xf32> to vector<1x16xf32>
        tpu.vector_store %arg11[%swap3A_195, %swap3A_196], %swap3A_199 {strides = array<i32>} : memref<80x256xf32, #tpu.memory_space<vmem>>, vector<1x16xf32>,
        %get3A_200 = arith.index_cast %scan3A_117 : i32 to index
        %get3A_201 = arith.constant 96 : index
        %get3A_202 = tpu.vector_load %arg11[%get3A_200, %get3A_201] {strides = array<i32>} : memref<80x256xf32, #tpu.memory_space<vmem>>, vector<1x16xf32>,
        %get3A_203 = vector.shape_cast %get3A_202 : vector<1x16xf32> to vector<16xf32>
        %get3A_204 = arith.index_cast %scan3A_117 : i32 to index
        %get3A_205 = arith.constant 96 : index
        %get3A_206 = tpu.vector_load %arg12[%get3A_204, %get3A_205] {strides = array<i32>} : memref<80x256xf32, #tpu.memory_space<vmem>>, vector<1x16xf32>,
        %get3A_207 = vector.shape_cast %get3A_206 : vector<1x16xf32> to vector<16xf32>
        %add3A_208 = arith.addf %get3A_203, %get3A_207 : vector<16xf32>
        %swap3A_209 = arith.index_cast %scan3A_117 : i32 to index
        %swap3A_210 = arith.constant 96 : index
        %swap3A_211 = tpu.vector_load %arg11[%swap3A_209, %swap3A_210] {strides = array<i32>} : memref<80x256xf32, #tpu.memory_space<vmem>>, vector<1x16xf32>,
        %swap3A_212 = vector.shape_cast %swap3A_211 : vector<1x16xf32> to vector<16xf32>
        %swap3A_213 = vector.shape_cast %add3A_208 : vector<16xf32> to vector<1x16xf32>
        tpu.vector_store %arg11[%swap3A_209, %swap3A_210], %swap3A_213 {strides = array<i32>} : memref<80x256xf32, #tpu.memory_space<vmem>>, vector<1x16xf32>,
        %get3A_214 = arith.index_cast %scan3A_117 : i32 to index
        %get3A_215 = arith.constant 112 : index
        %get3A_216 = tpu.vector_load %arg11[%get3A_214, %get3A_215] {strides = array<i32>} : memref<80x256xf32, #tpu.memory_space<vmem>>, vector<1x16xf32>,
        %get3A_217 = vector.shape_cast %get3A_216 : vector<1x16xf32> to vector<16xf32>
        %get3A_218 = arith.index_cast %scan3A_117 : i32 to index
        %get3A_219 = arith.constant 112 : index
        %get3A_220 = tpu.vector_load %arg12[%get3A_218, %get3A_219] {strides = array<i32>} : memref<80x256xf32, #tpu.memory_space<vmem>>, vector<1x16xf32>,
        %get3A_221 = vector.shape_cast %get3A_220 : vector<1x16xf32> to vector<16xf32>
        %add3A_222 = arith.addf %get3A_217, %get3A_221 : vector<16xf32>
        %swap3A_223 = arith.index_cast %scan3A_117 : i32 to index
        %swap3A_224 = arith.constant 112 : index
        %swap3A_225 = tpu.vector_load %arg11[%swap3A_223, %swap3A_224] {strides = array<i32>} : memref<80x256xf32, #tpu.memory_space<vmem>>, vector<1x16xf32>,
        %swap3A_226 = vector.shape_cast %swap3A_225 : vector<1x16xf32> to vector<16xf32>
        %swap3A_227 = vector.shape_cast %add3A_222 : vector<16xf32> to vector<1x16xf32>
        tpu.vector_store %arg11[%swap3A_223, %swap3A_224], %swap3A_227 {strides = array<i32>} : memref<80x256xf32, #tpu.memory_space<vmem>>, vector<1x16xf32>,
        %get3A_228 = arith.index_cast %scan3A_117 : i32 to index
        %get3A_229 = arith.constant 128 : index
        %get3A_230 = tpu.vector_load %arg11[%get3A_228, %get3A_229] {strides = array<i32>} : memref<80x256xf32, #tpu.memory_space<vmem>>, vector<1x16xf32>,
        %get3A_231 = vector.shape_cast %get3A_230 : vector<1x16xf32> to vector<16xf32>
        %get3A_232 = arith.index_cast %scan3A_117 : i32 to index
        %get3A_233 = arith.constant 128 : index
        %get3A_234 = tpu.vector_load %arg12[%get3A_232, %get3A_233] {strides = array<i32>} : memref<80x256xf32, #tpu.memory_space<vmem>>, vector<1x16xf32>,
        %get3A_235 = vector.shape_cast %get3A_234 : vector<1x16xf32> to vector<16xf32>
        %add3A_236 = arith.addf %get3A_231, %get3A_235 : vector<16xf32>
        %swap3A_237 = arith.index_cast %scan3A_117 : i32 to index
        %swap3A_238 = arith.constant 128 : index
        %swap3A_239 = tpu.vector_load %arg11[%swap3A_237, %swap3A_238] {strides = array<i32>} : memref<80x256xf32, #tpu.memory_space<vmem>>, vector<1x16xf32>,
        %swap3A_240 = vector.shape_cast %swap3A_239 : vector<1x16xf32> to vector<16xf32>
        %swap3A_241 = vector.shape_cast %add3A_236 : vector<16xf32> to vector<1x16xf32>
        tpu.vector_store %arg11[%swap3A_237, %swap3A_238], %swap3A_241 {strides = array<i32>} : memref<80x256xf32, #tpu.memory_space<vmem>>, vector<1x16xf32>,
        %get3A_242 = arith.index_cast %scan3A_117 : i32 to index
        %get3A_243 = arith.constant 144 : index
        %get3A_244 = tpu.vector_load %arg11[%get3A_242, %get3A_243] {strides = array<i32>} : memref<80x256xf32, #tpu.memory_space<vmem>>, vector<1x16xf32>,
        %get3A_245 = vector.shape_cast %get3A_244 : vector<1x16xf32> to vector<16xf32>
        %get3A_246 = arith.index_cast %scan3A_117 : i32 to index
        %get3A_247 = arith.constant 144 : index
        %get3A_248 = tpu.vector_load %arg12[%get3A_246, %get3A_247] {strides = array<i32>} : memref<80x256xf32, #tpu.memory_space<vmem>>, vector<1x16xf32>,
        %get3A_249 = vector.shape_cast %get3A_248 : vector<1x16xf32> to vector<16xf32>
        %add3A_250 = arith.addf %get3A_245, %get3A_249 : vector<16xf32>
        %swap3A_251 = arith.index_cast %scan3A_117 : i32 to index
        %swap3A_252 = arith.constant 144 : index
        %swap3A_253 = tpu.vector_load %arg11[%swap3A_251, %swap3A_252] {strides = array<i32>} : memref<80x256xf32, #tpu.memory_space<vmem>>, vector<1x16xf32>,
        %swap3A_254 = vector.shape_cast %swap3A_253 : vector<1x16xf32> to vector<16xf32>
        %swap3A_255 = vector.shape_cast %add3A_250 : vector<16xf32> to vector<1x16xf32>
        tpu.vector_store %arg11[%swap3A_251, %swap3A_252], %swap3A_255 {strides = array<i32>} : memref<80x256xf32, #tpu.memory_space<vmem>>, vector<1x16xf32>,
        %get3A_256 = arith.index_cast %scan3A_117 : i32 to index
        %get3A_257 = arith.constant 160 : index
        %get3A_258 = tpu.vector_load %arg11[%get3A_256, %get3A_257] {strides = array<i32>} : memref<80x256xf32, #tpu.memory_space<vmem>>, vector<1x16xf32>,
        %get3A_259 = vector.shape_cast %get3A_258 : vector<1x16xf32> to vector<16xf32>
        %get3A_260 = arith.index_cast %scan3A_117 : i32 to index
        %get3A_261 = arith.constant 160 : index
        %get3A_262 = tpu.vector_load %arg12[%get3A_260, %get3A_261] {strides = array<i32>} : memref<80x256xf32, #tpu.memory_space<vmem>>, vector<1x16xf32>,
        %get3A_263 = vector.shape_cast %get3A_262 : vector<1x16xf32> to vector<16xf32>
        %add3A_264 = arith.addf %get3A_259, %get3A_263 : vector<16xf32>
        %swap3A_265 = arith.index_cast %scan3A_117 : i32 to index
        %swap3A_266 = arith.constant 160 : index
        %swap3A_267 = tpu.vector_load %arg11[%swap3A_265, %swap3A_266] {strides = array<i32>} : memref<80x256xf32, #tpu.memory_space<vmem>>, vector<1x16xf32>,
        %swap3A_268 = vector.shape_cast %swap3A_267 : vector<1x16xf32> to vector<16xf32>
        %swap3A_269 = vector.shape_cast %add3A_264 : vector<16xf32> to vector<1x16xf32>
        tpu.vector_store %arg11[%swap3A_265, %swap3A_266], %swap3A_269 {strides = array<i32>} : memref<80x256xf32, #tpu.memory_space<vmem>>, vector<1x16xf32>,
        %get3A_270 = arith.index_cast %scan3A_117 : i32 to index
        %get3A_271 = arith.constant 176 : index
        %get3A_272 = tpu.vector_load %arg11[%get3A_270, %get3A_271] {strides = array<i32>} : memref<80x256xf32, #tpu.memory_space<vmem>>, vector<1x16xf32>,
        %get3A_273 = vector.shape_cast %get3A_272 : vector<1x16xf32> to vector<16xf32>
        %get3A_274 = arith.index_cast %scan3A_117 : i32 to index
        %get3A_275 = arith.constant 176 : index
        %get3A_276 = tpu.vector_load %arg12[%get3A_274, %get3A_275] {strides = array<i32>} : memref<80x256xf32, #tpu.memory_space<vmem>>, vector<1x16xf32>,
        %get3A_277 = vector.shape_cast %get3A_276 : vector<1x16xf32> to vector<16xf32>
        %add3A_278 = arith.addf %get3A_273, %get3A_277 : vector<16xf32>
        %swap3A_279 = arith.index_cast %scan3A_117 : i32 to index
        %swap3A_280 = arith.constant 176 : index
        %swap3A_281 = tpu.vector_load %arg11[%swap3A_279, %swap3A_280] {strides = array<i32>} : memref<80x256xf32, #tpu.memory_space<vmem>>, vector<1x16xf32>,
        %swap3A_282 = vector.shape_cast %swap3A_281 : vector<1x16xf32> to vector<16xf32>
        %swap3A_283 = vector.shape_cast %add3A_278 : vector<16xf32> to vector<1x16xf32>
        tpu.vector_store %arg11[%swap3A_279, %swap3A_280], %swap3A_283 {strides = array<i32>} : memref<80x256xf32, #tpu.memory_space<vmem>>, vector<1x16xf32>,
        %get3A_284 = arith.index_cast %scan3A_117 : i32 to index
        %get3A_285 = arith.constant 192 : index
        %get3A_286 = tpu.vector_load %arg11[%get3A_284, %get3A_285] {strides = array<i32>} : memref<80x256xf32, #tpu.memory_space<vmem>>, vector<1x16xf32>,
        %get3A_287 = vector.shape_cast %get3A_286 : vector<1x16xf32> to vector<16xf32>
        %get3A_288 = arith.index_cast %scan3A_117 : i32 to index
        %get3A_289 = arith.constant 192 : index
        %get3A_290 = tpu.vector_load %arg12[%get3A_288, %get3A_289] {strides = array<i32>} : memref<80x256xf32, #tpu.memory_space<vmem>>, vector<1x16xf32>,
        %get3A_291 = vector.shape_cast %get3A_290 : vector<1x16xf32> to vector<16xf32>
        %add3A_292 = arith.addf %get3A_287, %get3A_291 : vector<16xf32>
        %swap3A_293 = arith.index_cast %scan3A_117 : i32 to index
        %swap3A_294 = arith.constant 192 : index
        %swap3A_295 = tpu.vector_load %arg11[%swap3A_293, %swap3A_294] {strides = array<i32>} : memref<80x256xf32, #tpu.memory_space<vmem>>, vector<1x16xf32>,
        %swap3A_296 = vector.shape_cast %swap3A_295 : vector<1x16xf32> to vector<16xf32>
        %swap3A_297 = vector.shape_cast %add3A_292 : vector<16xf32> to vector<1x16xf32>
        tpu.vector_store %arg11[%swap3A_293, %swap3A_294], %swap3A_297 {strides = array<i32>} : memref<80x256xf32, #tpu.memory_space<vmem>>, vector<1x16xf32>,
        %get3A_298 = arith.index_cast %scan3A_117 : i32 to index
        %get3A_299 = arith.constant 208 : index
        %get3A_300 = tpu.vector_load %arg11[%get3A_298, %get3A_299] {strides = array<i32>} : memref<80x256xf32, #tpu.memory_space<vmem>>, vector<1x16xf32>,
        %get3A_301 = vector.shape_cast %get3A_300 : vector<1x16xf32> to vector<16xf32>
        %get3A_302 = arith.index_cast %scan3A_117 : i32 to index
        %get3A_303 = arith.constant 208 : index
        %get3A_304 = tpu.vector_load %arg12[%get3A_302, %get3A_303] {strides = array<i32>} : memref<80x256xf32, #tpu.memory_space<vmem>>, vector<1x16xf32>,
        %get3A_305 = vector.shape_cast %get3A_304 : vector<1x16xf32> to vector<16xf32>
        %add3A_306 = arith.addf %get3A_301, %get3A_305 : vector<16xf32>
        %swap3A_307 = arith.index_cast %scan3A_117 : i32 to index
        %swap3A_308 = arith.constant 208 : index
        %swap3A_309 = tpu.vector_load %arg11[%swap3A_307, %swap3A_308] {strides = array<i32>} : memref<80x256xf32, #tpu.memory_space<vmem>>, vector<1x16xf32>,
        %swap3A_310 = vector.shape_cast %swap3A_309 : vector<1x16xf32> to vector<16xf32>
        %swap3A_311 = vector.shape_cast %add3A_306 : vector<16xf32> to vector<1x16xf32>
        tpu.vector_store %arg11[%swap3A_307, %swap3A_308], %swap3A_311 {strides = array<i32>} : memref<80x256xf32, #tpu.memory_space<vmem>>, vector<1x16xf32>,
        %get3A_312 = arith.index_cast %scan3A_117 : i32 to index
        %get3A_313 = arith.constant 224 : index
        %get3A_314 = tpu.vector_load %arg11[%get3A_312, %get3A_313] {strides = array<i32>} : memref<80x256xf32, #tpu.memory_space<vmem>>, vector<1x16xf32>,
        %get3A_315 = vector.shape_cast %get3A_314 : vector<1x16xf32> to vector<16xf32>
        %get3A_316 = arith.index_cast %scan3A_117 : i32 to index
        %get3A_317 = arith.constant 224 : index
        %get3A_318 = tpu.vector_load %arg12[%get3A_316, %get3A_317] {strides = array<i32>} : memref<80x256xf32, #tpu.memory_space<vmem>>, vector<1x16xf32>,
        %get3A_319 = vector.shape_cast %get3A_318 : vector<1x16xf32> to vector<16xf32>
        %add3A_320 = arith.addf %get3A_315, %get3A_319 : vector<16xf32>
        %swap3A_321 = arith.index_cast %scan3A_117 : i32 to index
        %swap3A_322 = arith.constant 224 : index
        %swap3A_323 = tpu.vector_load %arg11[%swap3A_321, %swap3A_322] {strides = array<i32>} : memref<80x256xf32, #tpu.memory_space<vmem>>, vector<1x16xf32>,
        %swap3A_324 = vector.shape_cast %swap3A_323 : vector<1x16xf32> to vector<16xf32>
        %swap3A_325 = vector.shape_cast %add3A_320 : vector<16xf32> to vector<1x16xf32>
        tpu.vector_store %arg11[%swap3A_321, %swap3A_322], %swap3A_325 {strides = array<i32>} : memref<80x256xf32, #tpu.memory_space<vmem>>, vector<1x16xf32>,
        %get3A_326 = arith.index_cast %scan3A_117 : i32 to index
        %get3A_327 = arith.constant 240 : index
        %get3A_328 = tpu.vector_load %arg11[%get3A_326, %get3A_327] {strides = array<i32>} : memref<80x256xf32, #tpu.memory_space<vmem>>, vector<1x16xf32>,
        %get3A_329 = vector.shape_cast %get3A_328 : vector<1x16xf32> to vector<16xf32>
        %get3A_330 = arith.index_cast %scan3A_117 : i32 to index
        %get3A_331 = arith.constant 240 : index
        %get3A_332 = tpu.vector_load %arg12[%get3A_330, %get3A_331] {strides = array<i32>} : memref<80x256xf32, #tpu.memory_space<vmem>>, vector<1x16xf32>,
        %get3A_333 = vector.shape_cast %get3A_332 : vector<1x16xf32> to vector<16xf32>
        %add3A_334 = arith.addf %get3A_329, %get3A_333 : vector<16xf32>
        %swap3A_335 = arith.index_cast %scan3A_117 : i32 to index
        %swap3A_336 = arith.constant 240 : index
        %swap3A_337 = tpu.vector_load %arg11[%swap3A_335, %swap3A_336] {strides = array<i32>} : memref<80x256xf32, #tpu.memory_space<vmem>>, vector<1x16xf32>,
        %swap3A_338 = vector.shape_cast %swap3A_337 : vector<1x16xf32> to vector<16xf32>
        %swap3A_339 = vector.shape_cast %add3A_334 : vector<16xf32> to vector<1x16xf32>
        tpu.vector_store %arg11[%swap3A_335, %swap3A_336], %swap3A_339 {strides = array<i32>} : memref<80x256xf32, #tpu.memory_space<vmem>>, vector<1x16xf32>,
      }
      %scan3A_113 = arith.constant 80 : i32
      %mul3A_114 = arith.constant 80 : i32
      %mul3A_115 = arith.muli %add3A_95, %mul3A_114 : i32
      %add3A_116 = arith.addi %mul3A_2, %mul3A_115 : i32
      "tpu.region"() ({
        %run_scoped3A = tpu.sem_alloc : memref<!tpu.dma_semaphore, #tpu.memory_space<semaphore_mem>>
        %dma_start3A_117 = arith.constant 0 : i32
        %dma_start3A_118 = tpu.memref_slice %arg6[%add3A_116, %dma_start3A_117] : memref<320000x256xf32, #tpu.memory_space<hbm>> -> memref<80x256xf32, #tpu.memory_space<hbm>>
        %dma_start3A_119 = arith.constant 0 : i32
        %dma_start3A_120 = tpu.memref_slice %arg6[%add3A_116, %dma_start3A_119] : memref<320000x256xf32, #tpu.memory_space<hbm>> -> memref<80x256xf32, #tpu.memory_space<hbm>>
        tpu.enqueue_dma source(%arg11 : memref<80x256xf32, #tpu.memory_space<vmem>>) target(%dma_start3A_120 : memref<80x256xf32, #tpu.memory_space<hbm>>) target_semaphore(%run_scoped3A : memref<!tpu.dma_semaphore, #tpu.memory_space<semaphore_mem>>)
        %dma_wait3A_121 = arith.constant 0 : i32
        %dma_wait3A_122 = tpu.memref_slice %arg6[%add3A_116, %dma_wait3A_121] : memref<320000x256xf32, #tpu.memory_space<hbm>> -> memref<80x256xf32, #tpu.memory_space<hbm>>
        %dma_wait3A_123 = arith.constant 0 : i32
        %dma_wait3A_124 = tpu.memref_slice %arg6[%add3A_116, %dma_wait3A_123] : memref<320000x256xf32, #tpu.memory_space<hbm>> -> memref<80x256xf32, #tpu.memory_space<hbm>>
        tpu.wait_dma2 semaphore(%run_scoped3A : memref<!tpu.dma_semaphore, #tpu.memory_space<semaphore_mem>>) src(%arg11 : memref<80x256xf32, #tpu.memory_space<vmem>>) dst(%dma_wait3A_124 : memref<80x256xf32, #tpu.memory_space<hbm>>)
        tpu.yield
      }) : () -> ()
    }
    %scan3A_20 = arith.constant 62 : i32
    %dma_wait3A = arith.constant 124 : i32
    %dma_wait3A_21 = arith.constant 0 : i32
    %dma_wait3A_22 = tpu.memref_slice %arg7[%dma_wait3A, %dma_wait3A_21] : memref<125x80xi32, #tpu.memory_space<vmem>> -> memref<1x80xi32, #tpu.memory_space<vmem>>
    %dma_wait3A_23 = tpu.memref_squeeze %dma_wait3A_22 : memref<1x80xi32, #tpu.memory_space<vmem>> -> memref<80xi32, #tpu.memory_space<vmem>>
    %dma_wait3A_24 = arith.constant 0 : i32
    %dma_wait3A_25 = arith.constant 0 : i32
    %dma_wait3A_26 = tpu.memref_slice %arg2[%dma_wait3A_24, %dma_wait3A_25] : memref<10000x256xf32, #tpu.memory_space<hbm>> -> memref<10000x256xf32, #tpu.memory_space<hbm>>
    tpu.wait_indirect_dma semaphore(%arg13 : memref<!tpu.dma_semaphore, #tpu.memory_space<semaphore_mem>>) src(%dma_wait3A_26 : memref<10000x256xf32, #tpu.memory_space<hbm>>) dst(%arg9 : memref<80x256xf32, #tpu.memory_space<vmem>>)
    %dma_wait3A_27 = arith.constant 124 : i32
    %dma_wait3A_28 = arith.constant 0 : i32
    %dma_wait3A_29 = tpu.memref_slice %arg8[%dma_wait3A_27, %dma_wait3A_28] : memref<125x80xi32, #tpu.memory_space<vmem>> -> memref<1x80xi32, #tpu.memory_space<vmem>>
    %dma_wait3A_30 = tpu.memref_squeeze %dma_wait3A_29 : memref<1x80xi32, #tpu.memory_space<vmem>> -> memref<80xi32, #tpu.memory_space<vmem>>
    %dma_wait3A_31 = arith.constant 0 : i32
    %dma_wait3A_32 = arith.constant 0 : i32
    %dma_wait3A_33 = tpu.memref_slice %arg3[%dma_wait3A_31, %dma_wait3A_32] : memref<10000x256xf32, #tpu.memory_space<hbm>> -> memref<10000x256xf32, #tpu.memory_space<hbm>>
    tpu.wait_indirect_dma semaphore(%arg14 : memref<!tpu.dma_semaphore, #tpu.memory_space<semaphore_mem>>) src(%dma_wait3A_33 : memref<10000x256xf32, #tpu.memory_space<hbm>>) dst(%arg10 : memref<80x256xf32, #tpu.memory_space<vmem>>)
    %scan3A_34 = arith.constant 0 : i32
    %scan3A_35 = arith.constant 0 : i32
    %scan3A_36 = arith.constant 80 : i32
    %scan3A_37 = arith.addi %scan3A_35, %scan3A_36 : i32
    %scan3A_38 = arith.constant 1 : i32
    scf.for %scan3A_42 = %scan3A_35 to %scan3A_37 step %scan3A_38  : i32 {
      %get3A = arith.index_cast %scan3A_42 : i32 to index
      %get3A_43 = arith.constant 0 : index
      %get3A_44 = tpu.vector_load %arg9[%get3A, %get3A_43] {strides = array<i32>} : memref<80x256xf32, #tpu.memory_space<vmem>>, vector<1x16xf32>,
      %get3A_45 = vector.shape_cast %get3A_44 : vector<1x16xf32> to vector<16xf32>
      %get3A_46 = arith.index_cast %scan3A_42 : i32 to index
      %get3A_47 = arith.constant 0 : index
      %get3A_48 = tpu.vector_load %arg10[%get3A_46, %get3A_47] {strides = array<i32>} : memref<80x256xf32, #tpu.memory_space<vmem>>, vector<1x16xf32>,
      %get3A_49 = vector.shape_cast %get3A_48 : vector<1x16xf32> to vector<16xf32>
      %add3A_50 = arith.addf %get3A_45, %get3A_49 : vector<16xf32>
      %swap3A = arith.index_cast %scan3A_42 : i32 to index
      %swap3A_51 = arith.constant 0 : index
      %swap3A_52 = tpu.vector_load %arg9[%swap3A, %swap3A_51] {strides = array<i32>} : memref<80x256xf32, #tpu.memory_space<vmem>>, vector<1x16xf32>,
      %swap3A_53 = vector.shape_cast %swap3A_52 : vector<1x16xf32> to vector<16xf32>
      %swap3A_54 = vector.shape_cast %add3A_50 : vector<16xf32> to vector<1x16xf32>
      tpu.vector_store %arg9[%swap3A, %swap3A_51], %swap3A_54 {strides = array<i32>} : memref<80x256xf32, #tpu.memory_space<vmem>>, vector<1x16xf32>,
      %get3A_55 = arith.index_cast %scan3A_42 : i32 to index
      %get3A_56 = arith.constant 16 : index
      %get3A_57 = tpu.vector_load %arg9[%get3A_55, %get3A_56] {strides = array<i32>} : memref<80x256xf32, #tpu.memory_space<vmem>>, vector<1x16xf32>,
      %get3A_58 = vector.shape_cast %get3A_57 : vector<1x16xf32> to vector<16xf32>
      %get3A_59 = arith.index_cast %scan3A_42 : i32 to index
      %get3A_60 = arith.constant 16 : index
      %get3A_61 = tpu.vector_load %arg10[%get3A_59, %get3A_60] {strides = array<i32>} : memref<80x256xf32, #tpu.memory_space<vmem>>, vector<1x16xf32>,
      %get3A_62 = vector.shape_cast %get3A_61 : vector<1x16xf32> to vector<16xf32>
      %add3A_63 = arith.addf %get3A_58, %get3A_62 : vector<16xf32>
      %swap3A_64 = arith.index_cast %scan3A_42 : i32 to index
      %swap3A_65 = arith.constant 16 : index
      %swap3A_66 = tpu.vector_load %arg9[%swap3A_64, %swap3A_65] {strides = array<i32>} : memref<80x256xf32, #tpu.memory_space<vmem>>, vector<1x16xf32>,
      %swap3A_67 = vector.shape_cast %swap3A_66 : vector<1x16xf32> to vector<16xf32>
      %swap3A_68 = vector.shape_cast %add3A_63 : vector<16xf32> to vector<1x16xf32>
      tpu.vector_store %arg9[%swap3A_64, %swap3A_65], %swap3A_68 {strides = array<i32>} : memref<80x256xf32, #tpu.memory_space<vmem>>, vector<1x16xf32>,
      %get3A_69 = arith.index_cast %scan3A_42 : i32 to index
      %get3A_70 = arith.constant 32 : index
      %get3A_71 = tpu.vector_load %arg9[%get3A_69, %get3A_70] {strides = array<i32>} : memref<80x256xf32, #tpu.memory_space<vmem>>, vector<1x16xf32>,
      %get3A_72 = vector.shape_cast %get3A_71 : vector<1x16xf32> to vector<16xf32>
      %get3A_73 = arith.index_cast %scan3A_42 : i32 to index
      %get3A_74 = arith.constant 32 : index
      %get3A_75 = tpu.vector_load %arg10[%get3A_73, %get3A_74] {strides = array<i32>} : memref<80x256xf32, #tpu.memory_space<vmem>>, vector<1x16xf32>,
      %get3A_76 = vector.shape_cast %get3A_75 : vector<1x16xf32> to vector<16xf32>
      %add3A_77 = arith.addf %get3A_72, %get3A_76 : vector<16xf32>
      %swap3A_78 = arith.index_cast %scan3A_42 : i32 to index
      %swap3A_79 = arith.constant 32 : index
      %swap3A_80 = tpu.vector_load %arg9[%swap3A_78, %swap3A_79] {strides = array<i32>} : memref<80x256xf32, #tpu.memory_space<vmem>>, vector<1x16xf32>,
      %swap3A_81 = vector.shape_cast %swap3A_80 : vector<1x16xf32> to vector<16xf32>
      %swap3A_82 = vector.shape_cast %add3A_77 : vector<16xf32> to vector<1x16xf32>
      tpu.vector_store %arg9[%swap3A_78, %swap3A_79], %swap3A_82 {strides = array<i32>} : memref<80x256xf32, #tpu.memory_space<vmem>>, vector<1x16xf32>,
      %get3A_83 = arith.index_cast %scan3A_42 : i32 to index
      %get3A_84 = arith.constant 48 : index
      %get3A_85 = tpu.vector_load %arg9[%get3A_83, %get3A_84] {strides = array<i32>} : memref<80x256xf32, #tpu.memory_space<vmem>>, vector<1x16xf32>,
      %get3A_86 = vector.shape_cast %get3A_85 : vector<1x16xf32> to vector<16xf32>
      %get3A_87 = arith.index_cast %scan3A_42 : i32 to index
      %get3A_88 = arith.constant 48 : index
      %get3A_89 = tpu.vector_load %arg10[%get3A_87, %get3A_88] {strides = array<i32>} : memref<80x256xf32, #tpu.memory_space<vmem>>, vector<1x16xf32>,
      %get3A_90 = vector.shape_cast %get3A_89 : vector<1x16xf32> to vector<16xf32>
      %add3A_91 = arith.addf %get3A_86, %get3A_90 : vector<16xf32>
      %swap3A_92 = arith.index_cast %scan3A_42 : i32 to index
      %swap3A_93 = arith.constant 48 : index
      %swap3A_94 = tpu.vector_load %arg9[%swap3A_92, %swap3A_93] {strides = array<i32>} : memref<80x256xf32, #tpu.memory_space<vmem>>, vector<1x16xf32>,
      %swap3A_95 = vector.shape_cast %swap3A_94 : vector<1x16xf32> to vector<16xf32>
      %swap3A_96 = vector.shape_cast %add3A_91 : vector<16xf32> to vector<1x16xf32>
      tpu.vector_store %arg9[%swap3A_92, %swap3A_93], %swap3A_96 {strides = array<i32>} : memref<80x256xf32, #tpu.memory_space<vmem>>, vector<1x16xf32>,
      %get3A_97 = arith.index_cast %scan3A_42 : i32 to index
      %get3A_98 = arith.constant 64 : index
      %get3A_99 = tpu.vector_load %arg9[%get3A_97, %get3A_98] {strides = array<i32>} : memref<80x256xf32, #tpu.memory_space<vmem>>, vector<1x16xf32>,
      %get3A_100 = vector.shape_cast %get3A_99 : vector<1x16xf32> to vector<16xf32>
      %get3A_101 = arith.index_cast %scan3A_42 : i32 to index
      %get3A_102 = arith.constant 64 : index
      %get3A_103 = tpu.vector_load %arg10[%get3A_101, %get3A_102] {strides = array<i32>} : memref<80x256xf32, #tpu.memory_space<vmem>>, vector<1x16xf32>,
      %get3A_104 = vector.shape_cast %get3A_103 : vector<1x16xf32> to vector<16xf32>
      %add3A_105 = arith.addf %get3A_100, %get3A_104 : vector<16xf32>
      %swap3A_106 = arith.index_cast %scan3A_42 : i32 to index
      %swap3A_107 = arith.constant 64 : index
      %swap3A_108 = tpu.vector_load %arg9[%swap3A_106, %swap3A_107] {strides = array<i32>} : memref<80x256xf32, #tpu.memory_space<vmem>>, vector<1x16xf32>,
      %swap3A_109 = vector.shape_cast %swap3A_108 : vector<1x16xf32> to vector<16xf32>
      %swap3A_110 = vector.shape_cast %add3A_105 : vector<16xf32> to vector<1x16xf32>
      tpu.vector_store %arg9[%swap3A_106, %swap3A_107], %swap3A_110 {strides = array<i32>} : memref<80x256xf32, #tpu.memory_space<vmem>>, vector<1x16xf32>,
      %get3A_111 = arith.index_cast %scan3A_42 : i32 to index
      %get3A_112 = arith.constant 80 : index
      %get3A_113 = tpu.vector_load %arg9[%get3A_111, %get3A_112] {strides = array<i32>} : memref<80x256xf32, #tpu.memory_space<vmem>>, vector<1x16xf32>,
      %get3A_114 = vector.shape_cast %get3A_113 : vector<1x16xf32> to vector<16xf32>
      %get3A_115 = arith.index_cast %scan3A_42 : i32 to index
      %get3A_116 = arith.constant 80 : index
      %get3A_117 = tpu.vector_load %arg10[%get3A_115, %get3A_116] {strides = array<i32>} : memref<80x256xf32, #tpu.memory_space<vmem>>, vector<1x16xf32>,
      %get3A_118 = vector.shape_cast %get3A_117 : vector<1x16xf32> to vector<16xf32>
      %add3A_119 = arith.addf %get3A_114, %get3A_118 : vector<16xf32>
      %swap3A_120 = arith.index_cast %scan3A_42 : i32 to index
      %swap3A_121 = arith.constant 80 : index
      %swap3A_122 = tpu.vector_load %arg9[%swap3A_120, %swap3A_121] {strides = array<i32>} : memref<80x256xf32, #tpu.memory_space<vmem>>, vector<1x16xf32>,
      %swap3A_123 = vector.shape_cast %swap3A_122 : vector<1x16xf32> to vector<16xf32>
      %swap3A_124 = vector.shape_cast %add3A_119 : vector<16xf32> to vector<1x16xf32>
      tpu.vector_store %arg9[%swap3A_120, %swap3A_121], %swap3A_124 {strides = array<i32>} : memref<80x256xf32, #tpu.memory_space<vmem>>, vector<1x16xf32>,
      %get3A_125 = arith.index_cast %scan3A_42 : i32 to index
      %get3A_126 = arith.constant 96 : index
      %get3A_127 = tpu.vector_load %arg9[%get3A_125, %get3A_126] {strides = array<i32>} : memref<80x256xf32, #tpu.memory_space<vmem>>, vector<1x16xf32>,
      %get3A_128 = vector.shape_cast %get3A_127 : vector<1x16xf32> to vector<16xf32>
      %get3A_129 = arith.index_cast %scan3A_42 : i32 to index
      %get3A_130 = arith.constant 96 : index
      %get3A_131 = tpu.vector_load %arg10[%get3A_129, %get3A_130] {strides = array<i32>} : memref<80x256xf32, #tpu.memory_space<vmem>>, vector<1x16xf32>,
      %get3A_132 = vector.shape_cast %get3A_131 : vector<1x16xf32> to vector<16xf32>
      %add3A_133 = arith.addf %get3A_128, %get3A_132 : vector<16xf32>
      %swap3A_134 = arith.index_cast %scan3A_42 : i32 to index
      %swap3A_135 = arith.constant 96 : index
      %swap3A_136 = tpu.vector_load %arg9[%swap3A_134, %swap3A_135] {strides = array<i32>} : memref<80x256xf32, #tpu.memory_space<vmem>>, vector<1x16xf32>,
      %swap3A_137 = vector.shape_cast %swap3A_136 : vector<1x16xf32> to vector<16xf32>
      %swap3A_138 = vector.shape_cast %add3A_133 : vector<16xf32> to vector<1x16xf32>
      tpu.vector_store %arg9[%swap3A_134, %swap3A_135], %swap3A_138 {strides = array<i32>} : memref<80x256xf32, #tpu.memory_space<vmem>>, vector<1x16xf32>,
      %get3A_139 = arith.index_cast %scan3A_42 : i32 to index
      %get3A_140 = arith.constant 112 : index
      %get3A_141 = tpu.vector_load %arg9[%get3A_139, %get3A_140] {strides = array<i32>} : memref<80x256xf32, #tpu.memory_space<vmem>>, vector<1x16xf32>,
      %get3A_142 = vector.shape_cast %get3A_141 : vector<1x16xf32> to vector<16xf32>
      %get3A_143 = arith.index_cast %scan3A_42 : i32 to index
      %get3A_144 = arith.constant 112 : index
      %get3A_145 = tpu.vector_load %arg10[%get3A_143, %get3A_144] {strides = array<i32>} : memref<80x256xf32, #tpu.memory_space<vmem>>, vector<1x16xf32>,
      %get3A_146 = vector.shape_cast %get3A_145 : vector<1x16xf32> to vector<16xf32>
      %add3A_147 = arith.addf %get3A_142, %get3A_146 : vector<16xf32>
      %swap3A_148 = arith.index_cast %scan3A_42 : i32 to index
      %swap3A_149 = arith.constant 112 : index
      %swap3A_150 = tpu.vector_load %arg9[%swap3A_148, %swap3A_149] {strides = array<i32>} : memref<80x256xf32, #tpu.memory_space<vmem>>, vector<1x16xf32>,
      %swap3A_151 = vector.shape_cast %swap3A_150 : vector<1x16xf32> to vector<16xf32>
      %swap3A_152 = vector.shape_cast %add3A_147 : vector<16xf32> to vector<1x16xf32>
      tpu.vector_store %arg9[%swap3A_148, %swap3A_149], %swap3A_152 {strides = array<i32>} : memref<80x256xf32, #tpu.memory_space<vmem>>, vector<1x16xf32>,
      %get3A_153 = arith.index_cast %scan3A_42 : i32 to index
      %get3A_154 = arith.constant 128 : index
      %get3A_155 = tpu.vector_load %arg9[%get3A_153, %get3A_154] {strides = array<i32>} : memref<80x256xf32, #tpu.memory_space<vmem>>, vector<1x16xf32>,
      %get3A_156 = vector.shape_cast %get3A_155 : vector<1x16xf32> to vector<16xf32>
      %get3A_157 = arith.index_cast %scan3A_42 : i32 to index
      %get3A_158 = arith.constant 128 : index
      %get3A_159 = tpu.vector_load %arg10[%get3A_157, %get3A_158] {strides = array<i32>} : memref<80x256xf32, #tpu.memory_space<vmem>>, vector<1x16xf32>,
      %get3A_160 = vector.shape_cast %get3A_159 : vector<1x16xf32> to vector<16xf32>
      %add3A_161 = arith.addf %get3A_156, %get3A_160 : vector<16xf32>
      %swap3A_162 = arith.index_cast %scan3A_42 : i32 to index
      %swap3A_163 = arith.constant 128 : index
      %swap3A_164 = tpu.vector_load %arg9[%swap3A_162, %swap3A_163] {strides = array<i32>} : memref<80x256xf32, #tpu.memory_space<vmem>>, vector<1x16xf32>,
      %swap3A_165 = vector.shape_cast %swap3A_164 : vector<1x16xf32> to vector<16xf32>
      %swap3A_166 = vector.shape_cast %add3A_161 : vector<16xf32> to vector<1x16xf32>
      tpu.vector_store %arg9[%swap3A_162, %swap3A_163], %swap3A_166 {strides = array<i32>} : memref<80x256xf32, #tpu.memory_space<vmem>>, vector<1x16xf32>,
      %get3A_167 = arith.index_cast %scan3A_42 : i32 to index
      %get3A_168 = arith.constant 144 : index
      %get3A_169 = tpu.vector_load %arg9[%get3A_167, %get3A_168] {strides = array<i32>} : memref<80x256xf32, #tpu.memory_space<vmem>>, vector<1x16xf32>,
      %get3A_170 = vector.shape_cast %get3A_169 : vector<1x16xf32> to vector<16xf32>
      %get3A_171 = arith.index_cast %scan3A_42 : i32 to index
      %get3A_172 = arith.constant 144 : index
      %get3A_173 = tpu.vector_load %arg10[%get3A_171, %get3A_172] {strides = array<i32>} : memref<80x256xf32, #tpu.memory_space<vmem>>, vector<1x16xf32>,
      %get3A_174 = vector.shape_cast %get3A_173 : vector<1x16xf32> to vector<16xf32>
      %add3A_175 = arith.addf %get3A_170, %get3A_174 : vector<16xf32>
      %swap3A_176 = arith.index_cast %scan3A_42 : i32 to index
      %swap3A_177 = arith.constant 144 : index
      %swap3A_178 = tpu.vector_load %arg9[%swap3A_176, %swap3A_177] {strides = array<i32>} : memref<80x256xf32, #tpu.memory_space<vmem>>, vector<1x16xf32>,
      %swap3A_179 = vector.shape_cast %swap3A_178 : vector<1x16xf32> to vector<16xf32>
      %swap3A_180 = vector.shape_cast %add3A_175 : vector<16xf32> to vector<1x16xf32>
      tpu.vector_store %arg9[%swap3A_176, %swap3A_177], %swap3A_180 {strides = array<i32>} : memref<80x256xf32, #tpu.memory_space<vmem>>, vector<1x16xf32>,
      %get3A_181 = arith.index_cast %scan3A_42 : i32 to index
      %get3A_182 = arith.constant 160 : index
      %get3A_183 = tpu.vector_load %arg9[%get3A_181, %get3A_182] {strides = array<i32>} : memref<80x256xf32, #tpu.memory_space<vmem>>, vector<1x16xf32>,
      %get3A_184 = vector.shape_cast %get3A_183 : vector<1x16xf32> to vector<16xf32>
      %get3A_185 = arith.index_cast %scan3A_42 : i32 to index
      %get3A_186 = arith.constant 160 : index
      %get3A_187 = tpu.vector_load %arg10[%get3A_185, %get3A_186] {strides = array<i32>} : memref<80x256xf32, #tpu.memory_space<vmem>>, vector<1x16xf32>,
      %get3A_188 = vector.shape_cast %get3A_187 : vector<1x16xf32> to vector<16xf32>
      %add3A_189 = arith.addf %get3A_184, %get3A_188 : vector<16xf32>
      %swap3A_190 = arith.index_cast %scan3A_42 : i32 to index
      %swap3A_191 = arith.constant 160 : index
      %swap3A_192 = tpu.vector_load %arg9[%swap3A_190, %swap3A_191] {strides = array<i32>} : memref<80x256xf32, #tpu.memory_space<vmem>>, vector<1x16xf32>,
      %swap3A_193 = vector.shape_cast %swap3A_192 : vector<1x16xf32> to vector<16xf32>
      %swap3A_194 = vector.shape_cast %add3A_189 : vector<16xf32> to vector<1x16xf32>
      tpu.vector_store %arg9[%swap3A_190, %swap3A_191], %swap3A_194 {strides = array<i32>} : memref<80x256xf32, #tpu.memory_space<vmem>>, vector<1x16xf32>,
      %get3A_195 = arith.index_cast %scan3A_42 : i32 to index
      %get3A_196 = arith.constant 176 : index
      %get3A_197 = tpu.vector_load %arg9[%get3A_195, %get3A_196] {strides = array<i32>} : memref<80x256xf32, #tpu.memory_space<vmem>>, vector<1x16xf32>,
      %get3A_198 = vector.shape_cast %get3A_197 : vector<1x16xf32> to vector<16xf32>
      %get3A_199 = arith.index_cast %scan3A_42 : i32 to index
      %get3A_200 = arith.constant 176 : index
      %get3A_201 = tpu.vector_load %arg10[%get3A_199, %get3A_200] {strides = array<i32>} : memref<80x256xf32, #tpu.memory_space<vmem>>, vector<1x16xf32>,
      %get3A_202 = vector.shape_cast %get3A_201 : vector<1x16xf32> to vector<16xf32>
      %add3A_203 = arith.addf %get3A_198, %get3A_202 : vector<16xf32>
      %swap3A_204 = arith.index_cast %scan3A_42 : i32 to index
      %swap3A_205 = arith.constant 176 : index
      %swap3A_206 = tpu.vector_load %arg9[%swap3A_204, %swap3A_205] {strides = array<i32>} : memref<80x256xf32, #tpu.memory_space<vmem>>, vector<1x16xf32>,
      %swap3A_207 = vector.shape_cast %swap3A_206 : vector<1x16xf32> to vector<16xf32>
      %swap3A_208 = vector.shape_cast %add3A_203 : vector<16xf32> to vector<1x16xf32>
      tpu.vector_store %arg9[%swap3A_204, %swap3A_205], %swap3A_208 {strides = array<i32>} : memref<80x256xf32, #tpu.memory_space<vmem>>, vector<1x16xf32>,
      %get3A_209 = arith.index_cast %scan3A_42 : i32 to index
      %get3A_210 = arith.constant 192 : index
      %get3A_211 = tpu.vector_load %arg9[%get3A_209, %get3A_210] {strides = array<i32>} : memref<80x256xf32, #tpu.memory_space<vmem>>, vector<1x16xf32>,
      %get3A_212 = vector.shape_cast %get3A_211 : vector<1x16xf32> to vector<16xf32>
      %get3A_213 = arith.index_cast %scan3A_42 : i32 to index
      %get3A_214 = arith.constant 192 : index
      %get3A_215 = tpu.vector_load %arg10[%get3A_213, %get3A_214] {strides = array<i32>} : memref<80x256xf32, #tpu.memory_space<vmem>>, vector<1x16xf32>,
      %get3A_216 = vector.shape_cast %get3A_215 : vector<1x16xf32> to vector<16xf32>
      %add3A_217 = arith.addf %get3A_212, %get3A_216 : vector<16xf32>
      %swap3A_218 = arith.index_cast %scan3A_42 : i32 to index
      %swap3A_219 = arith.constant 192 : index
      %swap3A_220 = tpu.vector_load %arg9[%swap3A_218, %swap3A_219] {strides = array<i32>} : memref<80x256xf32, #tpu.memory_space<vmem>>, vector<1x16xf32>,
      %swap3A_221 = vector.shape_cast %swap3A_220 : vector<1x16xf32> to vector<16xf32>
      %swap3A_222 = vector.shape_cast %add3A_217 : vector<16xf32> to vector<1x16xf32>
      tpu.vector_store %arg9[%swap3A_218, %swap3A_219], %swap3A_222 {strides = array<i32>} : memref<80x256xf32, #tpu.memory_space<vmem>>, vector<1x16xf32>,
      %get3A_223 = arith.index_cast %scan3A_42 : i32 to index
      %get3A_224 = arith.constant 208 : index
      %get3A_225 = tpu.vector_load %arg9[%get3A_223, %get3A_224] {strides = array<i32>} : memref<80x256xf32, #tpu.memory_space<vmem>>, vector<1x16xf32>,
      %get3A_226 = vector.shape_cast %get3A_225 : vector<1x16xf32> to vector<16xf32>
      %get3A_227 = arith.index_cast %scan3A_42 : i32 to index
      %get3A_228 = arith.constant 208 : index
      %get3A_229 = tpu.vector_load %arg10[%get3A_227, %get3A_228] {strides = array<i32>} : memref<80x256xf32, #tpu.memory_space<vmem>>, vector<1x16xf32>,
      %get3A_230 = vector.shape_cast %get3A_229 : vector<1x16xf32> to vector<16xf32>
      %add3A_231 = arith.addf %get3A_226, %get3A_230 : vector<16xf32>
      %swap3A_232 = arith.index_cast %scan3A_42 : i32 to index
      %swap3A_233 = arith.constant 208 : index
      %swap3A_234 = tpu.vector_load %arg9[%swap3A_232, %swap3A_233] {strides = array<i32>} : memref<80x256xf32, #tpu.memory_space<vmem>>, vector<1x16xf32>,
      %swap3A_235 = vector.shape_cast %swap3A_234 : vector<1x16xf32> to vector<16xf32>
      %swap3A_236 = vector.shape_cast %add3A_231 : vector<16xf32> to vector<1x16xf32>
      tpu.vector_store %arg9[%swap3A_232, %swap3A_233], %swap3A_236 {strides = array<i32>} : memref<80x256xf32, #tpu.memory_space<vmem>>, vector<1x16xf32>,
      %get3A_237 = arith.index_cast %scan3A_42 : i32 to index
      %get3A_238 = arith.constant 224 : index
      %get3A_239 = tpu.vector_load %arg9[%get3A_237, %get3A_238] {strides = array<i32>} : memref<80x256xf32, #tpu.memory_space<vmem>>, vector<1x16xf32>,
      %get3A_240 = vector.shape_cast %get3A_239 : vector<1x16xf32> to vector<16xf32>
      %get3A_241 = arith.index_cast %scan3A_42 : i32 to index
      %get3A_242 = arith.constant 224 : index
      %get3A_243 = tpu.vector_load %arg10[%get3A_241, %get3A_242] {strides = array<i32>} : memref<80x256xf32, #tpu.memory_space<vmem>>, vector<1x16xf32>,
      %get3A_244 = vector.shape_cast %get3A_243 : vector<1x16xf32> to vector<16xf32>
      %add3A_245 = arith.addf %get3A_240, %get3A_244 : vector<16xf32>
      %swap3A_246 = arith.index_cast %scan3A_42 : i32 to index
      %swap3A_247 = arith.constant 224 : index
      %swap3A_248 = tpu.vector_load %arg9[%swap3A_246, %swap3A_247] {strides = array<i32>} : memref<80x256xf32, #tpu.memory_space<vmem>>, vector<1x16xf32>,
      %swap3A_249 = vector.shape_cast %swap3A_248 : vector<1x16xf32> to vector<16xf32>
      %swap3A_250 = vector.shape_cast %add3A_245 : vector<16xf32> to vector<1x16xf32>
      tpu.vector_store %arg9[%swap3A_246, %swap3A_247], %swap3A_250 {strides = array<i32>} : memref<80x256xf32, #tpu.memory_space<vmem>>, vector<1x16xf32>,
      %get3A_251 = arith.index_cast %scan3A_42 : i32 to index
      %get3A_252 = arith.constant 240 : index
      %get3A_253 = tpu.vector_load %arg9[%get3A_251, %get3A_252] {strides = array<i32>} : memref<80x256xf32, #tpu.memory_space<vmem>>, vector<1x16xf32>,
      %get3A_254 = vector.shape_cast %get3A_253 : vector<1x16xf32> to vector<16xf32>
      %get3A_255 = arith.index_cast %scan3A_42 : i32 to index
      %get3A_256 = arith.constant 240 : index
      %get3A_257 = tpu.vector_load %arg10[%get3A_255, %get3A_256] {strides = array<i32>} : memref<80x256xf32, #tpu.memory_space<vmem>>, vector<1x16xf32>,
      %get3A_258 = vector.shape_cast %get3A_257 : vector<1x16xf32> to vector<16xf32>
      %add3A_259 = arith.addf %get3A_254, %get3A_258 : vector<16xf32>
      %swap3A_260 = arith.index_cast %scan3A_42 : i32 to index
      %swap3A_261 = arith.constant 240 : index
      %swap3A_262 = tpu.vector_load %arg9[%swap3A_260, %swap3A_261] {strides = array<i32>} : memref<80x256xf32, #tpu.memory_space<vmem>>, vector<1x16xf32>,
      %swap3A_263 = vector.shape_cast %swap3A_262 : vector<1x16xf32> to vector<16xf32>
      %swap3A_264 = vector.shape_cast %add3A_259 : vector<16xf32> to vector<1x16xf32>
      tpu.vector_store %arg9[%swap3A_260, %swap3A_261], %swap3A_264 {strides = array<i32>} : memref<80x256xf32, #tpu.memory_space<vmem>>, vector<1x16xf32>,
    }
    %scan3A_39 = arith.constant 80 : i32
    %add3A_40 = arith.constant 9920 : i32
    %add3A_41 = arith.addi %mul3A_2, %add3A_40 : i32
    "tpu.region"() ({
      %run_scoped3A = tpu.sem_alloc : memref<!tpu.dma_semaphore, #tpu.memory_space<semaphore_mem>>
      %dma_start3A_42 = arith.constant 0 : i32
      %dma_start3A_43 = tpu.memref_slice %arg6[%add3A_41, %dma_start3A_42] : memref<320000x256xf32, #tpu.memory_space<hbm>> -> memref<80x256xf32, #tpu.memory_space<hbm>>
      %dma_start3A_44 = arith.constant 0 : i32
      %dma_start3A_45 = tpu.memref_slice %arg6[%add3A_41, %dma_start3A_44] : memref<320000x256xf32, #tpu.memory_space<hbm>> -> memref<80x256xf32, #tpu.memory_space<hbm>>
      tpu.enqueue_dma source(%arg9 : memref<80x256xf32, #tpu.memory_space<vmem>>) target(%dma_start3A_45 : memref<80x256xf32, #tpu.memory_space<hbm>>) target_semaphore(%run_scoped3A : memref<!tpu.dma_semaphore, #tpu.memory_space<semaphore_mem>>)
      %dma_wait3A_46 = arith.constant 0 : i32
      %dma_wait3A_47 = tpu.memref_slice %arg6[%add3A_41, %dma_wait3A_46] : memref<320000x256xf32, #tpu.memory_space<hbm>> -> memref<80x256xf32, #tpu.memory_space<hbm>>
      %dma_wait3A_48 = arith.constant 0 : i32
      %dma_wait3A_49 = tpu.memref_slice %arg6[%add3A_41, %dma_wait3A_48] : memref<320000x256xf32, #tpu.memory_space<hbm>> -> memref<80x256xf32, #tpu.memory_space<hbm>>
      tpu.wait_dma2 semaphore(%run_scoped3A : memref<!tpu.dma_semaphore, #tpu.memory_space<semaphore_mem>>) src(%arg9 : memref<80x256xf32, #tpu.memory_space<vmem>>) dst(%dma_wait3A_49 : memref<80x256xf32, #tpu.memory_space<hbm>>)
      tpu.yield
    }) : () -> ()
    return
  }
}

#map = affine_map<(d0, d1) -> (0, 0)>
#map1 = affine_map<(d0, d1) -> (0, 0, 0)>
module attributes {stable_mosaic.version = 14 : i64} {
  func.func @_scatter_body(%arg0: i32, %arg1: i32, %arg2: memref<320000x128xf32, #tpu.memory_space<hbm>>, %arg3: memref<32x125x80xi32, #tpu.memory_space<hbm>>, %arg4: memref<2x10240x128xf32, #tpu.memory_space<hbm>>, %arg5: memref<125x80xi32, #tpu.memory_space<vmem>>, %arg6: memref<80x128xf32, #tpu.memory_space<vmem>>, %arg7: memref<128x128xf32, #tpu.memory_space<vmem>>, %arg8: memref<10240x128xf32, #tpu.memory_space<vmem_shared>>) attributes {dimension_semantics = [#tpu.dimension_semantics<core_parallel>, #tpu.dimension_semantics<subcore_parallel>], iteration_bounds = array<i64: 2, 16>, scalar_prefetch = 0 : i64, scratch_operands = 4 : i64, tpu.core_type = #tpu.core_type<sc_vector_subcore>, window_params = [{transform_indices = #map}, {transform_indices = #map1}, {transform_indices = #map1}]} {
    %mul3A = arith.constant 16 : i32
    %mul3A_0 = arith.muli %arg0, %mul3A : i32
    %add3A = arith.addi %mul3A_0, %arg1 : i32
    %mul3A_1 = arith.constant 10000 : i32
    %mul3A_2 = arith.muli %add3A, %mul3A_1 : i32
    %mul3A_3 = arith.constant 640 : i32
    %mul3A_4 = arith.muli %arg1, %mul3A_3 : i32
    %broadcast_in_dim3A = arith.constant 0.000000e+00 : f32
    %broadcast_in_dim3A_5 = vector.broadcast %broadcast_in_dim3A : f32 to vector<16xf32>
    %scan3A = arith.constant 0 : i32
    %scan3A_6 = arith.constant 0 : i32
    %scan3A_7 = arith.constant 128 : i32
    %scan3A_8 = arith.addi %scan3A_6, %scan3A_7 : i32
    %scan3A_9 = arith.constant 1 : i32
    scf.for %scan3A_48 = %scan3A_6 to %scan3A_8 step %scan3A_9  : i32 {
      %swap3A = arith.index_cast %scan3A_48 : i32 to index
      %swap3A_49 = arith.constant 0 : index
      %swap3A_50 = tpu.vector_load %arg7[%swap3A, %swap3A_49] {strides = array<i32>} : memref<128x128xf32, #tpu.memory_space<vmem>>, vector<1x16xf32>,
      %swap3A_51 = vector.shape_cast %swap3A_50 : vector<1x16xf32> to vector<16xf32>
      %swap3A_52 = vector.shape_cast %broadcast_in_dim3A_5 : vector<16xf32> to vector<1x16xf32>
      tpu.vector_store %arg7[%swap3A, %swap3A_49], %swap3A_52 {strides = array<i32>} : memref<128x128xf32, #tpu.memory_space<vmem>>, vector<1x16xf32>,
      %swap3A_53 = arith.index_cast %scan3A_48 : i32 to index
      %swap3A_54 = arith.constant 16 : index
      %swap3A_55 = tpu.vector_load %arg7[%swap3A_53, %swap3A_54] {strides = array<i32>} : memref<128x128xf32, #tpu.memory_space<vmem>>, vector<1x16xf32>,
      %swap3A_56 = vector.shape_cast %swap3A_55 : vector<1x16xf32> to vector<16xf32>
      %swap3A_57 = vector.shape_cast %broadcast_in_dim3A_5 : vector<16xf32> to vector<1x16xf32>
      tpu.vector_store %arg7[%swap3A_53, %swap3A_54], %swap3A_57 {strides = array<i32>} : memref<128x128xf32, #tpu.memory_space<vmem>>, vector<1x16xf32>,
      %swap3A_58 = arith.index_cast %scan3A_48 : i32 to index
      %swap3A_59 = arith.constant 32 : index
      %swap3A_60 = tpu.vector_load %arg7[%swap3A_58, %swap3A_59] {strides = array<i32>} : memref<128x128xf32, #tpu.memory_space<vmem>>, vector<1x16xf32>,
      %swap3A_61 = vector.shape_cast %swap3A_60 : vector<1x16xf32> to vector<16xf32>
      %swap3A_62 = vector.shape_cast %broadcast_in_dim3A_5 : vector<16xf32> to vector<1x16xf32>
      tpu.vector_store %arg7[%swap3A_58, %swap3A_59], %swap3A_62 {strides = array<i32>} : memref<128x128xf32, #tpu.memory_space<vmem>>, vector<1x16xf32>,
      %swap3A_63 = arith.index_cast %scan3A_48 : i32 to index
      %swap3A_64 = arith.constant 48 : index
      %swap3A_65 = tpu.vector_load %arg7[%swap3A_63, %swap3A_64] {strides = array<i32>} : memref<128x128xf32, #tpu.memory_space<vmem>>, vector<1x16xf32>,
      %swap3A_66 = vector.shape_cast %swap3A_65 : vector<1x16xf32> to vector<16xf32>
      %swap3A_67 = vector.shape_cast %broadcast_in_dim3A_5 : vector<16xf32> to vector<1x16xf32>
      tpu.vector_store %arg7[%swap3A_63, %swap3A_64], %swap3A_67 {strides = array<i32>} : memref<128x128xf32, #tpu.memory_space<vmem>>, vector<1x16xf32>,
      %swap3A_68 = arith.index_cast %scan3A_48 : i32 to index
      %swap3A_69 = arith.constant 64 : index
      %swap3A_70 = tpu.vector_load %arg7[%swap3A_68, %swap3A_69] {strides = array<i32>} : memref<128x128xf32, #tpu.memory_space<vmem>>, vector<1x16xf32>,
      %swap3A_71 = vector.shape_cast %swap3A_70 : vector<1x16xf32> to vector<16xf32>
      %swap3A_72 = vector.shape_cast %broadcast_in_dim3A_5 : vector<16xf32> to vector<1x16xf32>
      tpu.vector_store %arg7[%swap3A_68, %swap3A_69], %swap3A_72 {strides = array<i32>} : memref<128x128xf32, #tpu.memory_space<vmem>>, vector<1x16xf32>,
      %swap3A_73 = arith.index_cast %scan3A_48 : i32 to index
      %swap3A_74 = arith.constant 80 : index
      %swap3A_75 = tpu.vector_load %arg7[%swap3A_73, %swap3A_74] {strides = array<i32>} : memref<128x128xf32, #tpu.memory_space<vmem>>, vector<1x16xf32>,
      %swap3A_76 = vector.shape_cast %swap3A_75 : vector<1x16xf32> to vector<16xf32>
      %swap3A_77 = vector.shape_cast %broadcast_in_dim3A_5 : vector<16xf32> to vector<1x16xf32>
      tpu.vector_store %arg7[%swap3A_73, %swap3A_74], %swap3A_77 {strides = array<i32>} : memref<128x128xf32, #tpu.memory_space<vmem>>, vector<1x16xf32>,
      %swap3A_78 = arith.index_cast %scan3A_48 : i32 to index
      %swap3A_79 = arith.constant 96 : index
      %swap3A_80 = tpu.vector_load %arg7[%swap3A_78, %swap3A_79] {strides = array<i32>} : memref<128x128xf32, #tpu.memory_space<vmem>>, vector<1x16xf32>,
      %swap3A_81 = vector.shape_cast %swap3A_80 : vector<1x16xf32> to vector<16xf32>
      %swap3A_82 = vector.shape_cast %broadcast_in_dim3A_5 : vector<16xf32> to vector<1x16xf32>
      tpu.vector_store %arg7[%swap3A_78, %swap3A_79], %swap3A_82 {strides = array<i32>} : memref<128x128xf32, #tpu.memory_space<vmem>>, vector<1x16xf32>,
      %swap3A_83 = arith.index_cast %scan3A_48 : i32 to index
      %swap3A_84 = arith.constant 112 : index
      %swap3A_85 = tpu.vector_load %arg7[%swap3A_83, %swap3A_84] {strides = array<i32>} : memref<128x128xf32, #tpu.memory_space<vmem>>, vector<1x16xf32>,
      %swap3A_86 = vector.shape_cast %swap3A_85 : vector<1x16xf32> to vector<16xf32>
      %swap3A_87 = vector.shape_cast %broadcast_in_dim3A_5 : vector<16xf32> to vector<1x16xf32>
      tpu.vector_store %arg7[%swap3A_83, %swap3A_84], %swap3A_87 {strides = array<i32>} : memref<128x128xf32, #tpu.memory_space<vmem>>, vector<1x16xf32>,
    }
    %scan3A_10 = arith.constant 128 : i32
    "tpu.region"() ({
      %run_scoped3A = tpu.sem_alloc : memref<!tpu.dma_semaphore, #tpu.memory_space<semaphore_mem>>
      %dma_start3A = arith.constant 0 : i32
      %dma_start3A_48 = arith.constant 0 : i32
      %dma_start3A_49 = tpu.memref_slice %arg3[%add3A, %dma_start3A, %dma_start3A_48] : memref<32x125x80xi32, #tpu.memory_space<hbm>> -> memref<1x125x80xi32, #tpu.memory_space<hbm>>
      %dma_start3A_50 = tpu.memref_squeeze %dma_start3A_49 : memref<1x125x80xi32, #tpu.memory_space<hbm>> -> memref<125x80xi32, #tpu.memory_space<hbm>>
      %dma_start3A_51 = arith.constant 0 : i32
      %dma_start3A_52 = arith.constant 0 : i32
      %dma_start3A_53 = tpu.memref_slice %arg3[%add3A, %dma_start3A_51, %dma_start3A_52] : memref<32x125x80xi32, #tpu.memory_space<hbm>> -> memref<1x125x80xi32, #tpu.memory_space<hbm>>
      %dma_start3A_54 = tpu.memref_squeeze %dma_start3A_53 : memref<1x125x80xi32, #tpu.memory_space<hbm>> -> memref<125x80xi32, #tpu.memory_space<hbm>>
      tpu.enqueue_dma source(%dma_start3A_54 : memref<125x80xi32, #tpu.memory_space<hbm>>) target(%arg5 : memref<125x80xi32, #tpu.memory_space<vmem>>) target_semaphore(%run_scoped3A : memref<!tpu.dma_semaphore, #tpu.memory_space<semaphore_mem>>)
      %dma_wait3A = arith.constant 0 : i32
      %dma_wait3A_55 = arith.constant 0 : i32
      %dma_wait3A_56 = tpu.memref_slice %arg3[%add3A, %dma_wait3A, %dma_wait3A_55] : memref<32x125x80xi32, #tpu.memory_space<hbm>> -> memref<1x125x80xi32, #tpu.memory_space<hbm>>
      %dma_wait3A_57 = tpu.memref_squeeze %dma_wait3A_56 : memref<1x125x80xi32, #tpu.memory_space<hbm>> -> memref<125x80xi32, #tpu.memory_space<hbm>>
      %dma_wait3A_58 = arith.constant 0 : i32
      %dma_wait3A_59 = arith.constant 0 : i32
      %dma_wait3A_60 = tpu.memref_slice %arg3[%add3A, %dma_wait3A_58, %dma_wait3A_59] : memref<32x125x80xi32, #tpu.memory_space<hbm>> -> memref<1x125x80xi32, #tpu.memory_space<hbm>>
      %dma_wait3A_61 = tpu.memref_squeeze %dma_wait3A_60 : memref<1x125x80xi32, #tpu.memory_space<hbm>> -> memref<125x80xi32, #tpu.memory_space<hbm>>
      tpu.wait_dma2 semaphore(%run_scoped3A : memref<!tpu.dma_semaphore, #tpu.memory_space<semaphore_mem>>) src(%dma_wait3A_61 : memref<125x80xi32, #tpu.memory_space<hbm>>) dst(%arg5 : memref<125x80xi32, #tpu.memory_space<vmem>>)
      tpu.yield
    }) : () -> ()
    %add3A_11 = arith.constant 0 : i32
    %add3A_12 = arith.addi %mul3A_4, %add3A_11 : i32
    "tpu.region"() ({
      %run_scoped3A = tpu.sem_alloc : memref<!tpu.dma_semaphore, #tpu.memory_space<semaphore_mem>>
      %dma_start3A = arith.constant 0 : i32
      %dma_start3A_48 = tpu.memref_slice %arg8[%add3A_12, %dma_start3A] : memref<10240x128xf32, #tpu.memory_space<vmem_shared>> -> memref<128x128xf32, #tpu.memory_space<vmem_shared>>
      %dma_start3A_49 = arith.constant 0 : i32
      %dma_start3A_50 = tpu.memref_slice %arg8[%add3A_12, %dma_start3A_49] : memref<10240x128xf32, #tpu.memory_space<vmem_shared>> -> memref<128x128xf32, #tpu.memory_space<vmem_shared>>
      tpu.enqueue_dma source(%arg7 : memref<128x128xf32, #tpu.memory_space<vmem>>) target(%dma_start3A_50 : memref<128x128xf32, #tpu.memory_space<vmem_shared>>) target_semaphore(%run_scoped3A : memref<!tpu.dma_semaphore, #tpu.memory_space<semaphore_mem>>)
      %dma_wait3A = arith.constant 0 : i32
      %dma_wait3A_51 = tpu.memref_slice %arg8[%add3A_12, %dma_wait3A] : memref<10240x128xf32, #tpu.memory_space<vmem_shared>> -> memref<128x128xf32, #tpu.memory_space<vmem_shared>>
      %dma_wait3A_52 = arith.constant 0 : i32
      %dma_wait3A_53 = tpu.memref_slice %arg8[%add3A_12, %dma_wait3A_52] : memref<10240x128xf32, #tpu.memory_space<vmem_shared>> -> memref<128x128xf32, #tpu.memory_space<vmem_shared>>
      tpu.wait_dma2 semaphore(%run_scoped3A : memref<!tpu.dma_semaphore, #tpu.memory_space<semaphore_mem>>) src(%arg7 : memref<128x128xf32, #tpu.memory_space<vmem>>) dst(%dma_wait3A_53 : memref<128x128xf32, #tpu.memory_space<vmem_shared>>)
      tpu.yield
    }) : () -> ()
    %add3A_13 = arith.constant 128 : i32
    %add3A_14 = arith.addi %mul3A_4, %add3A_13 : i32
    "tpu.region"() ({
      %run_scoped3A = tpu.sem_alloc : memref<!tpu.dma_semaphore, #tpu.memory_space<semaphore_mem>>
      %dma_start3A = arith.constant 0 : i32
      %dma_start3A_48 = tpu.memref_slice %arg8[%add3A_14, %dma_start3A] : memref<10240x128xf32, #tpu.memory_space<vmem_shared>> -> memref<128x128xf32, #tpu.memory_space<vmem_shared>>
      %dma_start3A_49 = arith.constant 0 : i32
      %dma_start3A_50 = tpu.memref_slice %arg8[%add3A_14, %dma_start3A_49] : memref<10240x128xf32, #tpu.memory_space<vmem_shared>> -> memref<128x128xf32, #tpu.memory_space<vmem_shared>>
      tpu.enqueue_dma source(%arg7 : memref<128x128xf32, #tpu.memory_space<vmem>>) target(%dma_start3A_50 : memref<128x128xf32, #tpu.memory_space<vmem_shared>>) target_semaphore(%run_scoped3A : memref<!tpu.dma_semaphore, #tpu.memory_space<semaphore_mem>>)
      %dma_wait3A = arith.constant 0 : i32
      %dma_wait3A_51 = tpu.memref_slice %arg8[%add3A_14, %dma_wait3A] : memref<10240x128xf32, #tpu.memory_space<vmem_shared>> -> memref<128x128xf32, #tpu.memory_space<vmem_shared>>
      %dma_wait3A_52 = arith.constant 0 : i32
      %dma_wait3A_53 = tpu.memref_slice %arg8[%add3A_14, %dma_wait3A_52] : memref<10240x128xf32, #tpu.memory_space<vmem_shared>> -> memref<128x128xf32, #tpu.memory_space<vmem_shared>>
      tpu.wait_dma2 semaphore(%run_scoped3A : memref<!tpu.dma_semaphore, #tpu.memory_space<semaphore_mem>>) src(%arg7 : memref<128x128xf32, #tpu.memory_space<vmem>>) dst(%dma_wait3A_53 : memref<128x128xf32, #tpu.memory_space<vmem_shared>>)
      tpu.yield
    }) : () -> ()
    %add3A_15 = arith.constant 256 : i32
    %add3A_16 = arith.addi %mul3A_4, %add3A_15 : i32
    "tpu.region"() ({
      %run_scoped3A = tpu.sem_alloc : memref<!tpu.dma_semaphore, #tpu.memory_space<semaphore_mem>>
      %dma_start3A = arith.constant 0 : i32
      %dma_start3A_48 = tpu.memref_slice %arg8[%add3A_16, %dma_start3A] : memref<10240x128xf32, #tpu.memory_space<vmem_shared>> -> memref<128x128xf32, #tpu.memory_space<vmem_shared>>
      %dma_start3A_49 = arith.constant 0 : i32
      %dma_start3A_50 = tpu.memref_slice %arg8[%add3A_16, %dma_start3A_49] : memref<10240x128xf32, #tpu.memory_space<vmem_shared>> -> memref<128x128xf32, #tpu.memory_space<vmem_shared>>
      tpu.enqueue_dma source(%arg7 : memref<128x128xf32, #tpu.memory_space<vmem>>) target(%dma_start3A_50 : memref<128x128xf32, #tpu.memory_space<vmem_shared>>) target_semaphore(%run_scoped3A : memref<!tpu.dma_semaphore, #tpu.memory_space<semaphore_mem>>)
      %dma_wait3A = arith.constant 0 : i32
      %dma_wait3A_51 = tpu.memref_slice %arg8[%add3A_16, %dma_wait3A] : memref<10240x128xf32, #tpu.memory_space<vmem_shared>> -> memref<128x128xf32, #tpu.memory_space<vmem_shared>>
      %dma_wait3A_52 = arith.constant 0 : i32
      %dma_wait3A_53 = tpu.memref_slice %arg8[%add3A_16, %dma_wait3A_52] : memref<10240x128xf32, #tpu.memory_space<vmem_shared>> -> memref<128x128xf32, #tpu.memory_space<vmem_shared>>
      tpu.wait_dma2 semaphore(%run_scoped3A : memref<!tpu.dma_semaphore, #tpu.memory_space<semaphore_mem>>) src(%arg7 : memref<128x128xf32, #tpu.memory_space<vmem>>) dst(%dma_wait3A_53 : memref<128x128xf32, #tpu.memory_space<vmem_shared>>)
      tpu.yield
    }) : () -> ()
    %add3A_17 = arith.constant 384 : i32
    %add3A_18 = arith.addi %mul3A_4, %add3A_17 : i32
    "tpu.region"() ({
      %run_scoped3A = tpu.sem_alloc : memref<!tpu.dma_semaphore, #tpu.memory_space<semaphore_mem>>
      %dma_start3A = arith.constant 0 : i32
      %dma_start3A_48 = tpu.memref_slice %arg8[%add3A_18, %dma_start3A] : memref<10240x128xf32, #tpu.memory_space<vmem_shared>> -> memref<128x128xf32, #tpu.memory_space<vmem_shared>>
      %dma_start3A_49 = arith.constant 0 : i32
      %dma_start3A_50 = tpu.memref_slice %arg8[%add3A_18, %dma_start3A_49] : memref<10240x128xf32, #tpu.memory_space<vmem_shared>> -> memref<128x128xf32, #tpu.memory_space<vmem_shared>>
      tpu.enqueue_dma source(%arg7 : memref<128x128xf32, #tpu.memory_space<vmem>>) target(%dma_start3A_50 : memref<128x128xf32, #tpu.memory_space<vmem_shared>>) target_semaphore(%run_scoped3A : memref<!tpu.dma_semaphore, #tpu.memory_space<semaphore_mem>>)
      %dma_wait3A = arith.constant 0 : i32
      %dma_wait3A_51 = tpu.memref_slice %arg8[%add3A_18, %dma_wait3A] : memref<10240x128xf32, #tpu.memory_space<vmem_shared>> -> memref<128x128xf32, #tpu.memory_space<vmem_shared>>
      %dma_wait3A_52 = arith.constant 0 : i32
      %dma_wait3A_53 = tpu.memref_slice %arg8[%add3A_18, %dma_wait3A_52] : memref<10240x128xf32, #tpu.memory_space<vmem_shared>> -> memref<128x128xf32, #tpu.memory_space<vmem_shared>>
      tpu.wait_dma2 semaphore(%run_scoped3A : memref<!tpu.dma_semaphore, #tpu.memory_space<semaphore_mem>>) src(%arg7 : memref<128x128xf32, #tpu.memory_space<vmem>>) dst(%dma_wait3A_53 : memref<128x128xf32, #tpu.memory_space<vmem_shared>>)
      tpu.yield
    }) : () -> ()
    %add3A_19 = arith.constant 512 : i32
    %add3A_20 = arith.addi %mul3A_4, %add3A_19 : i32
    "tpu.region"() ({
      %run_scoped3A = tpu.sem_alloc : memref<!tpu.dma_semaphore, #tpu.memory_space<semaphore_mem>>
      %dma_start3A = arith.constant 0 : i32
      %dma_start3A_48 = tpu.memref_slice %arg8[%add3A_20, %dma_start3A] : memref<10240x128xf32, #tpu.memory_space<vmem_shared>> -> memref<128x128xf32, #tpu.memory_space<vmem_shared>>
      %dma_start3A_49 = arith.constant 0 : i32
      %dma_start3A_50 = tpu.memref_slice %arg8[%add3A_20, %dma_start3A_49] : memref<10240x128xf32, #tpu.memory_space<vmem_shared>> -> memref<128x128xf32, #tpu.memory_space<vmem_shared>>
      tpu.enqueue_dma source(%arg7 : memref<128x128xf32, #tpu.memory_space<vmem>>) target(%dma_start3A_50 : memref<128x128xf32, #tpu.memory_space<vmem_shared>>) target_semaphore(%run_scoped3A : memref<!tpu.dma_semaphore, #tpu.memory_space<semaphore_mem>>)
      %dma_wait3A = arith.constant 0 : i32
      %dma_wait3A_51 = tpu.memref_slice %arg8[%add3A_20, %dma_wait3A] : memref<10240x128xf32, #tpu.memory_space<vmem_shared>> -> memref<128x128xf32, #tpu.memory_space<vmem_shared>>
      %dma_wait3A_52 = arith.constant 0 : i32
      %dma_wait3A_53 = tpu.memref_slice %arg8[%add3A_20, %dma_wait3A_52] : memref<10240x128xf32, #tpu.memory_space<vmem_shared>> -> memref<128x128xf32, #tpu.memory_space<vmem_shared>>
      tpu.wait_dma2 semaphore(%run_scoped3A : memref<!tpu.dma_semaphore, #tpu.memory_space<semaphore_mem>>) src(%arg7 : memref<128x128xf32, #tpu.memory_space<vmem>>) dst(%dma_wait3A_53 : memref<128x128xf32, #tpu.memory_space<vmem_shared>>)
      tpu.yield
    }) : () -> ()
    %barrier3A = arith.constant 0 : index
    tpu.barrier barrier_id(%barrier3A)
    %scan3A_21 = arith.constant 0 : i32
    %scan3A_22 = arith.constant 0 : i32
    %scan3A_23 = arith.constant 125 : i32
    %scan3A_24 = arith.addi %scan3A_22, %scan3A_23 : i32
    %scan3A_25 = arith.constant 1 : i32
    scf.for %scan3A_48 = %scan3A_22 to %scan3A_24 step %scan3A_25  : i32 {
      %mul3A_49 = arith.constant 80 : i32
      %mul3A_50 = arith.muli %scan3A_48, %mul3A_49 : i32
      %add3A_51 = arith.addi %mul3A_2, %mul3A_50 : i32
      "tpu.region"() ({
        %run_scoped3A = tpu.sem_alloc : memref<!tpu.dma_semaphore, #tpu.memory_space<semaphore_mem>>
        %dma_start3A = arith.constant 0 : i32
        %dma_start3A_52 = tpu.memref_slice %arg2[%add3A_51, %dma_start3A] : memref<320000x128xf32, #tpu.memory_space<hbm>> -> memref<80x128xf32, #tpu.memory_space<hbm>>
        %dma_start3A_53 = arith.constant 0 : i32
        %dma_start3A_54 = tpu.memref_slice %arg2[%add3A_51, %dma_start3A_53] : memref<320000x128xf32, #tpu.memory_space<hbm>> -> memref<80x128xf32, #tpu.memory_space<hbm>>
        tpu.enqueue_dma source(%dma_start3A_54 : memref<80x128xf32, #tpu.memory_space<hbm>>) target(%arg6 : memref<80x128xf32, #tpu.memory_space<vmem>>) target_semaphore(%run_scoped3A : memref<!tpu.dma_semaphore, #tpu.memory_space<semaphore_mem>>)
        %dma_wait3A = arith.constant 0 : i32
        %dma_wait3A_55 = tpu.memref_slice %arg2[%add3A_51, %dma_wait3A] : memref<320000x128xf32, #tpu.memory_space<hbm>> -> memref<80x128xf32, #tpu.memory_space<hbm>>
        %dma_wait3A_56 = arith.constant 0 : i32
        %dma_wait3A_57 = tpu.memref_slice %arg2[%add3A_51, %dma_wait3A_56] : memref<320000x128xf32, #tpu.memory_space<hbm>> -> memref<80x128xf32, #tpu.memory_space<hbm>>
        tpu.wait_dma2 semaphore(%run_scoped3A : memref<!tpu.dma_semaphore, #tpu.memory_space<semaphore_mem>>) src(%dma_wait3A_57 : memref<80x128xf32, #tpu.memory_space<hbm>>) dst(%arg6 : memref<80x128xf32, #tpu.memory_space<vmem>>)
        tpu.yield
      }) : () -> ()
      "tpu.region"() ({
        %run_scoped3A = tpu.sem_alloc : memref<!tpu.dma_semaphore, #tpu.memory_space<semaphore_mem>>
        %dma_start3A = arith.constant 0 : i32
        %dma_start3A_52 = tpu.memref_slice %arg5[%scan3A_48, %dma_start3A] : memref<125x80xi32, #tpu.memory_space<vmem>> -> memref<1x80xi32, #tpu.memory_space<vmem>>
        %dma_start3A_53 = tpu.memref_squeeze %dma_start3A_52 : memref<1x80xi32, #tpu.memory_space<vmem>> -> memref<80xi32, #tpu.memory_space<vmem>>
        %dma_start3A_54 = arith.constant 0 : i32
        %dma_start3A_55 = arith.constant 0 : i32
        %dma_start3A_56 = tpu.memref_slice %arg8[%dma_start3A_54, %dma_start3A_55] : memref<10240x128xf32, #tpu.memory_space<vmem_shared>> -> memref<10240x128xf32, #tpu.memory_space<vmem_shared>>
        tpu.enqueue_indirect_dma source(%arg6 : memref<80x128xf32, #tpu.memory_space<vmem>>) target(%dma_start3A_56 : memref<10240x128xf32, #tpu.memory_space<vmem_shared>>) offsets(%dma_start3A_53 : memref<80xi32, #tpu.memory_space<vmem>>) semaphore(%run_scoped3A : memref<!tpu.dma_semaphore, #tpu.memory_space<semaphore_mem>>) {add = true}
        %dma_wait3A = arith.constant 0 : i32
        %dma_wait3A_57 = tpu.memref_slice %arg5[%scan3A_48, %dma_wait3A] : memref<125x80xi32, #tpu.memory_space<vmem>> -> memref<1x80xi32, #tpu.memory_space<vmem>>
        %dma_wait3A_58 = tpu.memref_squeeze %dma_wait3A_57 : memref<1x80xi32, #tpu.memory_space<vmem>> -> memref<80xi32, #tpu.memory_space<vmem>>
        %dma_wait3A_59 = arith.constant 0 : i32
        %dma_wait3A_60 = arith.constant 0 : i32
        %dma_wait3A_61 = tpu.memref_slice %arg8[%dma_wait3A_59, %dma_wait3A_60] : memref<10240x128xf32, #tpu.memory_space<vmem_shared>> -> memref<10240x128xf32, #tpu.memory_space<vmem_shared>>
        tpu.wait_indirect_dma semaphore(%run_scoped3A : memref<!tpu.dma_semaphore, #tpu.memory_space<semaphore_mem>>) src(%arg6 : memref<80x128xf32, #tpu.memory_space<vmem>>) dst(%dma_wait3A_61 : memref<10240x128xf32, #tpu.memory_space<vmem_shared>>)
        tpu.yield
      }) : () -> ()
    }
    %scan3A_26 = arith.constant 125 : i32
    %barrier3A_27 = arith.constant 0 : index
    tpu.barrier barrier_id(%barrier3A_27)
    %add3A_28 = arith.constant 0 : i32
    %add3A_29 = arith.addi %mul3A_4, %add3A_28 : i32
    "tpu.region"() ({
      %run_scoped3A = tpu.sem_alloc : memref<!tpu.dma_semaphore, #tpu.memory_space<semaphore_mem>>
      %dma_start3A = arith.constant 0 : i32
      %dma_start3A_48 = tpu.memref_slice %arg8[%add3A_29, %dma_start3A] : memref<10240x128xf32, #tpu.memory_space<vmem_shared>> -> memref<128x128xf32, #tpu.memory_space<vmem_shared>>
      %dma_start3A_49 = arith.constant 0 : i32
      %dma_start3A_50 = tpu.memref_slice %arg8[%add3A_29, %dma_start3A_49] : memref<10240x128xf32, #tpu.memory_space<vmem_shared>> -> memref<128x128xf32, #tpu.memory_space<vmem_shared>>
      tpu.enqueue_dma source(%dma_start3A_50 : memref<128x128xf32, #tpu.memory_space<vmem_shared>>) target(%arg7 : memref<128x128xf32, #tpu.memory_space<vmem>>) target_semaphore(%run_scoped3A : memref<!tpu.dma_semaphore, #tpu.memory_space<semaphore_mem>>)
      %dma_wait3A = arith.constant 0 : i32
      %dma_wait3A_51 = tpu.memref_slice %arg8[%add3A_29, %dma_wait3A] : memref<10240x128xf32, #tpu.memory_space<vmem_shared>> -> memref<128x128xf32, #tpu.memory_space<vmem_shared>>
      %dma_wait3A_52 = arith.constant 0 : i32
      %dma_wait3A_53 = tpu.memref_slice %arg8[%add3A_29, %dma_wait3A_52] : memref<10240x128xf32, #tpu.memory_space<vmem_shared>> -> memref<128x128xf32, #tpu.memory_space<vmem_shared>>
      tpu.wait_dma2 semaphore(%run_scoped3A : memref<!tpu.dma_semaphore, #tpu.memory_space<semaphore_mem>>) src(%dma_wait3A_53 : memref<128x128xf32, #tpu.memory_space<vmem_shared>>) dst(%arg7 : memref<128x128xf32, #tpu.memory_space<vmem>>)
      tpu.yield
    }) : () -> ()
    %add3A_30 = arith.constant 0 : i32
    %add3A_31 = arith.addi %mul3A_4, %add3A_30 : i32
    "tpu.region"() ({
      %run_scoped3A = tpu.sem_alloc : memref<!tpu.dma_semaphore, #tpu.memory_space<semaphore_mem>>
      %dma_start3A = arith.constant 0 : i32
      %dma_start3A_48 = tpu.memref_slice %arg4[%arg0, %add3A_31, %dma_start3A] : memref<2x10240x128xf32, #tpu.memory_space<hbm>> -> memref<1x128x128xf32, #tpu.memory_space<hbm>>
      %dma_start3A_49 = tpu.memref_squeeze %dma_start3A_48 : memref<1x128x128xf32, #tpu.memory_space<hbm>> -> memref<128x128xf32, #tpu.memory_space<hbm>>
      %dma_start3A_50 = arith.constant 0 : i32
      %dma_start3A_51 = tpu.memref_slice %arg4[%arg0, %add3A_31, %dma_start3A_50] : memref<2x10240x128xf32, #tpu.memory_space<hbm>> -> memref<1x128x128xf32, #tpu.memory_space<hbm>>
      %dma_start3A_52 = tpu.memref_squeeze %dma_start3A_51 : memref<1x128x128xf32, #tpu.memory_space<hbm>> -> memref<128x128xf32, #tpu.memory_space<hbm>>
      tpu.enqueue_dma source(%arg7 : memref<128x128xf32, #tpu.memory_space<vmem>>) target(%dma_start3A_52 : memref<128x128xf32, #tpu.memory_space<hbm>>) target_semaphore(%run_scoped3A : memref<!tpu.dma_semaphore, #tpu.memory_space<semaphore_mem>>)
      %dma_wait3A = arith.constant 0 : i32
      %dma_wait3A_53 = tpu.memref_slice %arg4[%arg0, %add3A_31, %dma_wait3A] : memref<2x10240x128xf32, #tpu.memory_space<hbm>> -> memref<1x128x128xf32, #tpu.memory_space<hbm>>
      %dma_wait3A_54 = tpu.memref_squeeze %dma_wait3A_53 : memref<1x128x128xf32, #tpu.memory_space<hbm>> -> memref<128x128xf32, #tpu.memory_space<hbm>>
      %dma_wait3A_55 = arith.constant 0 : i32
      %dma_wait3A_56 = tpu.memref_slice %arg4[%arg0, %add3A_31, %dma_wait3A_55] : memref<2x10240x128xf32, #tpu.memory_space<hbm>> -> memref<1x128x128xf32, #tpu.memory_space<hbm>>
      %dma_wait3A_57 = tpu.memref_squeeze %dma_wait3A_56 : memref<1x128x128xf32, #tpu.memory_space<hbm>> -> memref<128x128xf32, #tpu.memory_space<hbm>>
      tpu.wait_dma2 semaphore(%run_scoped3A : memref<!tpu.dma_semaphore, #tpu.memory_space<semaphore_mem>>) src(%arg7 : memref<128x128xf32, #tpu.memory_space<vmem>>) dst(%dma_wait3A_57 : memref<128x128xf32, #tpu.memory_space<hbm>>)
      tpu.yield
    }) : () -> ()
    %add3A_32 = arith.constant 128 : i32
    %add3A_33 = arith.addi %mul3A_4, %add3A_32 : i32
    "tpu.region"() ({
      %run_scoped3A = tpu.sem_alloc : memref<!tpu.dma_semaphore, #tpu.memory_space<semaphore_mem>>
      %dma_start3A = arith.constant 0 : i32
      %dma_start3A_48 = tpu.memref_slice %arg8[%add3A_33, %dma_start3A] : memref<10240x128xf32, #tpu.memory_space<vmem_shared>> -> memref<128x128xf32, #tpu.memory_space<vmem_shared>>
      %dma_start3A_49 = arith.constant 0 : i32
      %dma_start3A_50 = tpu.memref_slice %arg8[%add3A_33, %dma_start3A_49] : memref<10240x128xf32, #tpu.memory_space<vmem_shared>> -> memref<128x128xf32, #tpu.memory_space<vmem_shared>>
      tpu.enqueue_dma source(%dma_start3A_50 : memref<128x128xf32, #tpu.memory_space<vmem_shared>>) target(%arg7 : memref<128x128xf32, #tpu.memory_space<vmem>>) target_semaphore(%run_scoped3A : memref<!tpu.dma_semaphore, #tpu.memory_space<semaphore_mem>>)
      %dma_wait3A = arith.constant 0 : i32
      %dma_wait3A_51 = tpu.memref_slice %arg8[%add3A_33, %dma_wait3A] : memref<10240x128xf32, #tpu.memory_space<vmem_shared>> -> memref<128x128xf32, #tpu.memory_space<vmem_shared>>
      %dma_wait3A_52 = arith.constant 0 : i32
      %dma_wait3A_53 = tpu.memref_slice %arg8[%add3A_33, %dma_wait3A_52] : memref<10240x128xf32, #tpu.memory_space<vmem_shared>> -> memref<128x128xf32, #tpu.memory_space<vmem_shared>>
      tpu.wait_dma2 semaphore(%run_scoped3A : memref<!tpu.dma_semaphore, #tpu.memory_space<semaphore_mem>>) src(%dma_wait3A_53 : memref<128x128xf32, #tpu.memory_space<vmem_shared>>) dst(%arg7 : memref<128x128xf32, #tpu.memory_space<vmem>>)
      tpu.yield
    }) : () -> ()
    %add3A_34 = arith.constant 128 : i32
    %add3A_35 = arith.addi %mul3A_4, %add3A_34 : i32
    "tpu.region"() ({
      %run_scoped3A = tpu.sem_alloc : memref<!tpu.dma_semaphore, #tpu.memory_space<semaphore_mem>>
      %dma_start3A = arith.constant 0 : i32
      %dma_start3A_48 = tpu.memref_slice %arg4[%arg0, %add3A_35, %dma_start3A] : memref<2x10240x128xf32, #tpu.memory_space<hbm>> -> memref<1x128x128xf32, #tpu.memory_space<hbm>>
      %dma_start3A_49 = tpu.memref_squeeze %dma_start3A_48 : memref<1x128x128xf32, #tpu.memory_space<hbm>> -> memref<128x128xf32, #tpu.memory_space<hbm>>
      %dma_start3A_50 = arith.constant 0 : i32
      %dma_start3A_51 = tpu.memref_slice %arg4[%arg0, %add3A_35, %dma_start3A_50] : memref<2x10240x128xf32, #tpu.memory_space<hbm>> -> memref<1x128x128xf32, #tpu.memory_space<hbm>>
      %dma_start3A_52 = tpu.memref_squeeze %dma_start3A_51 : memref<1x128x128xf32, #tpu.memory_space<hbm>> -> memref<128x128xf32, #tpu.memory_space<hbm>>
      tpu.enqueue_dma source(%arg7 : memref<128x128xf32, #tpu.memory_space<vmem>>) target(%dma_start3A_52 : memref<128x128xf32, #tpu.memory_space<hbm>>) target_semaphore(%run_scoped3A : memref<!tpu.dma_semaphore, #tpu.memory_space<semaphore_mem>>)
      %dma_wait3A = arith.constant 0 : i32
      %dma_wait3A_53 = tpu.memref_slice %arg4[%arg0, %add3A_35, %dma_wait3A] : memref<2x10240x128xf32, #tpu.memory_space<hbm>> -> memref<1x128x128xf32, #tpu.memory_space<hbm>>
      %dma_wait3A_54 = tpu.memref_squeeze %dma_wait3A_53 : memref<1x128x128xf32, #tpu.memory_space<hbm>> -> memref<128x128xf32, #tpu.memory_space<hbm>>
      %dma_wait3A_55 = arith.constant 0 : i32
      %dma_wait3A_56 = tpu.memref_slice %arg4[%arg0, %add3A_35, %dma_wait3A_55] : memref<2x10240x128xf32, #tpu.memory_space<hbm>> -> memref<1x128x128xf32, #tpu.memory_space<hbm>>
      %dma_wait3A_57 = tpu.memref_squeeze %dma_wait3A_56 : memref<1x128x128xf32, #tpu.memory_space<hbm>> -> memref<128x128xf32, #tpu.memory_space<hbm>>
      tpu.wait_dma2 semaphore(%run_scoped3A : memref<!tpu.dma_semaphore, #tpu.memory_space<semaphore_mem>>) src(%arg7 : memref<128x128xf32, #tpu.memory_space<vmem>>) dst(%dma_wait3A_57 : memref<128x128xf32, #tpu.memory_space<hbm>>)
      tpu.yield
    }) : () -> ()
    %add3A_36 = arith.constant 256 : i32
    %add3A_37 = arith.addi %mul3A_4, %add3A_36 : i32
    "tpu.region"() ({
      %run_scoped3A = tpu.sem_alloc : memref<!tpu.dma_semaphore, #tpu.memory_space<semaphore_mem>>
      %dma_start3A = arith.constant 0 : i32
      %dma_start3A_48 = tpu.memref_slice %arg8[%add3A_37, %dma_start3A] : memref<10240x128xf32, #tpu.memory_space<vmem_shared>> -> memref<128x128xf32, #tpu.memory_space<vmem_shared>>
      %dma_start3A_49 = arith.constant 0 : i32
      %dma_start3A_50 = tpu.memref_slice %arg8[%add3A_37, %dma_start3A_49] : memref<10240x128xf32, #tpu.memory_space<vmem_shared>> -> memref<128x128xf32, #tpu.memory_space<vmem_shared>>
      tpu.enqueue_dma source(%dma_start3A_50 : memref<128x128xf32, #tpu.memory_space<vmem_shared>>) target(%arg7 : memref<128x128xf32, #tpu.memory_space<vmem>>) target_semaphore(%run_scoped3A : memref<!tpu.dma_semaphore, #tpu.memory_space<semaphore_mem>>)
      %dma_wait3A = arith.constant 0 : i32
      %dma_wait3A_51 = tpu.memref_slice %arg8[%add3A_37, %dma_wait3A] : memref<10240x128xf32, #tpu.memory_space<vmem_shared>> -> memref<128x128xf32, #tpu.memory_space<vmem_shared>>
      %dma_wait3A_52 = arith.constant 0 : i32
      %dma_wait3A_53 = tpu.memref_slice %arg8[%add3A_37, %dma_wait3A_52] : memref<10240x128xf32, #tpu.memory_space<vmem_shared>> -> memref<128x128xf32, #tpu.memory_space<vmem_shared>>
      tpu.wait_dma2 semaphore(%run_scoped3A : memref<!tpu.dma_semaphore, #tpu.memory_space<semaphore_mem>>) src(%dma_wait3A_53 : memref<128x128xf32, #tpu.memory_space<vmem_shared>>) dst(%arg7 : memref<128x128xf32, #tpu.memory_space<vmem>>)
      tpu.yield
    }) : () -> ()
    %add3A_38 = arith.constant 256 : i32
    %add3A_39 = arith.addi %mul3A_4, %add3A_38 : i32
    "tpu.region"() ({
      %run_scoped3A = tpu.sem_alloc : memref<!tpu.dma_semaphore, #tpu.memory_space<semaphore_mem>>
      %dma_start3A = arith.constant 0 : i32
      %dma_start3A_48 = tpu.memref_slice %arg4[%arg0, %add3A_39, %dma_start3A] : memref<2x10240x128xf32, #tpu.memory_space<hbm>> -> memref<1x128x128xf32, #tpu.memory_space<hbm>>
      %dma_start3A_49 = tpu.memref_squeeze %dma_start3A_48 : memref<1x128x128xf32, #tpu.memory_space<hbm>> -> memref<128x128xf32, #tpu.memory_space<hbm>>
      %dma_start3A_50 = arith.constant 0 : i32
      %dma_start3A_51 = tpu.memref_slice %arg4[%arg0, %add3A_39, %dma_start3A_50] : memref<2x10240x128xf32, #tpu.memory_space<hbm>> -> memref<1x128x128xf32, #tpu.memory_space<hbm>>
      %dma_start3A_52 = tpu.memref_squeeze %dma_start3A_51 : memref<1x128x128xf32, #tpu.memory_space<hbm>> -> memref<128x128xf32, #tpu.memory_space<hbm>>
      tpu.enqueue_dma source(%arg7 : memref<128x128xf32, #tpu.memory_space<vmem>>) target(%dma_start3A_52 : memref<128x128xf32, #tpu.memory_space<hbm>>) target_semaphore(%run_scoped3A : memref<!tpu.dma_semaphore, #tpu.memory_space<semaphore_mem>>)
      %dma_wait3A = arith.constant 0 : i32
      %dma_wait3A_53 = tpu.memref_slice %arg4[%arg0, %add3A_39, %dma_wait3A] : memref<2x10240x128xf32, #tpu.memory_space<hbm>> -> memref<1x128x128xf32, #tpu.memory_space<hbm>>
      %dma_wait3A_54 = tpu.memref_squeeze %dma_wait3A_53 : memref<1x128x128xf32, #tpu.memory_space<hbm>> -> memref<128x128xf32, #tpu.memory_space<hbm>>
      %dma_wait3A_55 = arith.constant 0 : i32
      %dma_wait3A_56 = tpu.memref_slice %arg4[%arg0, %add3A_39, %dma_wait3A_55] : memref<2x10240x128xf32, #tpu.memory_space<hbm>> -> memref<1x128x128xf32, #tpu.memory_space<hbm>>
      %dma_wait3A_57 = tpu.memref_squeeze %dma_wait3A_56 : memref<1x128x128xf32, #tpu.memory_space<hbm>> -> memref<128x128xf32, #tpu.memory_space<hbm>>
      tpu.wait_dma2 semaphore(%run_scoped3A : memref<!tpu.dma_semaphore, #tpu.memory_space<semaphore_mem>>) src(%arg7 : memref<128x128xf32, #tpu.memory_space<vmem>>) dst(%dma_wait3A_57 : memref<128x128xf32, #tpu.memory_space<hbm>>)
      tpu.yield
    }) : () -> ()
    %add3A_40 = arith.constant 384 : i32
    %add3A_41 = arith.addi %mul3A_4, %add3A_40 : i32
    "tpu.region"() ({
      %run_scoped3A = tpu.sem_alloc : memref<!tpu.dma_semaphore, #tpu.memory_space<semaphore_mem>>
      %dma_start3A = arith.constant 0 : i32
      %dma_start3A_48 = tpu.memref_slice %arg8[%add3A_41, %dma_start3A] : memref<10240x128xf32, #tpu.memory_space<vmem_shared>> -> memref<128x128xf32, #tpu.memory_space<vmem_shared>>
      %dma_start3A_49 = arith.constant 0 : i32
      %dma_start3A_50 = tpu.memref_slice %arg8[%add3A_41, %dma_start3A_49] : memref<10240x128xf32, #tpu.memory_space<vmem_shared>> -> memref<128x128xf32, #tpu.memory_space<vmem_shared>>
      tpu.enqueue_dma source(%dma_start3A_50 : memref<128x128xf32, #tpu.memory_space<vmem_shared>>) target(%arg7 : memref<128x128xf32, #tpu.memory_space<vmem>>) target_semaphore(%run_scoped3A : memref<!tpu.dma_semaphore, #tpu.memory_space<semaphore_mem>>)
      %dma_wait3A = arith.constant 0 : i32
      %dma_wait3A_51 = tpu.memref_slice %arg8[%add3A_41, %dma_wait3A] : memref<10240x128xf32, #tpu.memory_space<vmem_shared>> -> memref<128x128xf32, #tpu.memory_space<vmem_shared>>
      %dma_wait3A_52 = arith.constant 0 : i32
      %dma_wait3A_53 = tpu.memref_slice %arg8[%add3A_41, %dma_wait3A_52] : memref<10240x128xf32, #tpu.memory_space<vmem_shared>> -> memref<128x128xf32, #tpu.memory_space<vmem_shared>>
      tpu.wait_dma2 semaphore(%run_scoped3A : memref<!tpu.dma_semaphore, #tpu.memory_space<semaphore_mem>>) src(%dma_wait3A_53 : memref<128x128xf32, #tpu.memory_space<vmem_shared>>) dst(%arg7 : memref<128x128xf32, #tpu.memory_space<vmem>>)
      tpu.yield
    }) : () -> ()
    %add3A_42 = arith.constant 384 : i32
    %add3A_43 = arith.addi %mul3A_4, %add3A_42 : i32
    "tpu.region"() ({
      %run_scoped3A = tpu.sem_alloc : memref<!tpu.dma_semaphore, #tpu.memory_space<semaphore_mem>>
      %dma_start3A = arith.constant 0 : i32
      %dma_start3A_48 = tpu.memref_slice %arg4[%arg0, %add3A_43, %dma_start3A] : memref<2x10240x128xf32, #tpu.memory_space<hbm>> -> memref<1x128x128xf32, #tpu.memory_space<hbm>>
      %dma_start3A_49 = tpu.memref_squeeze %dma_start3A_48 : memref<1x128x128xf32, #tpu.memory_space<hbm>> -> memref<128x128xf32, #tpu.memory_space<hbm>>
      %dma_start3A_50 = arith.constant 0 : i32
      %dma_start3A_51 = tpu.memref_slice %arg4[%arg0, %add3A_43, %dma_start3A_50] : memref<2x10240x128xf32, #tpu.memory_space<hbm>> -> memref<1x128x128xf32, #tpu.memory_space<hbm>>
      %dma_start3A_52 = tpu.memref_squeeze %dma_start3A_51 : memref<1x128x128xf32, #tpu.memory_space<hbm>> -> memref<128x128xf32, #tpu.memory_space<hbm>>
      tpu.enqueue_dma source(%arg7 : memref<128x128xf32, #tpu.memory_space<vmem>>) target(%dma_start3A_52 : memref<128x128xf32, #tpu.memory_space<hbm>>) target_semaphore(%run_scoped3A : memref<!tpu.dma_semaphore, #tpu.memory_space<semaphore_mem>>)
      %dma_wait3A = arith.constant 0 : i32
      %dma_wait3A_53 = tpu.memref_slice %arg4[%arg0, %add3A_43, %dma_wait3A] : memref<2x10240x128xf32, #tpu.memory_space<hbm>> -> memref<1x128x128xf32, #tpu.memory_space<hbm>>
      %dma_wait3A_54 = tpu.memref_squeeze %dma_wait3A_53 : memref<1x128x128xf32, #tpu.memory_space<hbm>> -> memref<128x128xf32, #tpu.memory_space<hbm>>
      %dma_wait3A_55 = arith.constant 0 : i32
      %dma_wait3A_56 = tpu.memref_slice %arg4[%arg0, %add3A_43, %dma_wait3A_55] : memref<2x10240x128xf32, #tpu.memory_space<hbm>> -> memref<1x128x128xf32, #tpu.memory_space<hbm>>
      %dma_wait3A_57 = tpu.memref_squeeze %dma_wait3A_56 : memref<1x128x128xf32, #tpu.memory_space<hbm>> -> memref<128x128xf32, #tpu.memory_space<hbm>>
      tpu.wait_dma2 semaphore(%run_scoped3A : memref<!tpu.dma_semaphore, #tpu.memory_space<semaphore_mem>>) src(%arg7 : memref<128x128xf32, #tpu.memory_space<vmem>>) dst(%dma_wait3A_57 : memref<128x128xf32, #tpu.memory_space<hbm>>)
      tpu.yield
    }) : () -> ()
    %add3A_44 = arith.constant 512 : i32
    %add3A_45 = arith.addi %mul3A_4, %add3A_44 : i32
    "tpu.region"() ({
      %run_scoped3A = tpu.sem_alloc : memref<!tpu.dma_semaphore, #tpu.memory_space<semaphore_mem>>
      %dma_start3A = arith.constant 0 : i32
      %dma_start3A_48 = tpu.memref_slice %arg8[%add3A_45, %dma_start3A] : memref<10240x128xf32, #tpu.memory_space<vmem_shared>> -> memref<128x128xf32, #tpu.memory_space<vmem_shared>>
      %dma_start3A_49 = arith.constant 0 : i32
      %dma_start3A_50 = tpu.memref_slice %arg8[%add3A_45, %dma_start3A_49] : memref<10240x128xf32, #tpu.memory_space<vmem_shared>> -> memref<128x128xf32, #tpu.memory_space<vmem_shared>>
      tpu.enqueue_dma source(%dma_start3A_50 : memref<128x128xf32, #tpu.memory_space<vmem_shared>>) target(%arg7 : memref<128x128xf32, #tpu.memory_space<vmem>>) target_semaphore(%run_scoped3A : memref<!tpu.dma_semaphore, #tpu.memory_space<semaphore_mem>>)
      %dma_wait3A = arith.constant 0 : i32
      %dma_wait3A_51 = tpu.memref_slice %arg8[%add3A_45, %dma_wait3A] : memref<10240x128xf32, #tpu.memory_space<vmem_shared>> -> memref<128x128xf32, #tpu.memory_space<vmem_shared>>
      %dma_wait3A_52 = arith.constant 0 : i32
      %dma_wait3A_53 = tpu.memref_slice %arg8[%add3A_45, %dma_wait3A_52] : memref<10240x128xf32, #tpu.memory_space<vmem_shared>> -> memref<128x128xf32, #tpu.memory_space<vmem_shared>>
      tpu.wait_dma2 semaphore(%run_scoped3A : memref<!tpu.dma_semaphore, #tpu.memory_space<semaphore_mem>>) src(%dma_wait3A_53 : memref<128x128xf32, #tpu.memory_space<vmem_shared>>) dst(%arg7 : memref<128x128xf32, #tpu.memory_space<vmem>>)
      tpu.yield
    }) : () -> ()
    %add3A_46 = arith.constant 512 : i32
    %add3A_47 = arith.addi %mul3A_4, %add3A_46 : i32
    "tpu.region"() ({
      %run_scoped3A = tpu.sem_alloc : memref<!tpu.dma_semaphore, #tpu.memory_space<semaphore_mem>>
      %dma_start3A = arith.constant 0 : i32
      %dma_start3A_48 = tpu.memref_slice %arg4[%arg0, %add3A_47, %dma_start3A] : memref<2x10240x128xf32, #tpu.memory_space<hbm>> -> memref<1x128x128xf32, #tpu.memory_space<hbm>>
      %dma_start3A_49 = tpu.memref_squeeze %dma_start3A_48 : memref<1x128x128xf32, #tpu.memory_space<hbm>> -> memref<128x128xf32, #tpu.memory_space<hbm>>
      %dma_start3A_50 = arith.constant 0 : i32
      %dma_start3A_51 = tpu.memref_slice %arg4[%arg0, %add3A_47, %dma_start3A_50] : memref<2x10240x128xf32, #tpu.memory_space<hbm>> -> memref<1x128x128xf32, #tpu.memory_space<hbm>>
      %dma_start3A_52 = tpu.memref_squeeze %dma_start3A_51 : memref<1x128x128xf32, #tpu.memory_space<hbm>> -> memref<128x128xf32, #tpu.memory_space<hbm>>
      tpu.enqueue_dma source(%arg7 : memref<128x128xf32, #tpu.memory_space<vmem>>) target(%dma_start3A_52 : memref<128x128xf32, #tpu.memory_space<hbm>>) target_semaphore(%run_scoped3A : memref<!tpu.dma_semaphore, #tpu.memory_space<semaphore_mem>>)
      %dma_wait3A = arith.constant 0 : i32
      %dma_wait3A_53 = tpu.memref_slice %arg4[%arg0, %add3A_47, %dma_wait3A] : memref<2x10240x128xf32, #tpu.memory_space<hbm>> -> memref<1x128x128xf32, #tpu.memory_space<hbm>>
      %dma_wait3A_54 = tpu.memref_squeeze %dma_wait3A_53 : memref<1x128x128xf32, #tpu.memory_space<hbm>> -> memref<128x128xf32, #tpu.memory_space<hbm>>
      %dma_wait3A_55 = arith.constant 0 : i32
      %dma_wait3A_56 = tpu.memref_slice %arg4[%arg0, %add3A_47, %dma_wait3A_55] : memref<2x10240x128xf32, #tpu.memory_space<hbm>> -> memref<1x128x128xf32, #tpu.memory_space<hbm>>
      %dma_wait3A_57 = tpu.memref_squeeze %dma_wait3A_56 : memref<1x128x128xf32, #tpu.memory_space<hbm>> -> memref<128x128xf32, #tpu.memory_space<hbm>>
      tpu.wait_dma2 semaphore(%run_scoped3A : memref<!tpu.dma_semaphore, #tpu.memory_space<semaphore_mem>>) src(%arg7 : memref<128x128xf32, #tpu.memory_space<vmem>>) dst(%dma_wait3A_57 : memref<128x128xf32, #tpu.memory_space<hbm>>)
      tpu.yield
    }) : () -> ()
    return
  }
}

#map = affine_map<(d0, d1) -> (0)>
#map1 = affine_map<(d0, d1) -> (0, 0, 0)>
module attributes {stable_mosaic.version = 14 : i64} {
  func.func @_count_body(%arg0: i32, %arg1: i32, %arg2: memref<320000xi32, #tpu.memory_space<hbm>>, %arg3: memref<32x1x10240xf32, #tpu.memory_space<hbm>>, %arg4: memref<10000xi32, #tpu.memory_space<vmem>>, %arg5: memref<10240xf32, #tpu.memory_space<vmem>>) attributes {dimension_semantics = [#tpu.dimension_semantics<core_parallel>, #tpu.dimension_semantics<subcore_parallel>], iteration_bounds = array<i64: 2, 16>, scalar_prefetch = 0 : i64, scratch_operands = 2 : i64, tpu.core_type = #tpu.core_type<sc_vector_subcore>, window_params = [{transform_indices = #map}, {transform_indices = #map1}]} {
    %mul3A = arith.constant 16 : i32
    %mul3A_0 = arith.muli %arg0, %mul3A : i32
    %add3A = arith.addi %mul3A_0, %arg1 : i32
    %mul3A_1 = arith.constant 10000 : i32
    %mul3A_2 = arith.muli %add3A, %mul3A_1 : i32
    %broadcast_in_dim3A = arith.constant 0.000000e+00 : f32
    %broadcast_in_dim3A_3 = vector.broadcast %broadcast_in_dim3A : f32 to vector<16xf32>
    %broadcast_in_dim3A_4 = arith.constant 1.000000e+00 : f32
    %broadcast_in_dim3A_5 = vector.broadcast %broadcast_in_dim3A_4 : f32 to vector<16xf32>
    %scan3A = arith.constant 0 : i32
    %scan3A_6 = arith.constant 0 : i32
    %scan3A_7 = arith.constant 640 : i32
    %scan3A_8 = arith.addi %scan3A_6, %scan3A_7 : i32
    %scan3A_9 = arith.constant 1 : i32
    scf.for %scan3A_17 = %scan3A_6 to %scan3A_8 step %scan3A_9  : i32 {
      %mul3A_18 = arith.constant 16 : i32
      %mul3A_19 = arith.muli %scan3A_17, %mul3A_18 : i32
      %swap3A = arith.index_cast %mul3A_19 : i32 to index
      %swap3A_20 = tpu.vector_load %arg5[%swap3A] {strides = array<i32>} : memref<10240xf32, #tpu.memory_space<vmem>>, vector<16xf32>,
      tpu.vector_store %arg5[%swap3A], %broadcast_in_dim3A_3 {strides = array<i32>} : memref<10240xf32, #tpu.memory_space<vmem>>, vector<16xf32>,
    }
    %scan3A_10 = arith.constant 640 : i32
    "tpu.region"() ({
      %run_scoped3A_17 = tpu.sem_alloc : memref<!tpu.dma_semaphore, #tpu.memory_space<semaphore_mem>>
      %dma_start3A = tpu.memref_slice %arg2[%mul3A_2] : memref<320000xi32, #tpu.memory_space<hbm>> -> memref<10000xi32, #tpu.memory_space<hbm>>
      %dma_start3A_18 = tpu.memref_slice %arg2[%mul3A_2] : memref<320000xi32, #tpu.memory_space<hbm>> -> memref<10000xi32, #tpu.memory_space<hbm>>
      tpu.enqueue_dma source(%dma_start3A_18 : memref<10000xi32, #tpu.memory_space<hbm>>) target(%arg4 : memref<10000xi32, #tpu.memory_space<vmem>>) target_semaphore(%run_scoped3A_17 : memref<!tpu.dma_semaphore, #tpu.memory_space<semaphore_mem>>)
      %dma_wait3A = tpu.memref_slice %arg2[%mul3A_2] : memref<320000xi32, #tpu.memory_space<hbm>> -> memref<10000xi32, #tpu.memory_space<hbm>>
      %dma_wait3A_19 = tpu.memref_slice %arg2[%mul3A_2] : memref<320000xi32, #tpu.memory_space<hbm>> -> memref<10000xi32, #tpu.memory_space<hbm>>
      tpu.wait_dma2 semaphore(%run_scoped3A_17 : memref<!tpu.dma_semaphore, #tpu.memory_space<semaphore_mem>>) src(%dma_wait3A_19 : memref<10000xi32, #tpu.memory_space<hbm>>) dst(%arg4 : memref<10000xi32, #tpu.memory_space<vmem>>)
      tpu.yield
    }) : () -> ()
    %scan3A_11 = arith.constant 0 : i32
    %scan3A_12 = arith.constant 0 : i32
    %scan3A_13 = arith.constant 625 : i32
    %scan3A_14 = arith.addi %scan3A_12, %scan3A_13 : i32
    %scan3A_15 = arith.constant 1 : i32
    scf.for %scan3A_17 = %scan3A_12 to %scan3A_14 step %scan3A_15  : i32 {
      %mul3A_18 = arith.constant 16 : i32
      %mul3A_19 = arith.muli %scan3A_17, %mul3A_18 : i32
      %get3A = arith.index_cast %mul3A_19 : i32 to index
      %get3A_20 = tpu.vector_load %arg4[%get3A] {strides = array<i32>} : memref<10000xi32, #tpu.memory_space<vmem>>, vector<16xi32>,
      tpu.vector_store_idx %arg5[%get3A_20], %broadcast_in_dim3A_5 {add = true} : memref<10240xf32, #tpu.memory_space<vmem>>[vector<16xi32>], vector<16xf32>,
    }
    %scan3A_16 = arith.constant 625 : i32
    %run_scoped3A = arith.constant 0 : i32
    "tpu.region"() ({
      %run_scoped3A_17 = tpu.sem_alloc : memref<!tpu.dma_semaphore, #tpu.memory_space<semaphore_mem>>
      %dma_start3A = arith.constant 0 : i32
      %dma_start3A_18 = tpu.memref_slice %arg3[%add3A, %run_scoped3A, %dma_start3A] : memref<32x1x10240xf32, #tpu.memory_space<hbm>> -> memref<1x1x10240xf32, #tpu.memory_space<hbm>>
      %dma_start3A_19 = tpu.memref_squeeze %dma_start3A_18 : memref<1x1x10240xf32, #tpu.memory_space<hbm>> -> memref<10240xf32, #tpu.memory_space<hbm>>
      %dma_start3A_20 = arith.constant 0 : i32
      %dma_start3A_21 = tpu.memref_slice %arg3[%add3A, %run_scoped3A, %dma_start3A_20] : memref<32x1x10240xf32, #tpu.memory_space<hbm>> -> memref<1x1x10240xf32, #tpu.memory_space<hbm>>
      %dma_start3A_22 = tpu.memref_squeeze %dma_start3A_21 : memref<1x1x10240xf32, #tpu.memory_space<hbm>> -> memref<10240xf32, #tpu.memory_space<hbm>>
      tpu.enqueue_dma source(%arg5 : memref<10240xf32, #tpu.memory_space<vmem>>) target(%dma_start3A_22 : memref<10240xf32, #tpu.memory_space<hbm>>) target_semaphore(%run_scoped3A_17 : memref<!tpu.dma_semaphore, #tpu.memory_space<semaphore_mem>>)
      %dma_wait3A = arith.constant 0 : i32
      %dma_wait3A_23 = tpu.memref_slice %arg3[%add3A, %run_scoped3A, %dma_wait3A] : memref<32x1x10240xf32, #tpu.memory_space<hbm>> -> memref<1x1x10240xf32, #tpu.memory_space<hbm>>
      %dma_wait3A_24 = tpu.memref_squeeze %dma_wait3A_23 : memref<1x1x10240xf32, #tpu.memory_space<hbm>> -> memref<10240xf32, #tpu.memory_space<hbm>>
      %dma_wait3A_25 = arith.constant 0 : i32
      %dma_wait3A_26 = tpu.memref_slice %arg3[%add3A, %run_scoped3A, %dma_wait3A_25] : memref<32x1x10240xf32, #tpu.memory_space<hbm>> -> memref<1x1x10240xf32, #tpu.memory_space<hbm>>
      %dma_wait3A_27 = tpu.memref_squeeze %dma_wait3A_26 : memref<1x1x10240xf32, #tpu.memory_space<hbm>> -> memref<10240xf32, #tpu.memory_space<hbm>>
      tpu.wait_dma2 semaphore(%run_scoped3A_17 : memref<!tpu.dma_semaphore, #tpu.memory_space<semaphore_mem>>) src(%arg5 : memref<10240xf32, #tpu.memory_space<vmem>>) dst(%dma_wait3A_27 : memref<10240xf32, #tpu.memory_space<hbm>>)
      tpu.yield
    }) : () -> ()
    return
  }
}

module attributes {stable_mosaic.version = 14 : i64} {
  func.func @_proj_body(%arg0: i32, %arg1: memref<2000x128xf32, #tpu.memory_space<vmem>>, %arg2: memref<128x256xf32, #tpu.memory_space<vmem>>, %arg3: memref<128x256xf32, #tpu.memory_space<vmem>>, %arg4: memref<2000x256xf32, #tpu.memory_space<vmem>>, %arg5: memref<2000x256xf32, #tpu.memory_space<vmem>>) attributes {dimension_semantics = [#tpu.dimension_semantics<arbitrary>], iteration_bounds = array<i64: 5>, scalar_prefetch = 0 : i64, scratch_operands = 0 : i64, tpu.core_type = #tpu.core_type<tc>, window_params = [{transform_indices = @transform_0, window_bounds = array<i64: 2000, 128>}, {pipeline_mode = #tpu.pipeline_mode<synchronous>, transform_indices = @transform_1, window_bounds = array<i64: 128, 256>}, {pipeline_mode = #tpu.pipeline_mode<synchronous>, transform_indices = @transform_2, window_bounds = array<i64: 128, 256>}, {transform_indices = @transform_3, window_bounds = array<i64: 2000, 256>}, {transform_indices = @transform_4, window_bounds = array<i64: 2000, 256>}]} {
    %get3A = arith.constant 0 : index
    %get3A_0 = arith.constant 0 : index
    %get3A_1 = vector.load %arg1[%get3A, %get3A_0] : memref<2000x128xf32, #tpu.memory_space<vmem>>, vector<2000x128xf32>
    %get3A_2 = arith.constant 0 : index
    %get3A_3 = arith.constant 0 : index
    %get3A_4 = vector.load %arg2[%get3A_2, %get3A_3] : memref<128x256xf32, #tpu.memory_space<vmem>>, vector<128x256xf32>
    %dot_general3A = arith.constant dense<0.000000e+00> : vector<2000x256xf32>
    %dot_general3A_5 = tpu.matmul %get3A_1, %get3A_4, %dot_general3A {dimension_numbers = #tpu.dot_dimension_numbers<[1], [0], [0], [1], [0, 0, 1, 1], [], []>, transpose_lhs_hint = false} : vector<2000x128xf32>, vector<128x256xf32>, vector<2000x256xf32> -> vector<2000x256xf32>
    %swap3A = arith.constant 0 : index
    %swap3A_6 = arith.constant 0 : index
    %swap3A_7 = vector.load %arg4[%swap3A, %swap3A_6] : memref<2000x256xf32, #tpu.memory_space<vmem>>, vector<2000x256xf32>
    tpu.vector_store %arg4[%swap3A, %swap3A_6], %dot_general3A_5 {strides = array<i32>} : memref<2000x256xf32, #tpu.memory_space<vmem>>, vector<2000x256xf32>,
    %get3A_8 = arith.constant 0 : index
    %get3A_9 = arith.constant 0 : index
    %get3A_10 = vector.load %arg3[%get3A_8, %get3A_9] : memref<128x256xf32, #tpu.memory_space<vmem>>, vector<128x256xf32>
    %dot_general3A_11 = arith.constant dense<0.000000e+00> : vector<2000x256xf32>
    %dot_general3A_12 = tpu.matmul %get3A_1, %get3A_10, %dot_general3A_11 {dimension_numbers = #tpu.dot_dimension_numbers<[1], [0], [0], [1], [0, 0, 1, 1], [], []>, transpose_lhs_hint = false} : vector<2000x128xf32>, vector<128x256xf32>, vector<2000x256xf32> -> vector<2000x256xf32>
    %swap3A_13 = arith.constant 0 : index
    %swap3A_14 = arith.constant 0 : index
    %swap3A_15 = vector.load %arg5[%swap3A_13, %swap3A_14] : memref<2000x256xf32, #tpu.memory_space<vmem>>, vector<2000x256xf32>
    tpu.vector_store %arg5[%swap3A_13, %swap3A_14], %dot_general3A_12 {strides = array<i32>} : memref<2000x256xf32, #tpu.memory_space<vmem>>, vector<2000x256xf32>,
    return
  }
  func.func @transform_0(%arg0: i32) -> (i32, i32) {
    %c0_i32 = arith.constant 0 : i32
    %c0_i32_0 = arith.constant 0 : i32
    return %arg0, %c0_i32 : i32, i32
  }
  func.func @transform_1(%arg0: i32) -> (i32, i32) {
    %c0_i32 = arith.constant 0 : i32
    %c0_i32_0 = arith.constant 0 : i32
    %c0_i32_1 = arith.constant 0 : i32
    return %c0_i32, %c0_i32_0 : i32, i32
  }
  func.func @transform_2(%arg0: i32) -> (i32, i32) {
    %c0_i32 = arith.constant 0 : i32
    %c0_i32_0 = arith.constant 0 : i32
    %c0_i32_1 = arith.constant 0 : i32
    return %c0_i32, %c0_i32_0 : i32, i32
  }
  func.func @transform_3(%arg0: i32) -> (i32, i32) {
    %c0_i32 = arith.constant 0 : i32
    %c0_i32_0 = arith.constant 0 : i32
    return %arg0, %c0_i32 : i32, i32
  }
  func.func @transform_4(%arg0: i32) -> (i32, i32) {
    %c0_i32 = arith.constant 0 : i32
    %c0_i32_0 = arith.constant 0 : i32
    return %arg0, %c0_i32 : i32, i32
  }
}

module attributes {stable_mosaic.version = 14 : i64} {
  func.func @_edge_body(%arg0: i32, %arg1: memref<2000x256xf32, #tpu.memory_space<vmem>>, %arg2: memref<2000x16xf32, #tpu.memory_space<vmem>>, %arg3: memref<16x256xf32, #tpu.memory_space<vmem>>, %arg4: memref<1x256xf32, #tpu.memory_space<vmem>>, %arg5: memref<2000x128xf32, #tpu.memory_space<vmem>>) attributes {dimension_semantics = [#tpu.dimension_semantics<arbitrary>], iteration_bounds = array<i64: 160>, scalar_prefetch = 0 : i64, scratch_operands = 0 : i64, tpu.core_type = #tpu.core_type<tc>, window_params = [{transform_indices = @transform_0, window_bounds = array<i64: 2000, 256>}, {transform_indices = @transform_1, window_bounds = array<i64: 2000, 16>}, {pipeline_mode = #tpu.pipeline_mode<synchronous>, transform_indices = @transform_2, window_bounds = array<i64: 16, 256>}, {pipeline_mode = #tpu.pipeline_mode<synchronous>, transform_indices = @transform_3, window_bounds = array<i64: 1, 256>}, {transform_indices = @transform_4, window_bounds = array<i64: 2000, 128>}]} {
    %get3A = arith.constant 0 : index
    %get3A_0 = arith.constant 0 : index
    %get3A_1 = vector.load %arg1[%get3A, %get3A_0] : memref<2000x256xf32, #tpu.memory_space<vmem>>, vector<2000x256xf32>
    %get3A_2 = arith.constant 0 : index
    %get3A_3 = arith.constant 0 : index
    %get3A_4 = vector.load %arg2[%get3A_2, %get3A_3] : memref<2000x16xf32, #tpu.memory_space<vmem>>, vector<2000x16xf32>
    %get3A_5 = arith.constant 0 : index
    %get3A_6 = arith.constant 0 : index
    %get3A_7 = vector.load %arg3[%get3A_5, %get3A_6] : memref<16x256xf32, #tpu.memory_space<vmem>>, vector<16x256xf32>
    %dot_general3A = arith.constant dense<0.000000e+00> : vector<2000x256xf32>
    %dot_general3A_8 = tpu.matmul %get3A_4, %get3A_7, %dot_general3A {dimension_numbers = #tpu.dot_dimension_numbers<[1], [0], [0], [1], [0, 0, 1, 1], [], []>, transpose_lhs_hint = false} : vector<2000x16xf32>, vector<16x256xf32>, vector<2000x256xf32> -> vector<2000x256xf32>
    %add3A = arith.addf %get3A_1, %dot_general3A_8 : vector<2000x256xf32>
    %get3A_9 = arith.constant 0 : index
    %get3A_10 = arith.constant 0 : index
    %get3A_11 = vector.load %arg4[%get3A_9, %get3A_10] : memref<1x256xf32, #tpu.memory_space<vmem>>, vector<1x256xf32>
    %add3A_12 = vector.broadcast %get3A_11 : vector<1x256xf32> to vector<2000x256xf32>
    %add3A_13 = arith.addf %add3A, %add3A_12 : vector<2000x256xf32>
    %slice3A = vector.extract_strided_slice %add3A_13 {offsets = [0, 0], sizes = [2000, 128], strides = [1, 1]} : vector<2000x256xf32> to vector<2000x128xf32>
    %slice3A_14 = vector.extract_strided_slice %add3A_13 {offsets = [0, 128], sizes = [2000, 128], strides = [1, 1]} : vector<2000x256xf32> to vector<2000x128xf32>
    %neg3A = arith.constant 0.000000e+00 : f32
    %neg3A_15 = vector.broadcast %neg3A : f32 to vector<2000x128xf32>
    %neg3A_16 = arith.subf %neg3A_15, %slice3A : vector<2000x128xf32>
    %exp3A = math.exp %neg3A_16 : vector<2000x128xf32>
    %add3A_17 = arith.constant 1.000000e+00 : f32
    %add3A_18 = vector.broadcast %add3A_17 : f32 to vector<2000x128xf32>
    %add3A_19 = arith.addf %add3A_18, %exp3A : vector<2000x128xf32>
    %div3A = arith.constant 1.000000e+00 : f32
    %div3A_20 = vector.broadcast %div3A : f32 to vector<2000x128xf32>
    %div3A_21 = arith.divf %div3A_20, %add3A_19 : vector<2000x128xf32>
    %max3A = arith.constant 0.000000e+00 : f32
    %max3A_22 = vector.broadcast %max3A : f32 to vector<2000x128xf32>
    %max3A_23 = arith.maximumf %slice3A_14, %max3A_22 : vector<2000x128xf32>
    %abs3A = math.absf %slice3A_14 : vector<2000x128xf32>
    %neg3A_24 = arith.constant 0.000000e+00 : f32
    %neg3A_25 = vector.broadcast %neg3A_24 : f32 to vector<2000x128xf32>
    %neg3A_26 = arith.subf %neg3A_25, %abs3A : vector<2000x128xf32>
    %exp3A_27 = math.exp %neg3A_26 : vector<2000x128xf32>
    %add3A_28 = arith.constant 1.000000e+00 : f32
    %add3A_29 = vector.broadcast %add3A_28 : f32 to vector<2000x128xf32>
    %add3A_30 = arith.addf %add3A_29, %exp3A_27 : vector<2000x128xf32>
    %log3A = math.log %add3A_30 : vector<2000x128xf32>
    %add3A_31 = arith.addf %max3A_23, %log3A : vector<2000x128xf32>
    %mul3A = arith.mulf %div3A_21, %add3A_31 : vector<2000x128xf32>
    %swap3A = arith.constant 0 : index
    %swap3A_32 = arith.constant 0 : index
    %swap3A_33 = vector.load %arg5[%swap3A, %swap3A_32] : memref<2000x128xf32, #tpu.memory_space<vmem>>, vector<2000x128xf32>
    tpu.vector_store %arg5[%swap3A, %swap3A_32], %mul3A {strides = array<i32>} : memref<2000x128xf32, #tpu.memory_space<vmem>>, vector<2000x128xf32>,
    return
  }
  func.func @transform_0(%arg0: i32) -> (i32, i32) {
    %c0_i32 = arith.constant 0 : i32
    %c0_i32_0 = arith.constant 0 : i32
    return %arg0, %c0_i32 : i32, i32
  }
  func.func @transform_1(%arg0: i32) -> (i32, i32) {
    %c0_i32 = arith.constant 0 : i32
    %c0_i32_0 = arith.constant 0 : i32
    return %arg0, %c0_i32 : i32, i32
  }
  func.func @transform_2(%arg0: i32) -> (i32, i32) {
    %c0_i32 = arith.constant 0 : i32
    %c0_i32_0 = arith.constant 0 : i32
    %c0_i32_1 = arith.constant 0 : i32
    return %c0_i32, %c0_i32_0 : i32, i32
  }
  func.func @transform_3(%arg0: i32) -> (i32, i32) {
    %c0_i32 = arith.constant 0 : i32
    %c0_i32_0 = arith.constant 0 : i32
    %c0_i32_1 = arith.constant 0 : i32
    return %c0_i32, %c0_i32_0 : i32, i32
  }
  func.func @transform_4(%arg0: i32) -> (i32, i32) {
    %c0_i32 = arith.constant 0 : i32
    %c0_i32_0 = arith.constant 0 : i32
    return %arg0, %c0_i32 : i32, i32
  }
}

module attributes {stable_mosaic.version = 14 : i64} {
  func.func @_fin_body(%arg0: i32, %arg1: memref<2048x128xf32, #tpu.memory_space<vmem>>, %arg2: memref<2x2048x128xf32, #tpu.memory_space<vmem>>, %arg3: memref<32x1x10240xf32, #tpu.memory_space<vmem>>, %arg4: memref<2048x128xf32, #tpu.memory_space<vmem>>) attributes {dimension_semantics = [#tpu.dimension_semantics<arbitrary>], iteration_bounds = array<i64: 5>, scalar_prefetch = 0 : i64, scratch_operands = 0 : i64, tpu.core_type = #tpu.core_type<tc>, window_params = [{transform_indices = @transform_0, window_bounds = array<i64: 2048, 128>}, {transform_indices = @transform_1, window_bounds = array<i64: 2, 2048, 128>}, {pipeline_mode = #tpu.pipeline_mode<synchronous>, transform_indices = @transform_2, window_bounds = array<i64: 32, 1, 10240>}, {transform_indices = @transform_3, window_bounds = array<i64: 2048, 128>}]} {
    %get3A = arith.constant 0 : index
    %get3A_0 = arith.constant 0 : index
    %get3A_1 = arith.constant 0 : index
    %get3A_2 = vector.load %arg2[%get3A, %get3A_0, %get3A_1] : memref<2x2048x128xf32, #tpu.memory_space<vmem>>, vector<1x2048x128xf32>
    %get3A_3 = vector.shape_cast %get3A_2 : vector<1x2048x128xf32> to vector<2048x128xf32>
    %get3A_4 = arith.constant 1 : index
    %get3A_5 = arith.constant 0 : index
    %get3A_6 = arith.constant 0 : index
    %get3A_7 = vector.load %arg2[%get3A_4, %get3A_5, %get3A_6] : memref<2x2048x128xf32, #tpu.memory_space<vmem>>, vector<1x2048x128xf32>
    %get3A_8 = vector.shape_cast %get3A_7 : vector<1x2048x128xf32> to vector<2048x128xf32>
    %add3A = arith.addf %get3A_3, %get3A_8 : vector<2048x128xf32>
    %mul3A = arith.constant 2048 : i32
    %mul3A_9 = arith.muli %arg0, %mul3A : i32
    %get3A_10 = arith.constant 0 : index
    %get3A_11 = arith.constant 0 : index
    %get3A_12 = arith.index_cast %mul3A_9 : i32 to index
    %get3A_13 = vector.load %arg3[%get3A_10, %get3A_11, %get3A_12] : memref<32x1x10240xf32, #tpu.memory_space<vmem>>, vector<32x1x2048xf32>
    %reduce_sum3A = arith.constant dense<0.000000e+00> : vector<2048xf32>
    %reduce_sum3A_14 = vector.multi_reduction <add>, %get3A_13, %reduce_sum3A [0, 1] : vector<32x1x2048xf32> to vector<2048xf32>
    %broadcast_in_dim3A = vector.shape_cast %reduce_sum3A_14 : vector<2048xf32> to vector<2048x1xf32>
    %get3A_15 = arith.constant 0 : index
    %get3A_16 = arith.constant 0 : index
    %get3A_17 = vector.load %arg1[%get3A_15, %get3A_16] : memref<2048x128xf32, #tpu.memory_space<vmem>>, vector<2048x128xf32>
    %max3A = arith.constant 1.000000e+00 : f32
    %max3A_18 = vector.broadcast %max3A : f32 to vector<2048x1xf32>
    %max3A_19 = arith.maximumf %broadcast_in_dim3A, %max3A_18 : vector<2048x1xf32>
    %div3A = vector.broadcast %max3A_19 : vector<2048x1xf32> to vector<2048x128xf32>
    %div3A_20 = arith.divf %add3A, %div3A : vector<2048x128xf32>
    %add3A_21 = arith.addf %get3A_17, %div3A_20 : vector<2048x128xf32>
    %swap3A = arith.constant 0 : index
    %swap3A_22 = arith.constant 0 : index
    %swap3A_23 = vector.load %arg4[%swap3A, %swap3A_22] : memref<2048x128xf32, #tpu.memory_space<vmem>>, vector<2048x128xf32>
    tpu.vector_store %arg4[%swap3A, %swap3A_22], %add3A_21 {strides = array<i32>} : memref<2048x128xf32, #tpu.memory_space<vmem>>, vector<2048x128xf32>,
    return
  }
  func.func @transform_0(%arg0: i32) -> (i32, i32) {
    %c0_i32 = arith.constant 0 : i32
    %c0_i32_0 = arith.constant 0 : i32
    return %arg0, %c0_i32 : i32, i32
  }
  func.func @transform_1(%arg0: i32) -> (i32, i32, i32) {
    %c0_i32 = arith.constant 0 : i32
    %c0_i32_0 = arith.constant 0 : i32
    %c0_i32_1 = arith.constant 0 : i32
    return %c0_i32, %arg0, %c0_i32_0 : i32, i32, i32
  }
  func.func @transform_2(%arg0: i32) -> (i32, i32, i32) {
    %c0_i32 = arith.constant 0 : i32
    %c0_i32_0 = arith.constant 0 : i32
    %c0_i32_1 = arith.constant 0 : i32
    %c0_i32_2 = arith.constant 0 : i32
    return %c0_i32, %c0_i32_0, %c0_i32_1 : i32, i32, i32
  }
  func.func @transform_3(%arg0: i32) -> (i32, i32) {
    %c0_i32 = arith.constant 0 : i32
    %c0_i32_0 = arith.constant 0 : i32
    return %arg0, %c0_i32 : i32, i32
  }
}

</mosaic_0001>

<sc_bundles>
// kernel: kernel.11.cloned.1.call-start
scs
__scs_entry_jumppad:
0x0: {  	(pc) =	sbr.rel $0x88, $3  }
0x1: {  	(tag) =	ssettag $0x0;
	lr =	simm.s32 $0x1  }
0x2: {  	[smem:$0x3F9A] =	sst lr;
	_ =	strace $0xD0000000  }
0x3: {  	_ = 	snop  }
0x4: {  	_ = 	snop  }
0x5: {  	_ = 	snop  }
0x6: {  	_ = 	snop  }
0x7: {  	_ = 	snop  }
__scs_overlays_trampoline_lowered:
0x8: {  	[smem:$0x3FA9] =	sst s0  }
0x9: {  	[smem:$0x3FAA] =	sst s1  }
0xa: {  	[smem:$0x3FAB] =	sst s2  }
0xb: {  	[smem:$0x3FAC] =	sst s3  }
0xc: {  	[smem:$0x3FAD] =	sst s4  }
0xd: {  	[smem:$0x3FAE] =	sst s5  }
0xe: {  	[smem:$0x3FAF] =	sst s6  }
0xf: {  	[smem:$0x3FB0] =	sst s7  }
0x10: {  	[smem:$0x3FB1] =	sst s8  }
0x11: {  	[smem:$0x3FB2] =	sst s9;
	s0 =	simm.s32 @!p0 $0x0  }
0x12: {  	s1 =	sld [smem:$0x3F98];
	s0 =	simm.s32 @p0 $0x1  }
0x13: {  	[smem:$0x3FB3] =	sst s0;
	s0 =	simm.s32 @!p1 $0x0  }
0x14: {  	s2 =	sld [smem:$0x3F97];
	s0 =	simm.s32 @p1 $0x1  }
0x15: {  	[smem:$0x3FB4] =	sst s0;
	s0 =	simm.s32 @!p2 $0x0  }
0x16: {  	s3 =	sld [smem:$0x3FDB];
	s0 =	simm.s32 @p2 $0x1  }
0x17: {  	s4 =	simm.s32 $0x1BF5;
	[smem:$0x3FB6] =	sst s0  }
0x18: {  	s0 =	sld [smem:$0x3F99];
	_ =	swait.ge [sflag:s4], $0x0  }
0x19: {  	s7 =	sld [smem:$0x3F9A]  }
0x1a: {  	s8 =	sadd.s32 $0xFFFFE003, lr  }
0x1b: {  	s9 =	sadd.s32 $0xFFFFFEF7, lr;
	s5 =	simm.s32 $0xFFFFFFFF;
	p2 =	slt.u32 s8, $0xFFFFF086  }
0x1c: {  	p1 =	slt.u32 s9, $0xF7A;
	s5 =	simm.s32 @!p2 $0x0  }
0x1d: {  	s5 =	simm.s32 @p1 $0x1;
	p0 =	seq.s32 s7, s2  }
0x1e: {  	s7 =	smul.u32 @!p0 $0xF7A, s2;
	p2 =	seq.s32 @!p0 s5, $0x0  }
0x1f: {  	s9 =	smul.u32 $0xF7A, s1;
	s8 =	simm.s32 @!p0 $0x1BF5;
	p2 =	por !p2, p0  }
0x20: {  	[sflag:s8] =	ssyncset.s32 @!p0 $0xFFFFF086;
	s6 =	sadd.s32 @!p0 s3, s7;
	s7 =	simm.s32 @!p0 $0x108  }
0x21: {  	s3 =	sadd.s32 s3, s9;
	s6 =	sadd.s32 @!p0 $0x88, s6;
	s7 =	simm.s32 @p2 $0x1082  }
0x22: {  	[simem:s7], [sflag:s8] =	dma.local @!p0 [hbm:s6], $0xF7A  }
0x23: {  	s9 =	sor.u32 $0xD0000000, s2;
	s6 =	simm.s32 $0x108;
	_ =	swait.ge @!p0 [sflag:s8], $0x0  }
0x24: {  	s3 =	sadd.s32 $0x88, s3;
	s6 =	simm.s32 @!p1 $0x1082;
	[sflag:s4] =	ssyncset.s32 $0xFFFFF086  }
0x25: {  	[simem:s6], [sflag:s4] =	dma.local [hbm:s3], $0xF7A  }
0x26: {  	[smem:$0x3F9A] =	sst s1;
	(tag) =	ssettag s2;
	_ =	strace s9  }
0x27: {  	s1 =	sld [smem:$0x3FAA]  }
0x28: {  	s2 =	sld [smem:$0x3FAB]  }
0x29: {  	s4 =	sld [smem:$0x3FAD]  }
0x2a: {  	p0 =	seq.s32 s5, $0x0;
	s5 =	sld [smem:$0x3FAE]  }
0x2b: {  	s6 =	sld [smem:$0x3FAF]  }
0x2c: {  	s7 =	sld [smem:$0x3FB0]  }
0x2d: {  	s3 =	simm.s32 $0x108;
	s8 =	sld [smem:$0x3FB1]  }
0x2e: {  	s3 =	simm.s32 @!p0 $0x1082;
	s9 =	sld [smem:$0x3FB2]  }
0x2f: {  	lr =	sadd.s32 s0, s3;
	s0 =	sld [smem:$0x3FA9]  }
0x30: {  	s3 =	sld [smem:$0x3FAC]  }
0x31: {  	[smem:$0x3FB5] =	sst s10  }
0x32: {  	s10 =	sld [smem:$0x3FB3];
	_ =	sdelay $0x3  }
0x33: {  	p0 =	seq.s32 s10, $0x1;
	s10 =	sld [smem:$0x3FB5];
	_ =	sdelay $0x3  }
0x34: {  	[smem:$0x3FB5] =	sst s10  }
0x35: {  	s10 =	sld [smem:$0x3FB4];
	_ =	sdelay $0x3  }
0x36: {  	p1 =	seq.s32 s10, $0x1;
	s10 =	sld [smem:$0x3FB5];
	_ =	sdelay $0x3  }
0x37: {  	[smem:$0x3FB5] =	sst s10  }
0x38: {  	s10 =	sld [smem:$0x3FB6]  }
0x39: {  	_ = 	snop;
	(pc) =	sbr.ind lr, $3  }
0x3a: {  	_ = 	snop  }
0x3b: {  	_ = 	snop  }
0x3c: {  	p2 =	seq.s32 s10, $0x1;
	s10 =	sld [smem:$0x3FB5]  }
0x3d: {  	_ =	shalt  }
0x3e: {  	_ =	shalt  }
0x3f: {  	_ =	shalt  }
0x40: {  	_ =	shalt  }
0x41: {  	_ =	shalt  }
0x42: {  	_ =	shalt  }
0x43: {  	_ =	shalt  }
0x44: {  	_ =	shalt  }
0x45: {  	_ =	shalt  }
0x46: {  	_ =	shalt  }
0x47: {  	_ =	shalt  }
0x48: {  	_ =	shalt  }
0x49: {  	_ =	shalt  }
0x4a: {  	_ =	shalt  }
0x4b: {  	_ =	shalt  }
0x4c: {  	_ =	shalt  }
0x4d: {  	_ =	shalt  }
0x4e: {  	_ =	shalt  }
0x4f: {  	_ =	shalt  }
0x50: {  	_ =	shalt  }
0x51: {  	_ =	shalt  }
0x52: {  	_ =	shalt  }
0x53: {  	_ =	shalt  }
0x54: {  	_ =	shalt  }
0x55: {  	_ =	shalt  }
0x56: {  	_ =	shalt  }
0x57: {  	_ =	shalt  }
0x58: {  	_ =	shalt  }
0x59: {  	_ =	shalt  }
0x5a: {  	_ =	shalt  }
0x5b: {  	_ =	shalt  }
0x5c: {  	_ =	shalt  }
0x5d: {  	_ =	shalt  }
0x5e: {  	_ =	shalt  }
0x5f: {  	_ =	shalt  }
0x60: {  	_ =	shalt  }
0x61: {  	_ =	shalt  }
0x62: {  	_ =	shalt  }
0x63: {  	_ =	shalt  }
0x64: {  	_ =	shalt  }
0x65: {  	_ =	shalt  }
0x66: {  	_ =	shalt  }
0x67: {  	_ =	shalt  }
0x68: {  	_ =	shalt  }
0x69: {  	_ =	shalt  }
0x6a: {  	_ =	shalt  }
0x6b: {  	_ =	shalt  }
0x6c: {  	_ =	shalt  }
0x6d: {  	_ =	shalt  }
0x6e: {  	_ =	shalt  }
0x6f: {  	_ =	shalt  }
0x70: {  	_ =	shalt  }
0x71: {  	_ =	shalt  }
0x72: {  	_ =	shalt  }
0x73: {  	_ =	shalt  }
0x74: {  	_ =	shalt  }
0x75: {  	_ =	shalt  }
0x76: {  	_ =	shalt  }
0x77: {  	_ =	shalt  }
0x78: {  	_ =	shalt  }
0x79: {  	_ =	shalt  }
0x7a: {  	_ =	shalt  }
0x7b: {  	_ =	shalt  }
0x7c: {  	_ =	shalt  }
0x7d: {  	_ =	shalt  }
0x7e: {  	_ =	shalt  }
0x7f: {  	_ =	shalt  }
0x80: {  	_ =	shalt  }
0x81: {  	_ =	shalt  }
0x82: {  	_ =	shalt  }
0x83: {  	_ =	shalt  }
0x84: {  	_ =	shalt  }
0x85: {  	_ =	shalt  }
0x86: {  	_ =	shalt  }
0x87: {  	_ =	shalt  }
.Lfunc_end0:
.L_simem_size_0:
called_computation.1_lowered:
.L_overlay_start_0:
0x88: {  	s2 =	sld [smem:$0x3FD9]  }
0x89: {  	s3 =	sld [smem:$0x3FFE];
	_ =	sdelay $0x1  }
0x8a: {  	s1 =	srdreg.scid  }
0x8b: {  	s0 =	sand.u32 $0x1, s1  }
0x8c: {  	s17 =	sshll.u32 s0, $0xA;
	s2 =	sadd.s32 s3, s2  }
0x8d: {  	s2 =	sadd.s32 s2, s17  }
0x8e: {  	[smem:$0x3FC1] =	sst s2  }
0x8f: {  	_ = 	snop  }
0x90: {  	(tm) =	ssettm $0x1  }
0x91: {  	s18 =	sld [smem:$0x3FFB];
	_ =	sdelay $0x3  }
0x92: {  	_ =	strace s18  }
0x93: {  	s2 =	sld [smem:$0x3FFC];
	_ =	sdelay $0x3  }
0x94: {  	_ =	strace s2  }
0x95: {  	s2 =	sld [smem:$0x3FFD];
	_ =	sdelay $0x3  }
0x96: {  	_ =	strace s2  }
0x97: {  	_ =	strace $0x8FFFFFFF  }
0x98: {  	s19 =	sld [smem:$0x3FDB];
	_ =	sdelay $0x1  }
0x99: {  	s20 =	simm.s32 $_scs_section_size  }
0x9a: {  	s4 =	simm.s32 $_size__tile_overlayer_lowered;
	s5 =	simm.s32 $_tile_overlayer_lowered  }
0x9b: {  	s6 =	simm.s32 $0x1BFF;
	s21 =	sshll.u32 s5, $0x1;
	s3 =	sadd.s32 s20, s19  }
0x9c: {  	s22 =	simm.s32 $0x0;
	s4 =	sshll.u32 s4, $0x1;
	s5 =	sadd.s32 s21, s3  }
0x9d: {  	[timem:s22], [sflag:s6] =	dma.local [hbm:s5], s4  }
0x9e: {  	_ =	swait.ge [sflag:s6], s4  }
0x9f: {  	s4 =	ssub.s32 $0x0, s4;
	[sflag:s6] =	ssyncset.done $0x0  }
0xa0: {  	[sflag:s6] =	ssyncadd.s32 s4;
	_ =	sdelay $0x1  }
0xa1: {  	s23 =	simm.s32 $0x1B8B  }
0xa2: {  	_ =	swait.ge [sflag:s23], $0x1  }
0xa3: {  	[sflag:s23] =	ssyncset.done $0x0  }
0xa4: {  	[sflag:s23] =	ssyncadd.s32 $0xFFFFFFFF  }
0xa5: {  	s4 =	sld [smem:$0x0]  }
0xa6: {  	s5 =	sand.u32 $0xFFFFFFFE, s1  }
0xa7: {  	p0 =	sne.s32 s1, s5  }
0xa8: {  	s5 =	sshll.u32 @p0 s5, $0xE  }
0xa9: {  	s5 =	sadd.s32 @p0 $0x11B8D, s5;
	s6 =	sshll.u32 @p0 s4, $0x11  }
0xaa: {  	s5 =	sor.u32 @p0 s6, s5  }
0xab: {  	[sflag:s5] =	ssyncadd.remote.s32 @p0 $0x1;
	_ =	sdelay $0x1  }
0xac: {  	s5 =	simm.s32 @p0 $0x1B8D  }
0xad: {  	_ =	swait.eq @p0 [sflag:s5], $0x1  }
0xae: {  	[sflag:s5] =	ssyncadd.s32 @p0 $0xFFFFFFFF  }
0xaf: {  	s6 =	sshll.u32 @!p0 s1, $0xE  }
0xb0: {  	s6 =	sor.u32 @!p0 $0x4000, s6;
	s5 =	simm.s32 @!p0 $0x1B8D  }
0xb1: {  	s4 =	sshll.u32 @!p0 s4, $0x11;
	s6 =	sadd.s32 @!p0 $0x11B8D, s6;
	_ =	swait.eq @!p0 [sflag:s5], $0x1  }
0xb2: {  	s4 =	sor.u32 @!p0 s4, s6;
	[sflag:s5] =	ssyncadd.s32 @!p0 $0xFFFFFFFF  }
0xb3: {  	s25 =	simm.s32 $0x1B8E;
	s24 =	sld [smem:$0x3FFE];
	[sflag:s4] =	ssyncadd.remote.s32 @!p0 $0x1  }
0xb4: {  	s26 =	simm.s32 $execute0_lowered;
	[smem:$0x3FD2] =	sst s25  }
0xb5: {  	s5 =	sshll.u32 s26, $0x1;
	_ =	strace $0x8000004C;
	[dreg:$0x1] =	wrdreg $0xFFFFFFFF  }
0xb6: {  	s28 =	simm.s32 $_size_execute0_lowered;
	s3 =	sadd.s32 s3, s5;
	[dreg:$0x0] =	wrdreg $0x0  }
0xb7: {  	s5 =	sshll.u32 s28, $0x1;
	[dreg:$0x2] =	wrdreg s3  }
0xb8: {  	[dreg:$0x3] =	wrdreg s5  }
0xb9: {  	[dreg:$0x4] =	wrdreg $0xC0  }
0xba: {  	_ =	task [dreg:s22], $0x5FFFF  }
0xbb: {  	[dreg:$0x1] =	wrdreg $0xFFFFFFFF  }
0xbc: {  	[dreg:$0x0] =	wrdreg $0x60  }
0xbd: {  	[dreg:$0x2] =	wrdreg s24  }
0xbe: {  	[dreg:$0x3] =	wrdreg $0xA8000  }
0xbf: {  	[dreg:$0x4] =	wrdreg $0xA  }
0xc0: {  	_ =	task.clear_ibuf [dreg:s22], $0x5FFFF;
	_ =	strace $0x9000004C  }
0xc1: {  	s29 =	simm.s32 $0xA;
	_ =	strace $0x8000004E  }
0xc2: {  	_ =	swait.ge [sflag:s29], $0x1  }
0xc3: {  	[sflag:s29] =	ssyncadd.s32 $0xFFFFFFFF  }
0xc4: {  	_ =	strace $0x9000004E  }
0xc5: {  	_ =	sfence  }
0xc6: {  	s30 =	sld [smem:$0x0];
	_ =	sdelay $0x2  }
0xc7: {  	s31 =	sshll.u32 s1, $0xD;
	s1 =	sshrl.u32 s1, $0x2  }
0xc8: {  	s4 =	sand.u32 $0x4000, s31;
	s1 =	sadd.s32 s1, s30  }
0xc9: {  	s0 =	sor.u32 s4, s0;
	s1 =	sshll.u32 s1, $0x11  }
0xca: {  	s0 =	sor.u32 s1, s0  }
0xcb: {  	s0 =	sadd.s32 $0x8F2B, s0  }
0xcc: {  	[sflag:s0] =	ssyncadd.remote.s32 $0x1  }
0xcd: {  	_ =	sfence.sel $0xFFFF  }
0xce: {  	[dreg:$0x0] =	wrdreg $0xFFFFFFFF;
	(pc) =	sbr.abs _section_cstart, $3  }
0xcf: {  	[dreg:$0x1] =	wrdreg $0xFFFFFFFF  }
0xd0: {  	_ =	task.clear_ibuf [dreg:s22], $0x2FFFF;
	_ =	strace $0x9FFFFFFF  }
0xd1: {  	(tm) =	ssettm $0x7FFFFFFF  }
tec
execute0_lowered:
.L_overlay_start_1:
0x0: {  	(tag) =	ssettag $0x1  }
0x1: {  	s4 =	rddreg [dreg:$0x0]  }
0x2: {  	s1 =	rddreg [dreg:$0x1];
	s3 =	srdreg.scid  }
0x3: {  	s0 =	rddreg [dreg:$0x2];
	s2 =	simm.s32 $0x0;
	s6 =	sand.u32 $0x1, s3  }
0x4: {  	s20 =	simm.s32 $0x50;
	s3 =	stileid.u32;
	s5 =	smul.u32 $0x271000, s6  }
0x5: {  	[smem:$0x7FF] =	sst s2;
	s14 =	sadd.s32 $0xA86600, s4;
	s24 =	smul.u32 $0x50000, s3  }
0x6: {  	s21 =	simm.s32 $0x0;
	_ =	strace $0x8000004D;
	s9 =	smul.u32 $0x14000, s3  }
0x7: {  	s7 =	sshll.u32 s3, $0xB;
	s8 =	sshll.u32 s6, $0xF;
	s12 =	smul.u32 $0x140000, s6  }
0x8: {  	s25 =	ssub.s32 $0x2, s6;
	s31 =	smul.u32 $0x27100, s3;
	s23 =	sor.u32 s7, s8  }
0x9: {  	s26 =	sshrl.u32 s25, $0x1;
	s16 =	sadd.s32 s5, s4;
	s5 =	sadd.s32 s23, s4  }
0xa: {  	s7 =	sshrl.u32 s24, $0x2;
	s15 =	ssub.s32 s25, s26;
	s10 =	sadd.s32 $0x4000, s9  }
0xb: {  	s11 =	sadd.s32 $0x8000, s9;
	s13 =	sadd.s32 $0xC000, s9;
	s17 =	sadd.s32 $0x10000, s9  }
0xc: {  	s18 =	sadd.s32 s9, s12;
	s4 =	sadd.s32 $0xC200, s5;
	s5 =	sadd.s32 s7, s1  }
0xd: {  	s6 =	sadd.s32 s10, s1;
	s7 =	sadd.s32 s11, s1;
	s8 =	sadd.s32 s13, s1  }
0xe: {  	s9 =	sadd.s32 s17, s1;
	s18 =	sshrl.u32 s18, $0x3;
	s19 =	sadd.s32 s12, s10  }
0xf: {  	s29 =	sadd.s32 s12, s11;
	s13 =	sadd.s32 s12, s13;
	s17 =	sadd.s32 s12, s17  }
0x10: {  	s15 =	smax.u32 s15, $0x1;
	s16 =	sadd.s32 s31, s16;
	s10 =	sadd.s32 s14, s18  }
0x11: {  	s28 =	sshrl.u32 s19, $0x3;
	s30 =	sshrl.u32 s29, $0x3;
	s13 =	sshrl.u32 s13, $0x3  }
0x12: {  	s17 =	sshrl.u32 s17, $0x3;
	s16 =	sadd.s32 $0xF68600, s16;
	s18 =	simm.s32 $0x6800  }
0x13: {  	s19 =	simm.s32 $0x4000;
	s11 =	sadd.s32 s14, s28;
	s12 =	sadd.s32 s14, s30  }
0x14: {  	v0 =	vimm.f32 $0.0e+00;
	s13 =	sadd.s32 s14, s13;
	s14 =	sadd.s32 s14, s17;
	s17 =	simm.s32 $0x1  }
.LBB2_1:
0x15: {  	s22 =	simm.s32 $0x0;
	s23 =	simm.s32 $0x200  }
.LBB2_2:
0x16: {  	p0 =	sne.s32 s23, $0xFE00;
	[tilespmem:s22+$0x6870] =	vst v0  }
0x17: {  	[tilespmem:s22+$0x6800] =	vst v0  }
0x18: {  	[tilespmem:s22+$0x6810] =	vst v0  }
.Ltmp0:
0x19: {  	[tilespmem:s22+$0x6820] =	vst v0;
	(pc) =	sbr.rel @p0 .LBB2_2-.Ltmp0, $4  }
0x1a: {  	[tilespmem:s22+$0x6830] =	vst v0  }
0x1b: {  	[tilespmem:s22+$0x6840] =	vst v0  }
0x1c: {  	[tilespmem:s22+$0x6850] =	vst v0  }
0x1d: {  	[tilespmem:s22+$0x6860] =	vst v0;
	s22 =	sshra.s32 s23, $0x2;
	s23 =	sadd.s32 $0x200, s23  }
0x1e: {  	[tilespmem:s22+$0x6870] =	vst v0  }
0x1f: {  	[tilespmem:s22+$0x6800] =	vst v0  }
0x20: {  	[tilespmem:s22+$0x6810] =	vst v0  }
0x21: {  	[tilespmem:s22+$0x6820] =	vst v0  }
0x22: {  	[tilespmem:s22+$0x6830] =	vst v0  }
0x23: {  	[tilespmem:s22+$0x6840] =	vst v0  }
0x24: {  	[tilespmem:s22+$0x6850] =	vst v0  }
0x25: {  	[tilespmem:s22+$0x6860] =	vst v0;
	s30 =	simm.s32 $0x0  }
0x26: {  	[tilespmem:s30], [sflag:$0x1] =	stream.linear.gather [hbm4b:s4+s30], $0x3E80, $0x38;
	[tilespmem:$0x1E800] =	vst v63  }
0x27: {  	_ =	swait.ge [sflag:s17], $0x3E80  }
0x28: {  	[sflag:s17] =	ssyncset.done $0x0  }
0x29: {  	[sflag:s17] =	ssyncadd.s32 $0xFFFFC180  }
0x2a: {  	[spmem:s5] =	stream.linear.scatter [tilespmem:s18], [sflag:$0x1], $0x4000, $0x38;
	[tilespmem:$0x1E800] =	vst v63  }
0x2b: {  	_ =	swait.ge [sflag:s17], $0x4000  }
0x2c: {  	[sflag:s17] =	ssyncset.done $0x0  }
0x2d: {  	[sflag:s17] =	ssyncadd.s32 $0xFFFFC000  }
0x2e: {  	[spmem:s6] =	stream.linear.scatter [tilespmem:s18], [sflag:$0x1], $0x4000, $0x38;
	[tilespmem:$0x1E800] =	vst v63  }
0x2f: {  	_ =	swait.ge [sflag:s17], $0x4000  }
0x30: {  	[sflag:s17] =	ssyncset.done $0x0  }
0x31: {  	[sflag:s17] =	ssyncadd.s32 $0xFFFFC000  }
0x32: {  	[spmem:s7] =	stream.linear.scatter [tilespmem:s18], [sflag:$0x1], $0x4000, $0x38;
	[tilespmem:$0x1E800] =	vst v63  }
0x33: {  	_ =	swait.ge [sflag:s17], $0x4000  }
0x34: {  	[sflag:s17] =	ssyncset.done $0x0  }
0x35: {  	[sflag:s17] =	ssyncadd.s32 $0xFFFFC000  }
0x36: {  	[spmem:s8] =	stream.linear.scatter [tilespmem:s18], [sflag:$0x1], $0x4000, $0x38;
	[tilespmem:$0x1E800] =	vst v63  }
0x37: {  	_ =	swait.ge [sflag:s17], $0x4000  }
0x38: {  	[sflag:s17] =	ssyncset.done $0x0  }
0x39: {  	[sflag:s17] =	ssyncadd.s32 $0xFFFFC000  }
0x3a: {  	[spmem:s9] =	stream.linear.scatter [tilespmem:s18], [sflag:$0x1], $0x4000, $0x38;
	[tilespmem:$0x1E800] =	vst v63  }
0x3b: {  	_ =	swait.ge [sflag:s17], $0x4000  }
0x3c: {  	[sflag:s17] =	ssyncset.done $0x0  }
0x3d: {  	[sflag:s17] =	ssyncadd.s32 $0xFFFFC000  }
0x3e: {  	[bflag:$0x0] =	sbarrier.arrive $0xFFFF  }
0x3f: {  	[tilespmem:s19], [sflag:$0x1] =	stream.linear.gather [hbm4b:s16+s2], $0x2800, $0x38;
	[tilespmem:$0x1E800] =	vst v63  }
0x40: {  	_ =	swait.ge [sflag:s17], $0x2800  }
0x41: {  	[sflag:s17] =	ssyncset.done $0x0  }
0x42: {  	s31 =	simm.s32 $0x0;
	[sflag:s17] =	ssyncadd.s32 $0xFFFFD800  }
0x43: {  	[spmem:s1] =	stream.indirect.scatter.add.f32 [tilespmem:s19], [sflag:$0x1], $0x80, s31, s20, $0xb8;
	[tilespmem:$0x1E800] =	vst v63  }
0x44: {  	_ =	swait.ge [sflag:s17], $0x2800  }
0x45: {  	s22 =	simm.s32 $0x200;
	s23 =	smov.u32 s16;
	[sflag:s17] =	ssyncset.done $0x0  }
.LBB2_4:
0x46: {  	p0 =	sne.s32 s22, $0xF800;
	[sflag:s17] =	ssyncadd.s32 $0xFFFFD800;
	s23 =	sadd.s32 $0x500, s23  }
0x47: {  	[tilespmem:s19], [sflag:$0x1] =	stream.linear.gather [hbm4b:s23+s2], $0x2800, $0x38;
	[tilespmem:$0x1E800] =	vst v63  }
0x48: {  	s24 =	smov.u32 s22;
	s22 =	sadd.s32 $0x200, s22;
	_ =	swait.ge [sflag:s17], $0x2800  }
.Ltmp1:
0x49: {  	[sflag:s17] =	ssyncset.done $0x0;
	(pc) =	sbr.rel @p0 .LBB2_4-.Ltmp1, $4  }
0x4a: {  	s24 =	sshra.s32 s24, $0x2;
	[sflag:s17] =	ssyncadd.s32 $0xFFFFD800  }
0x4b: {  	[spmem:s1] =	stream.indirect.scatter.add.f32 [tilespmem:s19], [sflag:$0x1], $0x80, s24, s20, $0xb8;
	[tilespmem:$0x1E800] =	vst v63  }
0x4c: {  	_ =	swait.ge [sflag:s17], $0x2800  }
0x4d: {  	[sflag:s17] =	ssyncset.done $0x0  }
0x4e: {  	[sflag:s17] =	ssyncadd.s32 $0xFFFFD800  }
0x4f: {  	[bflag:$0x0] =	sbarrier.arrive $0xFFFF  }
0x50: {  	[tilespmem:s18], [sflag:$0x1] =	stream.linear.gather [spmem:s5], $0x4000, $0x38;
	[tilespmem:$0x1E800] =	vst v63  }
0x51: {  	_ =	swait.ge [sflag:s17], $0x4000  }
0x52: {  	[sflag:s17] =	ssyncset.done $0x0  }
0x53: {  	[sflag:s17] =	ssyncadd.s32 $0xFFFFC000  }
0x54: {  	[hbm4b:s10+s2] =	stream.linear.scatter [tilespmem:s18], [sflag:$0x1], $0x4000, $0x38;
	[tilespmem:$0x1E800] =	vst v63  }
0x55: {  	_ =	swait.ge [sflag:s17], $0x4000  }
0x56: {  	[sflag:s17] =	ssyncset.done $0x0  }
0x57: {  	[sflag:s17] =	ssyncadd.s32 $0xFFFFC000  }
0x58: {  	[tilespmem:s18], [sflag:$0x1] =	stream.linear.gather [spmem:s6], $0x4000, $0x38;
	[tilespmem:$0x1E800] =	vst v63  }
0x59: {  	_ =	swait.ge [sflag:s17], $0x4000  }
0x5a: {  	[sflag:s17] =	ssyncset.done $0x0  }
0x5b: {  	[sflag:s17] =	ssyncadd.s32 $0xFFFFC000  }
0x5c: {  	[hbm4b:s11+s2] =	stream.linear.scatter [tilespmem:s18], [sflag:$0x1], $0x4000, $0x38;
	[tilespmem:$0x1E800] =	vst v63  }
0x5d: {  	_ =	swait.ge [sflag:s17], $0x4000  }
0x5e: {  	[sflag:s17] =	ssyncset.done $0x0  }
0x5f: {  	[sflag:s17] =	ssyncadd.s32 $0xFFFFC000  }
0x60: {  	[tilespmem:s18], [sflag:$0x1] =	stream.linear.gather [spmem:s7], $0x4000, $0x38;
	[tilespmem:$0x1E800] =	vst v63  }
0x61: {  	_ =	swait.ge [sflag:s17], $0x4000  }
0x62: {  	[sflag:s17] =	ssyncset.done $0x0  }
0x63: {  	[sflag:s17] =	ssyncadd.s32 $0xFFFFC000  }
0x64: {  	[hbm4b:s12+s2] =	stream.linear.scatter [tilespmem:s18], [sflag:$0x1], $0x4000, $0x38;
	[tilespmem:$0x1E800] =	vst v63  }
0x65: {  	_ =	swait.ge [sflag:s17], $0x4000  }
0x66: {  	[sflag:s17] =	ssyncset.done $0x0  }
0x67: {  	[sflag:s17] =	ssyncadd.s32 $0xFFFFC000  }
0x68: {  	[tilespmem:s18], [sflag:$0x1] =	stream.linear.gather [spmem:s8], $0x4000, $0x38;
	[tilespmem:$0x1E800] =	vst v63  }
0x69: {  	_ =	swait.ge [sflag:s17], $0x4000  }
0x6a: {  	[sflag:s17] =	ssyncset.done $0x0  }
0x6b: {  	[sflag:s17] =	ssyncadd.s32 $0xFFFFC000  }
0x6c: {  	[hbm4b:s13+s2] =	stream.linear.scatter [tilespmem:s18], [sflag:$0x1], $0x4000, $0x38;
	[tilespmem:$0x1E800] =	vst v63  }
0x6d: {  	_ =	swait.ge [sflag:s17], $0x4000  }
0x6e: {  	[sflag:s17] =	ssyncset.done $0x0  }
0x6f: {  	[sflag:s17] =	ssyncadd.s32 $0xFFFFC000  }
0x70: {  	[tilespmem:s18], [sflag:$0x1] =	stream.linear.gather [spmem:s9], $0x4000, $0x38;
	[tilespmem:$0x1E800] =	vst v63  }
0x71: {  	s21 =	sadd.s32 $0x1, s21;
	_ =	swait.ge [sflag:s17], $0x4000  }
0x72: {  	p0 =	sne.s32 s21, s15;
	[sflag:s17] =	ssyncset.done $0x0  }
.Ltmp2:
0x73: {  	[sflag:s17] =	ssyncadd.s32 $0xFFFFC000;
	(pc) =	sbr.rel @p0 .LBB2_1-.Ltmp2, $4  }
0x74: {  	[hbm4b:s14+s2] =	stream.linear.scatter [tilespmem:s18], [sflag:$0x1], $0x4000, $0x38;
	[tilespmem:$0x1E800] =	vst v63  }
0x75: {  	_ =	swait.ge [sflag:s17], $0x4000  }
0x76: {  	[sflag:s17] =	ssyncset.done $0x0  }
0x77: {  	[sflag:s17] =	ssyncadd.s32 $0xFFFFC000  }
0x78: {  	_ =	sfence.sel $0x180000  }
0x79: {  	[bflag:$0x0] =	sbarrier.arrive $0xFFFF  }
0x7a: {  	p0 =	sne.s32 s3, $0x0;
	_ =	strace $0x9000004D  }
0x7b: {  	s0 =	sadd.s32 @!p0 $0x100000, s0;
	[bflag:$0x2] =	sbarrier.arrive $0xFFFF  }
0x7c: {  	[sflag:s0] =	ssyncadd.tile.s32 @!p0 $0x1;
	_ =	shalt  }
.Lfunc_end2:
_tile_overlayer_lowered:
.L_overlay_start_2:
0x7d: {  	(tag) =	ssettag $0x2  }
0x7e: {  	s0 =	rddreg [dreg:$0x0];
	s2 =	stileid.u32  }
0x7f: {  	s1 =	rddreg [dreg:$0x1];
	p0 =	sne.s32 s2, $0x0  }
0x80: {  	s3 =	rddreg [dreg:$0x2];
	[bflag:$0x3] =	sbarrier.arrive $0xFFFF;
	s2 =	simm.s32 @!p0 $0x1C01  }
0x81: {  	[timem:s3], [sflag:s2] =	dma.local @!p0 [hbm:s0], s1  }
0x82: {  	s0 =	simm.s32 @!p0 $0x1  }
0x83: {  	_ =	swait.ge @!p0 [sflag:s0], s1  }
0x84: {  	s1 =	ssub.s32 @!p0 $0x0, s1;
	[sflag:s0] =	ssyncset.done @!p0 $0x0  }
0x85: {  	[sflag:s0] =	ssyncadd.s32 @!p0 s1  }
0x86: {  	[bflag:$0x3] =	sbarrier.arrive $0xFFFF  }
0x87: {  	_ =	shalt  }

// kernel: kernel.14.cloned.1.call-start
scs
__scs_entry_jumppad:
0x0: {  	(pc) =	sbr.rel $0x88, $3  }
0x1: {  	(tag) =	ssettag $0x0;
	lr =	simm.s32 $0x1  }
0x2: {  	[smem:$0x3F9A] =	sst lr;
	_ =	strace $0xD0000000  }
0x3: {  	_ = 	snop  }
0x4: {  	_ = 	snop  }
0x5: {  	_ = 	snop  }
0x6: {  	_ = 	snop  }
0x7: {  	_ = 	snop  }
__scs_overlays_trampoline_lowered:
0x8: {  	[smem:$0x3FA9] =	sst s0  }
0x9: {  	[smem:$0x3FAA] =	sst s1  }
0xa: {  	[smem:$0x3FAB] =	sst s2  }
0xb: {  	[smem:$0x3FAC] =	sst s3  }
0xc: {  	[smem:$0x3FAD] =	sst s4  }
0xd: {  	[smem:$0x3FAE] =	sst s5  }
0xe: {  	[smem:$0x3FAF] =	sst s6  }
0xf: {  	[smem:$0x3FB0] =	sst s7  }
0x10: {  	[smem:$0x3FB1] =	sst s8  }
0x11: {  	[smem:$0x3FB2] =	sst s9;
	s0 =	simm.s32 @!p0 $0x0  }
0x12: {  	s1 =	sld [smem:$0x3F98];
	s0 =	simm.s32 @p0 $0x1  }
0x13: {  	[smem:$0x3FB3] =	sst s0;
	s0 =	simm.s32 @!p1 $0x0  }
0x14: {  	s2 =	sld [smem:$0x3F97];
	s0 =	simm.s32 @p1 $0x1  }
0x15: {  	[smem:$0x3FB4] =	sst s0;
	s0 =	simm.s32 @!p2 $0x0  }
0x16: {  	s3 =	sld [smem:$0x3FDB];
	s0 =	simm.s32 @p2 $0x1  }
0x17: {  	s4 =	simm.s32 $0x1BF5;
	[smem:$0x3FB6] =	sst s0  }
0x18: {  	s0 =	sld [smem:$0x3F99];
	_ =	swait.ge [sflag:s4], $0x0  }
0x19: {  	s7 =	sld [smem:$0x3F9A]  }
0x1a: {  	s8 =	sadd.s32 $0xFFFFE003, lr  }
0x1b: {  	s9 =	sadd.s32 $0xFFFFFEF7, lr;
	s5 =	simm.s32 $0xFFFFFFFF;
	p2 =	slt.u32 s8, $0xFFFFF086  }
0x1c: {  	p1 =	slt.u32 s9, $0xF7A;
	s5 =	simm.s32 @!p2 $0x0  }
0x1d: {  	s5 =	simm.s32 @p1 $0x1;
	p0 =	seq.s32 s7, s2  }
0x1e: {  	s7 =	smul.u32 @!p0 $0xF7A, s2;
	p2 =	seq.s32 @!p0 s5, $0x0  }
0x1f: {  	s9 =	smul.u32 $0xF7A, s1;
	s8 =	simm.s32 @!p0 $0x1BF5;
	p2 =	por !p2, p0  }
0x20: {  	[sflag:s8] =	ssyncset.s32 @!p0 $0xFFFFF086;
	s6 =	sadd.s32 @!p0 s3, s7;
	s7 =	simm.s32 @!p0 $0x108  }
0x21: {  	s3 =	sadd.s32 s3, s9;
	s6 =	sadd.s32 @!p0 $0x88, s6;
	s7 =	simm.s32 @p2 $0x1082  }
0x22: {  	[simem:s7], [sflag:s8] =	dma.local @!p0 [hbm:s6], $0xF7A  }
0x23: {  	s9 =	sor.u32 $0xD0000000, s2;
	s6 =	simm.s32 $0x108;
	_ =	swait.ge @!p0 [sflag:s8], $0x0  }
0x24: {  	s3 =	sadd.s32 $0x88, s3;
	s6 =	simm.s32 @!p1 $0x1082;
	[sflag:s4] =	ssyncset.s32 $0xFFFFF086  }
0x25: {  	[simem:s6], [sflag:s4] =	dma.local [hbm:s3], $0xF7A  }
0x26: {  	[smem:$0x3F9A] =	sst s1;
	(tag) =	ssettag s2;
	_ =	strace s9  }
0x27: {  	s1 =	sld [smem:$0x3FAA]  }
0x28: {  	s2 =	sld [smem:$0x3FAB]  }
0x29: {  	s4 =	sld [smem:$0x3FAD]  }
0x2a: {  	p0 =	seq.s32 s5, $0x0;
	s5 =	sld [smem:$0x3FAE]  }
0x2b: {  	s6 =	sld [smem:$0x3FAF]  }
0x2c: {  	s7 =	sld [smem:$0x3FB0]  }
0x2d: {  	s3 =	simm.s32 $0x108;
	s8 =	sld [smem:$0x3FB1]  }
0x2e: {  	s3 =	simm.s32 @!p0 $0x1082;
	s9 =	sld [smem:$0x3FB2]  }
0x2f: {  	lr =	sadd.s32 s0, s3;
	s0 =	sld [smem:$0x3FA9]  }
0x30: {  	s3 =	sld [smem:$0x3FAC]  }
0x31: {  	[smem:$0x3FB5] =	sst s10  }
0x32: {  	s10 =	sld [smem:$0x3FB3];
	_ =	sdelay $0x3  }
0x33: {  	p0 =	seq.s32 s10, $0x1;
	s10 =	sld [smem:$0x3FB5];
	_ =	sdelay $0x3  }
0x34: {  	[smem:$0x3FB5] =	sst s10  }
0x35: {  	s10 =	sld [smem:$0x3FB4];
	_ =	sdelay $0x3  }
0x36: {  	p1 =	seq.s32 s10, $0x1;
	s10 =	sld [smem:$0x3FB5];
	_ =	sdelay $0x3  }
0x37: {  	[smem:$0x3FB5] =	sst s10  }
0x38: {  	s10 =	sld [smem:$0x3FB6]  }
0x39: {  	_ = 	snop;
	(pc) =	sbr.ind lr, $3  }
0x3a: {  	_ = 	snop  }
0x3b: {  	_ = 	snop  }
0x3c: {  	p2 =	seq.s32 s10, $0x1;
	s10 =	sld [smem:$0x3FB5]  }
0x3d: {  	_ =	shalt  }
0x3e: {  	_ =	shalt  }
0x3f: {  	_ =	shalt  }
0x40: {  	_ =	shalt  }
0x41: {  	_ =	shalt  }
0x42: {  	_ =	shalt  }
0x43: {  	_ =	shalt  }
0x44: {  	_ =	shalt  }
0x45: {  	_ =	shalt  }
0x46: {  	_ =	shalt  }
0x47: {  	_ =	shalt  }
0x48: {  	_ =	shalt  }
0x49: {  	_ =	shalt  }
0x4a: {  	_ =	shalt  }
0x4b: {  	_ =	shalt  }
0x4c: {  	_ =	shalt  }
0x4d: {  	_ =	shalt  }
0x4e: {  	_ =	shalt  }
0x4f: {  	_ =	shalt  }
0x50: {  	_ =	shalt  }
0x51: {  	_ =	shalt  }
0x52: {  	_ =	shalt  }
0x53: {  	_ =	shalt  }
0x54: {  	_ =	shalt  }
0x55: {  	_ =	shalt  }
0x56: {  	_ =	shalt  }
0x57: {  	_ =	shalt  }
0x58: {  	_ =	shalt  }
0x59: {  	_ =	shalt  }
0x5a: {  	_ =	shalt  }
0x5b: {  	_ =	shalt  }
0x5c: {  	_ =	shalt  }
0x5d: {  	_ =	shalt  }
0x5e: {  	_ =	shalt  }
0x5f: {  	_ =	shalt  }
0x60: {  	_ =	shalt  }
0x61: {  	_ =	shalt  }
0x62: {  	_ =	shalt  }
0x63: {  	_ =	shalt  }
0x64: {  	_ =	shalt  }
0x65: {  	_ =	shalt  }
0x66: {  	_ =	shalt  }
0x67: {  	_ =	shalt  }
0x68: {  	_ =	shalt  }
0x69: {  	_ =	shalt  }
0x6a: {  	_ =	shalt  }
0x6b: {  	_ =	shalt  }
0x6c: {  	_ =	shalt  }
0x6d: {  	_ =	shalt  }
0x6e: {  	_ =	shalt  }
0x6f: {  	_ =	shalt  }
0x70: {  	_ =	shalt  }
0x71: {  	_ =	shalt  }
0x72: {  	_ =	shalt  }
0x73: {  	_ =	shalt  }
0x74: {  	_ =	shalt  }
0x75: {  	_ =	shalt  }
0x76: {  	_ =	shalt  }
0x77: {  	_ =	shalt  }
0x78: {  	_ =	shalt  }
0x79: {  	_ =	shalt  }
0x7a: {  	_ =	shalt  }
0x7b: {  	_ =	shalt  }
0x7c: {  	_ =	shalt  }
0x7d: {  	_ =	shalt  }
0x7e: {  	_ =	shalt  }
0x7f: {  	_ =	shalt  }
0x80: {  	_ =	shalt  }
0x81: {  	_ =	shalt  }
0x82: {  	_ =	shalt  }
0x83: {  	_ =	shalt  }
0x84: {  	_ =	shalt  }
0x85: {  	_ =	shalt  }
0x86: {  	_ =	shalt  }
0x87: {  	_ =	shalt  }
.Lfunc_end0:
.L_simem_size_0:
called_computation.2_lowered:
.L_overlay_start_0:
0x88: {  	s2 =	sld [smem:$0x3FD9]  }
0x89: {  	s3 =	sld [smem:$0x3FFE];
	_ =	sdelay $0x1  }
0x8a: {  	s1 =	srdreg.scid  }
0x8b: {  	s0 =	sand.u32 $0x1, s1  }
0x8c: {  	s17 =	sshll.u32 s0, $0xA;
	s2 =	sadd.s32 s3, s2  }
0x8d: {  	s2 =	sadd.s32 s2, s17  }
0x8e: {  	[smem:$0x3FC1] =	sst s2  }
0x8f: {  	_ = 	snop  }
0x90: {  	(tm) =	ssettm $0x1  }
0x91: {  	s18 =	sld [smem:$0x3FFB];
	_ =	sdelay $0x3  }
0x92: {  	_ =	strace s18  }
0x93: {  	s2 =	sld [smem:$0x3FFC];
	_ =	sdelay $0x3  }
0x94: {  	_ =	strace s2  }
0x95: {  	s2 =	sld [smem:$0x3FFD];
	_ =	sdelay $0x3  }
0x96: {  	_ =	strace s2  }
0x97: {  	_ =	strace $0x8FFFFFFF  }
0x98: {  	s19 =	sld [smem:$0x3FDB];
	_ =	sdelay $0x1  }
0x99: {  	s20 =	simm.s32 $_scs_section_size  }
0x9a: {  	s4 =	simm.s32 $_size__tile_overlayer_lowered;
	s5 =	simm.s32 $_tile_overlayer_lowered  }
0x9b: {  	s6 =	simm.s32 $0x1BFF;
	s21 =	sshll.u32 s5, $0x1;
	s3 =	sadd.s32 s20, s19  }
0x9c: {  	s22 =	simm.s32 $0x0;
	s4 =	sshll.u32 s4, $0x1;
	s5 =	sadd.s32 s21, s3  }
0x9d: {  	[timem:s22], [sflag:s6] =	dma.local [hbm:s5], s4  }
0x9e: {  	_ =	swait.ge [sflag:s6], s4  }
0x9f: {  	s4 =	ssub.s32 $0x0, s4;
	[sflag:s6] =	ssyncset.done $0x0  }
0xa0: {  	[sflag:s6] =	ssyncadd.s32 s4;
	_ =	sdelay $0x1  }
0xa1: {  	s23 =	simm.s32 $0x1B8B  }
0xa2: {  	_ =	swait.ge [sflag:s23], $0x1  }
0xa3: {  	[sflag:s23] =	ssyncset.done $0x0  }
0xa4: {  	[sflag:s23] =	ssyncadd.s32 $0xFFFFFFFF  }
0xa5: {  	s4 =	sld [smem:$0x0]  }
0xa6: {  	s5 =	sand.u32 $0xFFFFFFFE, s1  }
0xa7: {  	p0 =	sne.s32 s1, s5  }
0xa8: {  	s5 =	sshll.u32 @p0 s5, $0xE  }
0xa9: {  	s5 =	sadd.s32 @p0 $0x11B8D, s5;
	s6 =	sshll.u32 @p0 s4, $0x11  }
0xaa: {  	s5 =	sor.u32 @p0 s6, s5  }
0xab: {  	[sflag:s5] =	ssyncadd.remote.s32 @p0 $0x1;
	_ =	sdelay $0x1  }
0xac: {  	s5 =	simm.s32 @p0 $0x1B8D  }
0xad: {  	_ =	swait.eq @p0 [sflag:s5], $0x1  }
0xae: {  	[sflag:s5] =	ssyncadd.s32 @p0 $0xFFFFFFFF  }
0xaf: {  	s6 =	sshll.u32 @!p0 s1, $0xE  }
0xb0: {  	s6 =	sor.u32 @!p0 $0x4000, s6;
	s5 =	simm.s32 @!p0 $0x1B8D  }
0xb1: {  	s4 =	sshll.u32 @!p0 s4, $0x11;
	s6 =	sadd.s32 @!p0 $0x11B8D, s6;
	_ =	swait.eq @!p0 [sflag:s5], $0x1  }
0xb2: {  	s4 =	sor.u32 @!p0 s4, s6;
	[sflag:s5] =	ssyncadd.s32 @!p0 $0xFFFFFFFF  }
0xb3: {  	s25 =	simm.s32 $0x1B8E;
	s24 =	sld [smem:$0x3FFE];
	[sflag:s4] =	ssyncadd.remote.s32 @!p0 $0x1  }
0xb4: {  	s26 =	simm.s32 $execute0_lowered;
	[smem:$0x3FD2] =	sst s25  }
0xb5: {  	s5 =	sshll.u32 s26, $0x1;
	_ =	strace $0x80000049;
	[dreg:$0x1] =	wrdreg $0xFFFFFFFF  }
0xb6: {  	s28 =	simm.s32 $_size_execute0_lowered;
	s3 =	sadd.s32 s3, s5;
	[dreg:$0x0] =	wrdreg $0x0  }
0xb7: {  	s5 =	sshll.u32 s28, $0x1;
	[dreg:$0x2] =	wrdreg s3  }
0xb8: {  	[dreg:$0x3] =	wrdreg s5  }
0xb9: {  	[dreg:$0x4] =	wrdreg $0xC0  }
0xba: {  	_ =	task [dreg:s22], $0x5FFFF  }
0xbb: {  	[dreg:$0x1] =	wrdreg $0xFFFFFFFF  }
0xbc: {  	[dreg:$0x0] =	wrdreg $0x60  }
0xbd: {  	[dreg:$0x2] =	wrdreg s24  }
0xbe: {  	[dreg:$0x3] =	wrdreg $0x9  }
0xbf: {  	_ =	task.clear_ibuf [dreg:s22], $0x4FFFF;
	_ =	strace $0x90000049  }
0xc0: {  	s29 =	simm.s32 $0x9;
	_ =	strace $0x8000004B  }
0xc1: {  	_ =	swait.ge [sflag:s29], $0x1  }
0xc2: {  	[sflag:s29] =	ssyncadd.s32 $0xFFFFFFFF  }
0xc3: {  	_ =	strace $0x9000004B  }
0xc4: {  	_ =	sfence  }
0xc5: {  	s30 =	sld [smem:$0x0];
	_ =	sdelay $0x2  }
0xc6: {  	s31 =	sshll.u32 s1, $0xD;
	s1 =	sshrl.u32 s1, $0x2  }
0xc7: {  	s4 =	sand.u32 $0x4000, s31;
	s1 =	sadd.s32 s1, s30  }
0xc8: {  	s0 =	sor.u32 s4, s0;
	s1 =	sshll.u32 s1, $0x11  }
0xc9: {  	s0 =	sor.u32 s1, s0  }
0xca: {  	s0 =	sadd.s32 $0x8F2B, s0  }
0xcb: {  	[sflag:s0] =	ssyncadd.remote.s32 $0x1  }
0xcc: {  	_ =	sfence.sel $0xFFFF  }
0xcd: {  	[dreg:$0x0] =	wrdreg $0xFFFFFFFF;
	(pc) =	sbr.abs _section_cstart, $3  }
0xce: {  	[dreg:$0x1] =	wrdreg $0xFFFFFFFF  }
0xcf: {  	_ =	task.clear_ibuf [dreg:s22], $0x2FFFF;
	_ =	strace $0x9FFFFFFF  }
0xd0: {  	(tm) =	ssettm $0x7FFFFFFF  }
0xd1: {  	_ =	shalt  }
tec
execute0_lowered:
.L_overlay_start_1:
0x0: {  	(tag) =	ssettag $0x1  }
0x1: {  	s0 =	srdreg.scid  }
0x2: {  	s3 =	sand.u32 $0x1, s0  }
0x3: {  	s4 =	rddreg [dreg:$0x0];
	s0 =	stileid.u32;
	s1 =	sshll.u32 s3, $0x4  }
0x4: {  	s2 =	simm.s32 $0x0;
	s8 =	simm.s32 $0x0;
	s5 =	sor.u32 s0, s1  }
0x5: {  	[smem:$0x7FF] =	sst s2;
	s3 =	ssub.s32 $0x2, s3;
	s6 =	smul.u32 $0x4E2, s5  }
0x6: {  	s1 =	rddreg [dreg:$0x1];
	s7 =	sshrl.u32 s3, $0x1;
	s5 =	smul.u32 $0x500, s5  }
0x7: {  	_ =	strace $0x8000004A;
	s31 =	ssub.s32 s3, s7;
	s7 =	simm.s32 $0x2710  }
0x8: {  	s6 =	sadd.s32 s6, s4;
	s4 =	sadd.s32 s5, s4;
	s5 =	smax.u32 s31, $0x1  }
0x9: {  	v0 =	vimm.f32 $0.0e+00;
	v1 =	vimm.f32 $1.000000000e+00;
	s3 =	sadd.s32 $0x2400, s6;
	s4 =	sadd.s32 $0xA7C600, s4;
	s6 =	simm.s32 $0x1  }
.LBB2_1:
0xa: {  	s9 =	simm.s32 $0x40;
	s10 =	simm.s32 $0x0  }
.LBB2_2:
0xb: {  	p0 =	sne.s32 s9, $0x9FC0;
	[tilespmem:s10+$0x2710] =	vst v0;
	s10 =	smov.u32 s9;
	s9 =	sadd.s32 $0x40, s9  }
.Ltmp0:
0xc: {  	(pc) =	sbr.rel @p0 .LBB2_2-.Ltmp0, $2  }
0xd: {  	_ =	sdelay $0x2  }
0xe: {  	s10 =	sshra.s32 s10, $0x2  }
0xf: {  	[tilespmem:s10+$0x2710] =	vst v0;
	s9 =	simm.s32 $0x0  }
0x10: {  	[tilespmem:s9], [sflag:$0x1] =	stream.linear.gather [hbm4b:s3+s9], $0x2710, $0x38;
	[tilespmem:$0x4F10] =	vst v63  }
0x11: {  	_ =	swait.ge [sflag:s6], $0x2710  }
0x12: {  	[sflag:s6] =	ssyncset.done $0x0  }
0x13: {  	s10 =	simm.s32 $0x0;
	s9 =	simm.s32 $0x40;
	[sflag:s6] =	ssyncadd.s32 $0xFFFFD8F0  }
.LBB2_4:
0x14: {  	p0 =	sne.s32 s9, $0x9C00;
	v2 =	vld [tilespmem:s10+$0x0];
	_ =	sdelay $0x3  }
.Ltmp1:
0x15: {  	(pc) =	sbr.rel @p0 .LBB2_4-.Ltmp1, $2  }
0x16: {  	_ =	sdelay $0x2  }
0x17: {  	s10 =	sshra.s32 s9, $0x2;
	s9 =	sadd.s32 $0x40, s9;
	[tilespmem:v2+s7+$0x0] =	vst.idx.add.f32.msk $0xffff, v1  }
0x18: {  	v2 =	vld [tilespmem:s10+$0x0];
	_ =	sdelay $0x5  }
0x19: {  	s8 =	sadd.s32 $0x1, s8  }
0x1a: {  	p0 =	sne.s32 s8, s5  }
.Ltmp2:
0x1b: {  	[tilespmem:v2+s7+$0x0] =	vst.idx.add.f32.msk $0xffff, v1;
	(pc) =	sbr.rel @p0 .LBB2_1-.Ltmp2, $4  }
0x1c: {  	[hbm4b:s4+s2] =	stream.linear.scatter [tilespmem:s7], [sflag:$0x1], $0x2800, $0x38;
	[tilespmem:$0x4F10] =	vst v63  }
0x1d: {  	_ =	swait.ge [sflag:s6], $0x2800  }
0x1e: {  	[sflag:s6] =	ssyncset.done $0x0  }
0x1f: {  	[sflag:s6] =	ssyncadd.s32 $0xFFFFD800  }
0x20: {  	_ =	sfence.sel $0x180000  }
0x21: {  	[bflag:$0x0] =	sbarrier.arrive $0xFFFF  }
0x22: {  	p0 =	sne.s32 s0, $0x0;
	_ =	strace $0x9000004A  }
0x23: {  	s0 =	sadd.s32 @!p0 $0x100000, s1;
	[bflag:$0x2] =	sbarrier.arrive $0xFFFF  }
0x24: {  	[sflag:s0] =	ssyncadd.tile.s32 @!p0 $0x1;
	_ =	shalt  }
.Lfunc_end2:
_tile_overlayer_lowered:
.L_overlay_start_2:
0x25: {  	(tag) =	ssettag $0x2  }
0x26: {  	s0 =	rddreg [dreg:$0x0];
	s2 =	stileid.u32  }
0x27: {  	s1 =	rddreg [dreg:$0x1];
	p0 =	sne.s32 s2, $0x0  }
0x28: {  	s3 =	rddreg [dreg:$0x2];
	[bflag:$0x3] =	sbarrier.arrive $0xFFFF;
	s2 =	simm.s32 @!p0 $0x1C01  }
0x29: {  	[timem:s3], [sflag:s2] =	dma.local @!p0 [hbm:s0], s1  }
0x2a: {  	s0 =	simm.s32 @!p0 $0x1  }
0x2b: {  	_ =	swait.ge @!p0 [sflag:s0], s1  }
0x2c: {  	s1 =	ssub.s32 @!p0 $0x0, s1;
	[sflag:s0] =	ssyncset.done @!p0 $0x0  }
0x2d: {  	[sflag:s0] =	ssyncadd.s32 @!p0 s1  }
0x2e: {  	[bflag:$0x3] =	sbarrier.arrive $0xFFFF  }
0x2f: {  	_ =	shalt  }

// kernel: kernel.8.cloned.1.call-start
scs
__scs_entry_jumppad:
0x0: {  	(pc) =	sbr.rel $0x88, $3  }
0x1: {  	(tag) =	ssettag $0x0;
	lr =	simm.s32 $0x1  }
0x2: {  	[smem:$0x3F9A] =	sst lr;
	_ =	strace $0xD0000000  }
0x3: {  	_ = 	snop  }
0x4: {  	_ = 	snop  }
0x5: {  	_ = 	snop  }
0x6: {  	_ = 	snop  }
0x7: {  	_ = 	snop  }
__scs_overlays_trampoline_lowered:
0x8: {  	[smem:$0x3FA9] =	sst s0  }
0x9: {  	[smem:$0x3FAA] =	sst s1  }
0xa: {  	[smem:$0x3FAB] =	sst s2  }
0xb: {  	[smem:$0x3FAC] =	sst s3  }
0xc: {  	[smem:$0x3FAD] =	sst s4  }
0xd: {  	[smem:$0x3FAE] =	sst s5  }
0xe: {  	[smem:$0x3FAF] =	sst s6  }
0xf: {  	[smem:$0x3FB0] =	sst s7  }
0x10: {  	[smem:$0x3FB1] =	sst s8  }
0x11: {  	[smem:$0x3FB2] =	sst s9;
	s0 =	simm.s32 @!p0 $0x0  }
0x12: {  	s1 =	sld [smem:$0x3F98];
	s0 =	simm.s32 @p0 $0x1  }
0x13: {  	[smem:$0x3FB3] =	sst s0;
	s0 =	simm.s32 @!p1 $0x0  }
0x14: {  	s2 =	sld [smem:$0x3F97];
	s0 =	simm.s32 @p1 $0x1  }
0x15: {  	[smem:$0x3FB4] =	sst s0;
	s0 =	simm.s32 @!p2 $0x0  }
0x16: {  	s3 =	sld [smem:$0x3FDB];
	s0 =	simm.s32 @p2 $0x1  }
0x17: {  	s4 =	simm.s32 $0x1BF5;
	[smem:$0x3FB6] =	sst s0  }
0x18: {  	s0 =	sld [smem:$0x3F99];
	_ =	swait.ge [sflag:s4], $0x0  }
0x19: {  	s7 =	sld [smem:$0x3F9A]  }
0x1a: {  	s8 =	sadd.s32 $0xFFFFE003, lr  }
0x1b: {  	s9 =	sadd.s32 $0xFFFFFEF7, lr;
	s5 =	simm.s32 $0xFFFFFFFF;
	p2 =	slt.u32 s8, $0xFFFFF086  }
0x1c: {  	p1 =	slt.u32 s9, $0xF7A;
	s5 =	simm.s32 @!p2 $0x0  }
0x1d: {  	s5 =	simm.s32 @p1 $0x1;
	p0 =	seq.s32 s7, s2  }
0x1e: {  	s7 =	smul.u32 @!p0 $0xF7A, s2;
	p2 =	seq.s32 @!p0 s5, $0x0  }
0x1f: {  	s9 =	smul.u32 $0xF7A, s1;
	s8 =	simm.s32 @!p0 $0x1BF5;
	p2 =	por !p2, p0  }
0x20: {  	[sflag:s8] =	ssyncset.s32 @!p0 $0xFFFFF086;
	s6 =	sadd.s32 @!p0 s3, s7;
	s7 =	simm.s32 @!p0 $0x108  }
0x21: {  	s3 =	sadd.s32 s3, s9;
	s6 =	sadd.s32 @!p0 $0x88, s6;
	s7 =	simm.s32 @p2 $0x1082  }
0x22: {  	[simem:s7], [sflag:s8] =	dma.local @!p0 [hbm:s6], $0xF7A  }
0x23: {  	s9 =	sor.u32 $0xD0000000, s2;
	s6 =	simm.s32 $0x108;
	_ =	swait.ge @!p0 [sflag:s8], $0x0  }
0x24: {  	s3 =	sadd.s32 $0x88, s3;
	s6 =	simm.s32 @!p1 $0x1082;
	[sflag:s4] =	ssyncset.s32 $0xFFFFF086  }
0x25: {  	[simem:s6], [sflag:s4] =	dma.local [hbm:s3], $0xF7A  }
0x26: {  	[smem:$0x3F9A] =	sst s1;
	(tag) =	ssettag s2;
	_ =	strace s9  }
0x27: {  	s1 =	sld [smem:$0x3FAA]  }
0x28: {  	s2 =	sld [smem:$0x3FAB]  }
0x29: {  	s4 =	sld [smem:$0x3FAD]  }
0x2a: {  	p0 =	seq.s32 s5, $0x0;
	s5 =	sld [smem:$0x3FAE]  }
0x2b: {  	s6 =	sld [smem:$0x3FAF]  }
0x2c: {  	s7 =	sld [smem:$0x3FB0]  }
0x2d: {  	s3 =	simm.s32 $0x108;
	s8 =	sld [smem:$0x3FB1]  }
0x2e: {  	s3 =	simm.s32 @!p0 $0x1082;
	s9 =	sld [smem:$0x3FB2]  }
0x2f: {  	lr =	sadd.s32 s0, s3;
	s0 =	sld [smem:$0x3FA9]  }
0x30: {  	s3 =	sld [smem:$0x3FAC]  }
0x31: {  	[smem:$0x3FB5] =	sst s10  }
0x32: {  	s10 =	sld [smem:$0x3FB3];
	_ =	sdelay $0x3  }
0x33: {  	p0 =	seq.s32 s10, $0x1;
	s10 =	sld [smem:$0x3FB5];
	_ =	sdelay $0x3  }
0x34: {  	[smem:$0x3FB5] =	sst s10  }
0x35: {  	s10 =	sld [smem:$0x3FB4];
	_ =	sdelay $0x3  }
0x36: {  	p1 =	seq.s32 s10, $0x1;
	s10 =	sld [smem:$0x3FB5];
	_ =	sdelay $0x3  }
0x37: {  	[smem:$0x3FB5] =	sst s10  }
0x38: {  	s10 =	sld [smem:$0x3FB6]  }
0x39: {  	_ = 	snop;
	(pc) =	sbr.ind lr, $3  }
0x3a: {  	_ = 	snop  }
0x3b: {  	_ = 	snop  }
0x3c: {  	p2 =	seq.s32 s10, $0x1;
	s10 =	sld [smem:$0x3FB5]  }
0x3d: {  	_ =	shalt  }
0x3e: {  	_ =	shalt  }
0x3f: {  	_ =	shalt  }
0x40: {  	_ =	shalt  }
0x41: {  	_ =	shalt  }
0x42: {  	_ =	shalt  }
0x43: {  	_ =	shalt  }
0x44: {  	_ =	shalt  }
0x45: {  	_ =	shalt  }
0x46: {  	_ =	shalt  }
0x47: {  	_ =	shalt  }
0x48: {  	_ =	shalt  }
0x49: {  	_ =	shalt  }
0x4a: {  	_ =	shalt  }
0x4b: {  	_ =	shalt  }
0x4c: {  	_ =	shalt  }
0x4d: {  	_ =	shalt  }
0x4e: {  	_ =	shalt  }
0x4f: {  	_ =	shalt  }
0x50: {  	_ =	shalt  }
0x51: {  	_ =	shalt  }
0x52: {  	_ =	shalt  }
0x53: {  	_ =	shalt  }
0x54: {  	_ =	shalt  }
0x55: {  	_ =	shalt  }
0x56: {  	_ =	shalt  }
0x57: {  	_ =	shalt  }
0x58: {  	_ =	shalt  }
0x59: {  	_ =	shalt  }
0x5a: {  	_ =	shalt  }
0x5b: {  	_ =	shalt  }
0x5c: {  	_ =	shalt  }
0x5d: {  	_ =	shalt  }
0x5e: {  	_ =	shalt  }
0x5f: {  	_ =	shalt  }
0x60: {  	_ =	shalt  }
0x61: {  	_ =	shalt  }
0x62: {  	_ =	shalt  }
0x63: {  	_ =	shalt  }
0x64: {  	_ =	shalt  }
0x65: {  	_ =	shalt  }
0x66: {  	_ =	shalt  }
0x67: {  	_ =	shalt  }
0x68: {  	_ =	shalt  }
0x69: {  	_ =	shalt  }
0x6a: {  	_ =	shalt  }
0x6b: {  	_ =	shalt  }
0x6c: {  	_ =	shalt  }
0x6d: {  	_ =	shalt  }
0x6e: {  	_ =	shalt  }
0x6f: {  	_ =	shalt  }
0x70: {  	_ =	shalt  }
0x71: {  	_ =	shalt  }
0x72: {  	_ =	shalt  }
0x73: {  	_ =	shalt  }
0x74: {  	_ =	shalt  }
0x75: {  	_ =	shalt  }
0x76: {  	_ =	shalt  }
0x77: {  	_ =	shalt  }
0x78: {  	_ =	shalt  }
0x79: {  	_ =	shalt  }
0x7a: {  	_ =	shalt  }
0x7b: {  	_ =	shalt  }
0x7c: {  	_ =	shalt  }
0x7d: {  	_ =	shalt  }
0x7e: {  	_ =	shalt  }
0x7f: {  	_ =	shalt  }
0x80: {  	_ =	shalt  }
0x81: {  	_ =	shalt  }
0x82: {  	_ =	shalt  }
0x83: {  	_ =	shalt  }
0x84: {  	_ =	shalt  }
0x85: {  	_ =	shalt  }
0x86: {  	_ =	shalt  }
0x87: {  	_ =	shalt  }
.Lfunc_end0:
.L_simem_size_0:
called_computation_lowered:
.L_overlay_start_0:
0x88: {  	s2 =	sld [smem:$0x3FD9]  }
0x89: {  	s3 =	sld [smem:$0x3FFE];
	_ =	sdelay $0x1  }
0x8a: {  	s1 =	srdreg.scid  }
0x8b: {  	s0 =	sand.u32 $0x1, s1  }
0x8c: {  	s17 =	sshll.u32 s0, $0xA;
	s2 =	sadd.s32 s3, s2  }
0x8d: {  	s2 =	sadd.s32 s2, s17  }
0x8e: {  	[smem:$0x3FC1] =	sst s2  }
0x8f: {  	_ = 	snop  }
0x90: {  	s2 =	sld [smem:$0x3FD0];
	(tm) =	ssettm $0x1  }
0x91: {  	s18 =	sld [smem:$0x3FFB];
	_ =	sdelay $0x3  }
0x92: {  	_ =	strace s18  }
0x93: {  	s3 =	sld [smem:$0x3FFC];
	_ =	sdelay $0x3  }
0x94: {  	_ =	strace s3  }
0x95: {  	s3 =	sld [smem:$0x3FFD];
	_ =	sdelay $0x3  }
0x96: {  	_ =	strace s3  }
0x97: {  	_ =	strace $0x8FFFFFFF  }
0x98: {  	s19 =	sld [smem:$0x3FDB];
	_ =	sdelay $0x1  }
0x99: {  	s4 =	simm.s32 $_scs_section_size  }
0x9a: {  	s5 =	simm.s32 $_size__tile_overlayer_lowered;
	s6 =	simm.s32 $_tile_overlayer_lowered  }
0x9b: {  	s22 =	simm.s32 $0x1BFF;
	s21 =	sshll.u32 s6, $0x1;
	s3 =	sadd.s32 s4, s19  }
0x9c: {  	s7 =	simm.s32 $0x0;
	s20 =	sshll.u32 s5, $0x1;
	s5 =	sadd.s32 s21, s3  }
0x9d: {  	[timem:s7], [sflag:s22] =	dma.local [hbm:s5], s20  }
0x9e: {  	_ =	swait.ge [sflag:s22], s20  }
0x9f: {  	s4 =	ssub.s32 $0x0, s20;
	[sflag:s22] =	ssyncset.done $0x0  }
0xa0: {  	[sflag:s22] =	ssyncadd.s32 s4;
	_ =	sdelay $0x1  }
0xa1: {  	s23 =	simm.s32 $0x1B8B  }
0xa2: {  	_ =	swait.ge [sflag:s23], $0x1  }
0xa3: {  	[sflag:s23] =	ssyncset.done $0x0  }
0xa4: {  	s25 =	simm.s32 $0x1B8E;
	s24 =	sld [smem:$0x3FFE];
	[sflag:s23] =	ssyncadd.s32 $0xFFFFFFFF  }
0xa5: {  	s26 =	simm.s32 $execute0_lowered;
	[smem:$0x3FD2] =	sst s25  }
0xa6: {  	s5 =	sshll.u32 s26, $0x1;
	_ =	strace $0x80000046;
	[dreg:$0x1] =	wrdreg $0xFFFFFFFF  }
0xa7: {  	s28 =	simm.s32 $_size_execute0_lowered;
	s3 =	sadd.s32 s3, s5;
	[dreg:$0x0] =	wrdreg $0x0  }
0xa8: {  	s5 =	sshll.u32 s28, $0x1;
	[dreg:$0x2] =	wrdreg s3  }
0xa9: {  	[dreg:$0x3] =	wrdreg s5  }
0xaa: {  	[dreg:$0x4] =	wrdreg $0xC0  }
0xab: {  	_ =	task [dreg:s7], $0x5FFFF  }
0xac: {  	[dreg:$0x1] =	wrdreg $0xFFFFFFFF  }
0xad: {  	[dreg:$0x0] =	wrdreg $0x60  }
0xae: {  	[dreg:$0x2] =	wrdreg s24  }
0xaf: {  	[dreg:$0x3] =	wrdreg s2  }
0xb0: {  	[dreg:$0x4] =	wrdreg $0xA  }
0xb1: {  	_ =	task.clear_ibuf [dreg:s7], $0x5FFFF;
	_ =	strace $0x90000046  }
0xb2: {  	s29 =	simm.s32 $0xA;
	_ =	strace $0x80000048  }
0xb3: {  	_ =	swait.ge [sflag:s29], $0x1  }
0xb4: {  	[sflag:s29] =	ssyncadd.s32 $0xFFFFFFFF  }
0xb5: {  	_ =	strace $0x90000048  }
0xb6: {  	_ =	sfence  }
0xb7: {  	s30 =	sld [smem:$0x0];
	_ =	sdelay $0x2  }
0xb8: {  	s31 =	sshll.u32 s1, $0xD;
	s1 =	sshrl.u32 s1, $0x2  }
0xb9: {  	s3 =	sand.u32 $0x4000, s31;
	s1 =	sadd.s32 s1, s30  }
0xba: {  	s0 =	sor.u32 s3, s0;
	s1 =	sshll.u32 s1, $0x11  }
0xbb: {  	s0 =	sor.u32 s1, s0  }
0xbc: {  	s0 =	sadd.s32 $0x8F2B, s0  }
0xbd: {  	[sflag:s0] =	ssyncadd.remote.s32 $0x1  }
0xbe: {  	_ =	sfence.sel $0xFFFF  }
0xbf: {  	[dreg:$0x0] =	wrdreg $0xFFFFFFFF;
	(pc) =	sbr.abs _section_cstart, $3  }
0xc0: {  	[dreg:$0x1] =	wrdreg $0xFFFFFFFF  }
0xc1: {  	_ =	task.clear_ibuf [dreg:s7], $0x2FFFF;
	_ =	strace $0x9FFFFFFF  }
0xc2: {  	(tm) =	ssettm $0x7FFFFFFF  }
0xc3: {  	_ =	shalt  }
tec
execute0_lowered:
.L_overlay_start_1:
0x0: {  	(tag) =	ssettag $0x1  }
0x1: {  	s0 =	rddreg [dreg:$0x0]  }
0x2: {  	s1 =	rddreg [dreg:$0x1]  }
0x3: {  	s3 =	srdreg.scid;
	s2 =	simm.s32 $0x0;
	s4 =	stileid.u32  }
0x4: {  	s11 =	simm.s32 $0x5;
	s13 =	simm.s32 $0x8000;
	s23 =	simm.s32 $0xD000  }
0x5: {  	s28 =	simm.s32 $0xF000;
	s29 =	simm.s32 $0xF800;
	s30 =	simm.s32 $0x10000  }
0x6: {  	s31 =	simm.s32 $0x10800;
	s12 =	simm.s32 $0x12000;
	s15 =	simm.s32 $0x1B000  }
0x7: {  	s16 =	simm.s32 $0x1;
	s17 =	simm.s32 $0x3;
	s5 =	sand.u32 $0x1, s3  }
0x8: {  	s14 =	simm.s32 $0x0;
	[smem:$0x7FF] =	sst s2;
	s3 =	sshll.u32 s5, $0x4  }
0x9: {  	_ =	strace $0x80000047;
	s10 =	ssub.s32 $0x2, s5;
	s5 =	sadd.s32 $0xB8600, s0  }
0xa: {  	s6 =	sor.u32 s4, s3;
	s3 =	sadd.s32 $0x6A400, s0;
	s4 =	sadd.s32 $0x1C200, s0  }
0xb: {  	s24 =	sshrl.u32 s10, $0x1;
	s7 =	sshll.u32 s6, $0xB;
	s8 =	smul.u32 $0x271000, s6  }
0xc: {  	s6 =	smul.u32 $0x2710, s6;
	s9 =	sadd.s32 s7, s0;
	s0 =	ssub.s32 s10, s24  }
0xd: {  	s1 =	sadd.s32 s1, s7;
	s24 =	simm.s32 $0xD800;
	s7 =	simm.s32 $0x1B800  }
0xe: {  	s8 =	sshrl.u32 s8, $0x3;
	[dreg:$0x3] =	wrdreg s1;
	s25 =	sadd.s32 $0xC200, s9  }
0xf: {  	s0 =	smax.u32 s0, $0x1;
	s1 =	simm.s32 $0x11800;
	[dreg:$0x4] =	wrdreg s25  }
0x10: {  	v2 =	vlaneseq.u32;
	s9 =	simm.s32 $0x4;
	s8 =	sadd.s32 s5, s8;
	[dreg:$0x6] =	wrdreg s0  }
0x11: {  	vm0 =	vmmov $0xffff;
	v1 =	vshrl.u32 v2, $0x3;
	s25 =	simm.s32 $0xE000;
	s0 =	simm.s32 $0x11000;
	s26 =	sadd.s32 $0x4D800, s8  }
0x12: {  	v0 =	vand.u32 $0x7, v2;
	v2 =	vor.u32 $0x8, v2;
	v1 =	vmul.u32 $0x8, v1;
	s8 =	simm.s32 $0x2;
	[dreg:$0x5] =	wrdreg s26;
	s26 =	simm.s32 $0xE800  }
.LBB2_1:
0x13: {  	[dreg:$0x7] =	wrdreg s14  }
0x14: {  	s10 =	rddreg [dreg:$0x3]  }
0x15: {  	[tilespmem:s2], [sflag:$0x5] =	stream.linear.gather [hbm4b:s10+s2], $0x3E80, $0x38;
	[tilespmem:$0x1C000] =	vst v63  }
0x16: {  	_ =	swait.ge [sflag:s11], $0x3E80  }
0x17: {  	[sflag:s11] =	ssyncset.done $0x0  }
0x18: {  	s19 =	simm.s32 $0x4000;
	s18 =	rddreg [dreg:$0x4];
	[sflag:s11] =	ssyncadd.s32 $0xFFFFC180  }
0x19: {  	[tilespmem:s19], [sflag:$0x5] =	stream.linear.gather [hbm4b:s18+s2], $0x3E80, $0x38;
	[tilespmem:$0x1C000] =	vst v63  }
0x1a: {  	_ =	swait.ge [sflag:s11], $0x3E80  }
0x1b: {  	[sflag:s11] =	ssyncset.done $0x0  }
0x1c: {  	[sflag:s11] =	ssyncadd.s32 $0xFFFFC180  }
0x1d: {  	v3 =	vld [tilespmem:$0x0];
	_ =	sdelay $0x4  }
0x1e: {  	v4 =	vshll.u32 v3, $0x1  }
0x1f: {  	v3 =	vand.u32 $0x7, v3;
	v4 =	vand.u32 $0xFFFFFFF0, v4  }
0x20: {  	v3 =	vor.u32 v3, v4  }
0x21: {  	v4 =	vperm.xlane v3, v0;
	_ =	sdelay $0x1  }
0x22: {  	v3 =	vperm.xlane v3, v2;
	v4 =	vadd.s32 v1, v4;
	_ =	sdelay $0x1  }
0x23: {  	v3 =	vadd.s32 v1, v3;
	_ =	sdelay $0x2  }
0x24: {  	[tilespmem:s13], [sflag:$0x1] =	stream.indirect_vreg.gather [hbm4b:s3+s2], $0x80, v4, vm0, $0xb8;
	[tilespmem:$0x1C000] =	vst v63  }
0x25: {  	s20 =	simm.s32 $0x8800  }
0x26: {  	[tilespmem:s20], [sflag:$0x1] =	stream.indirect_vreg.gather [hbm4b:s3+s2], $0x80, v3, vm0, $0xb8;
	[tilespmem:$0x1C000] =	vst v63  }
0x27: {  	v3 =	vld [tilespmem:$0x10];
	_ =	sdelay $0x4  }
0x28: {  	v55 =	vshll.u32 v3, $0x1  }
0x29: {  	v3 =	vand.u32 $0x7, v3;
	v4 =	vand.u32 $0xFFFFFFF0, v55  }
0x2a: {  	v3 =	vor.u32 v3, v4  }
0x2b: {  	v4 =	vperm.xlane v3, v0;
	_ =	sdelay $0x1  }
0x2c: {  	v3 =	vperm.xlane v3, v2;
	v4 =	vadd.s32 v1, v4;
	_ =	sdelay $0x1  }
0x2d: {  	v3 =	vadd.s32 v1, v3;
	_ =	sdelay $0x1  }
0x2e: {  	s21 =	simm.s32 $0x9000  }
0x2f: {  	[tilespmem:s21], [sflag:$0x1] =	stream.indirect_vreg.gather [hbm4b:s3+s2], $0x80, v4, vm0, $0xb8;
	[tilespmem:$0x1C000] =	vst v63  }
0x30: {  	s22 =	simm.s32 $0x9800  }
0x31: {  	[tilespmem:s22], [sflag:$0x1] =	stream.indirect_vreg.gather [hbm4b:s3+s2], $0x80, v3, vm0, $0xb8;
	[tilespmem:$0x1C000] =	vst v63  }
0x32: {  	v3 =	vld [tilespmem:$0x20];
	_ =	sdelay $0x4  }
0x33: {  	v56 =	vshll.u32 v3, $0x1  }
0x34: {  	v3 =	vand.u32 $0x7, v3;
	v4 =	vand.u32 $0xFFFFFFF0, v56  }
0x35: {  	v3 =	vor.u32 v3, v4  }
0x36: {  	v4 =	vperm.xlane v3, v0;
	_ =	sdelay $0x1  }
0x37: {  	v3 =	vperm.xlane v3, v2;
	v4 =	vadd.s32 v1, v4;
	_ =	sdelay $0x1  }
0x38: {  	v3 =	vadd.s32 v1, v3;
	_ =	sdelay $0x1  }
0x39: {  	s14 =	simm.s32 $0xA000  }
0x3a: {  	[tilespmem:s14], [sflag:$0x1] =	stream.indirect_vreg.gather [hbm4b:s3+s2], $0x80, v4, vm0, $0xb8;
	[tilespmem:$0x1C000] =	vst v63  }
0x3b: {  	s18 =	simm.s32 $0xA800  }
0x3c: {  	[tilespmem:s18], [sflag:$0x1] =	stream.indirect_vreg.gather [hbm4b:s3+s2], $0x80, v3, vm0, $0xb8;
	[tilespmem:$0x1C000] =	vst v63  }
0x3d: {  	v3 =	vld [tilespmem:$0x30];
	_ =	sdelay $0x4  }
0x3e: {  	v57 =	vshll.u32 v3, $0x1  }
0x3f: {  	v3 =	vand.u32 $0x7, v3;
	v4 =	vand.u32 $0xFFFFFFF0, v57  }
0x40: {  	v3 =	vor.u32 v3, v4  }
0x41: {  	v4 =	vperm.xlane v3, v0;
	_ =	sdelay $0x1  }
0x42: {  	v3 =	vperm.xlane v3, v2;
	v4 =	vadd.s32 v1, v4;
	_ =	sdelay $0x1  }
0x43: {  	v3 =	vadd.s32 v1, v3;
	_ =	sdelay $0x1  }
0x44: {  	s19 =	simm.s32 $0xB000  }
0x45: {  	[tilespmem:s19], [sflag:$0x1] =	stream.indirect_vreg.gather [hbm4b:s3+s2], $0x80, v4, vm0, $0xb8;
	[tilespmem:$0x1C000] =	vst v63  }
0x46: {  	s20 =	simm.s32 $0xB800  }
0x47: {  	[tilespmem:s20], [sflag:$0x1] =	stream.indirect_vreg.gather [hbm4b:s3+s2], $0x80, v3, vm0, $0xb8;
	[tilespmem:$0x1C000] =	vst v63  }
0x48: {  	v3 =	vld [tilespmem:$0x40];
	_ =	sdelay $0x4  }
0x49: {  	v58 =	vshll.u32 v3, $0x1  }
0x4a: {  	v3 =	vand.u32 $0x7, v3;
	v4 =	vand.u32 $0xFFFFFFF0, v58  }
0x4b: {  	v3 =	vor.u32 v3, v4  }
0x4c: {  	v4 =	vperm.xlane v3, v0;
	_ =	sdelay $0x1  }
0x4d: {  	v3 =	vperm.xlane v3, v2;
	v4 =	vadd.s32 v1, v4;
	_ =	sdelay $0x1  }
0x4e: {  	v3 =	vadd.s32 v1, v3;
	_ =	sdelay $0x1  }
0x4f: {  	s21 =	simm.s32 $0xC000  }
0x50: {  	[tilespmem:s21], [sflag:$0x1] =	stream.indirect_vreg.gather [hbm4b:s3+s2], $0x80, v4, vm0, $0xb8;
	[tilespmem:$0x1C000] =	vst v63  }
0x51: {  	s22 =	simm.s32 $0xC800  }
0x52: {  	[tilespmem:s22], [sflag:$0x1] =	stream.indirect_vreg.gather [hbm4b:s3+s2], $0x80, v3, vm0, $0xb8;
	[tilespmem:$0x1C000] =	vst v63  }
0x53: {  	v3 =	vld [tilespmem:$0x4000];
	_ =	sdelay $0x4  }
0x54: {  	v59 =	vshll.u32 v3, $0x1  }
0x55: {  	v3 =	vand.u32 $0x7, v3;
	v4 =	vand.u32 $0xFFFFFFF0, v59  }
0x56: {  	v3 =	vor.u32 v3, v4  }
0x57: {  	v4 =	vperm.xlane v3, v0;
	_ =	sdelay $0x1  }
0x58: {  	v3 =	vperm.xlane v3, v2;
	v4 =	vadd.s32 v1, v4;
	_ =	sdelay $0x1  }
0x59: {  	v3 =	vadd.s32 v1, v3;
	_ =	sdelay $0x2  }
0x5a: {  	[tilespmem:s23], [sflag:$0x2] =	stream.indirect_vreg.gather [hbm4b:s4+s2], $0x80, v4, vm0, $0xb8;
	[tilespmem:$0x1C000] =	vst v63  }
0x5b: {  	_ = 	snop  }
0x5c: {  	[tilespmem:s24], [sflag:$0x2] =	stream.indirect_vreg.gather [hbm4b:s4+s2], $0x80, v3, vm0, $0xb8;
	[tilespmem:$0x1C000] =	vst v63  }
0x5d: {  	v3 =	vld [tilespmem:$0x4010];
	_ =	sdelay $0x4  }
0x5e: {  	v60 =	vshll.u32 v3, $0x1  }
0x5f: {  	v3 =	vand.u32 $0x7, v3;
	v4 =	vand.u32 $0xFFFFFFF0, v60  }
0x60: {  	v3 =	vor.u32 v3, v4  }
0x61: {  	v4 =	vperm.xlane v3, v0;
	_ =	sdelay $0x1  }
0x62: {  	v3 =	vperm.xlane v3, v2;
	v4 =	vadd.s32 v1, v4;
	_ =	sdelay $0x1  }
0x63: {  	v3 =	vadd.s32 v1, v3;
	_ =	sdelay $0x2  }
0x64: {  	[tilespmem:s25], [sflag:$0x2] =	stream.indirect_vreg.gather [hbm4b:s4+s2], $0x80, v4, vm0, $0xb8;
	[tilespmem:$0x1C000] =	vst v63  }
0x65: {  	_ = 	snop  }
0x66: {  	[tilespmem:s26], [sflag:$0x2] =	stream.indirect_vreg.gather [hbm4b:s4+s2], $0x80, v3, vm0, $0xb8;
	[tilespmem:$0x1C000] =	vst v63  }
0x67: {  	v3 =	vld [tilespmem:$0x4020];
	_ =	sdelay $0x4  }
0x68: {  	v61 =	vshll.u32 v3, $0x1  }
0x69: {  	v3 =	vand.u32 $0x7, v3;
	v4 =	vand.u32 $0xFFFFFFF0, v61  }
0x6a: {  	v3 =	vor.u32 v3, v4  }
0x6b: {  	v4 =	vperm.xlane v3, v0;
	_ =	sdelay $0x1  }
0x6c: {  	v3 =	vperm.xlane v3, v2;
	v4 =	vadd.s32 v1, v4;
	_ =	sdelay $0x1  }
0x6d: {  	v3 =	vadd.s32 v1, v3;
	_ =	sdelay $0x2  }
0x6e: {  	[tilespmem:s28], [sflag:$0x2] =	stream.indirect_vreg.gather [hbm4b:s4+s2], $0x80, v4, vm0, $0xb8;
	[tilespmem:$0x1C000] =	vst v63  }
0x6f: {  	_ = 	snop  }
0x70: {  	[tilespmem:s29], [sflag:$0x2] =	stream.indirect_vreg.gather [hbm4b:s4+s2], $0x80, v3, vm0, $0xb8;
	[tilespmem:$0x1C000] =	vst v63  }
0x71: {  	v3 =	vld [tilespmem:$0x4030];
	_ =	sdelay $0x4  }
0x72: {  	v62 =	vshll.u32 v3, $0x1  }
0x73: {  	v3 =	vand.u32 $0x7, v3;
	v4 =	vand.u32 $0xFFFFFFF0, v62  }
0x74: {  	v3 =	vor.u32 v3, v4  }
0x75: {  	v4 =	vperm.xlane v3, v0;
	_ =	sdelay $0x1  }
0x76: {  	v3 =	vperm.xlane v3, v2;
	v4 =	vadd.s32 v1, v4;
	_ =	sdelay $0x1  }
0x77: {  	v3 =	vadd.s32 v1, v3;
	_ =	sdelay $0x2  }
0x78: {  	[tilespmem:s30], [sflag:$0x2] =	stream.indirect_vreg.gather [hbm4b:s4+s2], $0x80, v4, vm0, $0xb8;
	[tilespmem:$0x1C000] =	vst v63  }
0x79: {  	_ = 	snop  }
0x7a: {  	[tilespmem:s31], [sflag:$0x2] =	stream.indirect_vreg.gather [hbm4b:s4+s2], $0x80, v3, vm0, $0xb8;
	[tilespmem:$0x1C000] =	vst v63  }
0x7b: {  	v3 =	vld [tilespmem:$0x4040];
	_ =	sdelay $0x4  }
0x7c: {  	v63 =	vshll.u32 v3, $0x1  }
0x7d: {  	v3 =	vand.u32 $0x7, v3;
	v4 =	vand.u32 $0xFFFFFFF0, v63  }
0x7e: {  	v3 =	vor.u32 v3, v4  }
0x7f: {  	v4 =	vperm.xlane v3, v0;
	_ =	sdelay $0x1  }
0x80: {  	v3 =	vperm.xlane v3, v2;
	v4 =	vadd.s32 v1, v4;
	_ =	sdelay $0x1  }
0x81: {  	v3 =	vadd.s32 v1, v3;
	_ =	sdelay $0x2  }
0x82: {  	[tilespmem:s0], [sflag:$0x2] =	stream.indirect_vreg.gather [hbm4b:s4+s2], $0x80, v4, vm0, $0xb8;
	[tilespmem:$0x1C000] =	vst v63  }
0x83: {  	s18 =	simm.s32 $0x0  }
0x84: {  	[tilespmem:s1], [sflag:$0x2] =	stream.indirect_vreg.gather [hbm4b:s4+s2], $0x80, v3, vm0, $0xb8;
	[tilespmem:$0x1C000] =	vst v63  }
.LBB2_2:
0x85: {  	s19 =	sshllo.u32 s18, $0x1  }
0x86: {  	s14 =	sshll.u32 s19, $0x7  }
0x87: {  	v3 =	vld [tilespmem:s14+$0x0];
	_ =	sdelay $0x4  }
0x88: {  	v4 =	vshll.u32 v3, $0x1  }
0x89: {  	v3 =	vand.u32 $0x7, v3;
	v4 =	vand.u32 $0xFFFFFFF0, v4  }
0x8a: {  	v3 =	vor.u32 v3, v4  }
0x8b: {  	v4 =	vperm.xlane v3, v0;
	_ =	sdelay $0x1  }
0x8c: {  	v3 =	vperm.xlane v3, v2;
	v4 =	vadd.s32 v1, v4;
	_ =	sdelay $0x1  }
0x8d: {  	v3 =	vadd.s32 v1, v3;
	_ =	sdelay $0x1  }
0x8e: {  	s20 =	simm.s32 $0x0  }
0x8f: {  	[tilespmem:s12], [sflag:$0x3] =	stream.indirect_vreg.gather [hbm4b:s3+s20], $0x80, v4, vm0, $0xb8;
	[tilespmem:$0x1C000] =	vst v63  }
0x90: {  	s10 =	simm.s32 $0x12800  }
0x91: {  	[tilespmem:s10], [sflag:$0x3] =	stream.indirect_vreg.gather [hbm4b:s3+s20], $0x80, v3, vm0, $0xb8;
	[tilespmem:$0x1C000] =	vst v63  }
0x92: {  	v3 =	vld [tilespmem:s14+$0x10];
	_ =	sdelay $0x4  }
0x93: {  	v4 =	vshll.u32 v3, $0x1  }
0x94: {  	v3 =	vand.u32 $0x7, v3;
	v4 =	vand.u32 $0xFFFFFFF0, v4  }
0x95: {  	v3 =	vor.u32 v3, v4  }
0x96: {  	v4 =	vperm.xlane v3, v0;
	_ =	sdelay $0x1  }
0x97: {  	v3 =	vperm.xlane v3, v2;
	v4 =	vadd.s32 v1, v4;
	_ =	sdelay $0x1  }
0x98: {  	v3 =	vadd.s32 v1, v3;
	_ =	sdelay $0x1  }
0x99: {  	s22 =	simm.s32 $0x13000  }
0x9a: {  	[tilespmem:s22], [sflag:$0x3] =	stream.indirect_vreg.gather [hbm4b:s3+s20], $0x80, v4, vm0, $0xb8;
	[tilespmem:$0x1C000] =	vst v63  }
0x9b: {  	s21 =	simm.s32 $0x13800  }
0x9c: {  	[tilespmem:s21], [sflag:$0x3] =	stream.indirect_vreg.gather [hbm4b:s3+s20], $0x80, v3, vm0, $0xb8;
	[tilespmem:$0x1C000] =	vst v63  }
0x9d: {  	v3 =	vld [tilespmem:s14+$0x20];
	_ =	sdelay $0x4  }
0x9e: {  	v4 =	vshll.u32 v3, $0x1  }
0x9f: {  	v3 =	vand.u32 $0x7, v3;
	v4 =	vand.u32 $0xFFFFFFF0, v4  }
0xa0: {  	v3 =	vor.u32 v3, v4  }
0xa1: {  	v4 =	vperm.xlane v3, v0;
	_ =	sdelay $0x1  }
0xa2: {  	v3 =	vperm.xlane v3, v2;
	v4 =	vadd.s32 v1, v4;
	_ =	sdelay $0x1  }
0xa3: {  	v3 =	vadd.s32 v1, v3;
	_ =	sdelay $0x1  }
0xa4: {  	s22 =	simm.s32 $0x14000  }
0xa5: {  	[tilespmem:s22], [sflag:$0x3] =	stream.indirect_vreg.gather [hbm4b:s3+s20], $0x80, v4, vm0, $0xb8;
	[tilespmem:$0x1C000] =	vst v63  }
0xa6: {  	s21 =	simm.s32 $0x14800  }
0xa7: {  	[tilespmem:s21], [sflag:$0x3] =	stream.indirect_vreg.gather [hbm4b:s3+s20], $0x80, v3, vm0, $0xb8;
	[tilespmem:$0x1C000] =	vst v63  }
0xa8: {  	v3 =	vld [tilespmem:s14+$0x30];
	_ =	sdelay $0x4  }
0xa9: {  	v4 =	vshll.u32 v3, $0x1  }
0xaa: {  	v3 =	vand.u32 $0x7, v3;
	v4 =	vand.u32 $0xFFFFFFF0, v4  }
0xab: {  	v3 =	vor.u32 v3, v4  }
0xac: {  	v4 =	vperm.xlane v3, v0;
	_ =	sdelay $0x1  }
0xad: {  	v3 =	vperm.xlane v3, v2;
	v4 =	vadd.s32 v1, v4;
	_ =	sdelay $0x1  }
0xae: {  	v3 =	vadd.s32 v1, v3;
	_ =	sdelay $0x1  }
0xaf: {  	s22 =	simm.s32 $0x15000  }
0xb0: {  	[tilespmem:s22], [sflag:$0x3] =	stream.indirect_vreg.gather [hbm4b:s3+s20], $0x80, v4, vm0, $0xb8;
	[tilespmem:$0x1C000] =	vst v63  }
0xb1: {  	s21 =	simm.s32 $0x15800  }
0xb2: {  	[tilespmem:s21], [sflag:$0x3] =	stream.indirect_vreg.gather [hbm4b:s3+s20], $0x80, v3, vm0, $0xb8;
	[tilespmem:$0x1C000] =	vst v63  }
0xb3: {  	v3 =	vld [tilespmem:s14+$0x40];
	_ =	sdelay $0x4  }
0xb4: {  	v4 =	vshll.u32 v3, $0x1  }
0xb5: {  	v3 =	vand.u32 $0x7, v3;
	v4 =	vand.u32 $0xFFFFFFF0, v4  }
0xb6: {  	v3 =	vor.u32 v3, v4  }
0xb7: {  	v4 =	vperm.xlane v3, v0;
	_ =	sdelay $0x1  }
0xb8: {  	v3 =	vperm.xlane v3, v2;
	v4 =	vadd.s32 v1, v4;
	_ =	sdelay $0x1  }
0xb9: {  	v3 =	vadd.s32 v1, v3;
	_ =	sdelay $0x1  }
0xba: {  	s22 =	simm.s32 $0x16000  }
0xbb: {  	[tilespmem:s22], [sflag:$0x3] =	stream.indirect_vreg.gather [hbm4b:s3+s20], $0x80, v4, vm0, $0xb8;
	[tilespmem:$0x1C000] =	vst v63  }
0xbc: {  	s21 =	simm.s32 $0x16800  }
0xbd: {  	[tilespmem:s21], [sflag:$0x3] =	stream.indirect_vreg.gather [hbm4b:s3+s20], $0x80, v3, vm0, $0xb8;
	[tilespmem:$0x1C000] =	vst v63  }
0xbe: {  	v3 =	vld [tilespmem:s14+$0x4000];
	_ =	sdelay $0x4  }
0xbf: {  	v4 =	vshll.u32 v3, $0x1  }
0xc0: {  	v3 =	vand.u32 $0x7, v3;
	v4 =	vand.u32 $0xFFFFFFF0, v4  }
0xc1: {  	v3 =	vor.u32 v3, v4  }
0xc2: {  	v4 =	vperm.xlane v3, v0;
	_ =	sdelay $0x1  }
0xc3: {  	v3 =	vperm.xlane v3, v2;
	v4 =	vadd.s32 v1, v4;
	_ =	sdelay $0x1  }
0xc4: {  	v3 =	vadd.s32 v1, v3;
	_ =	sdelay $0x1  }
0xc5: {  	s22 =	simm.s32 $0x17000  }
0xc6: {  	[tilespmem:s22], [sflag:$0x4] =	stream.indirect_vreg.gather [hbm4b:s4+s20], $0x80, v4, vm0, $0xb8;
	[tilespmem:$0x1C000] =	vst v63  }
0xc7: {  	s21 =	simm.s32 $0x17800  }
0xc8: {  	[tilespmem:s21], [sflag:$0x4] =	stream.indirect_vreg.gather [hbm4b:s4+s20], $0x80, v3, vm0, $0xb8;
	[tilespmem:$0x1C000] =	vst v63  }
0xc9: {  	v3 =	vld [tilespmem:s14+$0x4010];
	_ =	sdelay $0x4  }
0xca: {  	v4 =	vshll.u32 v3, $0x1  }
0xcb: {  	v3 =	vand.u32 $0x7, v3;
	v4 =	vand.u32 $0xFFFFFFF0, v4  }
0xcc: {  	v3 =	vor.u32 v3, v4  }
0xcd: {  	v4 =	vperm.xlane v3, v0;
	_ =	sdelay $0x1  }
0xce: {  	v3 =	vperm.xlane v3, v2;
	v4 =	vadd.s32 v1, v4;
	_ =	sdelay $0x1  }
0xcf: {  	v3 =	vadd.s32 v1, v3;
	_ =	sdelay $0x1  }
0xd0: {  	s22 =	simm.s32 $0x18000  }
0xd1: {  	[tilespmem:s22], [sflag:$0x4] =	stream.indirect_vreg.gather [hbm4b:s4+s20], $0x80, v4, vm0, $0xb8;
	[tilespmem:$0x1C000] =	vst v63  }
0xd2: {  	s21 =	simm.s32 $0x18800  }
0xd3: {  	[tilespmem:s21], [sflag:$0x4] =	stream.indirect_vreg.gather [hbm4b:s4+s20], $0x80, v3, vm0, $0xb8;
	[tilespmem:$0x1C000] =	vst v63  }
0xd4: {  	v3 =	vld [tilespmem:s14+$0x4020];
	_ =	sdelay $0x4  }
0xd5: {  	v4 =	vshll.u32 v3, $0x1  }
0xd6: {  	v3 =	vand.u32 $0x7, v3;
	v4 =	vand.u32 $0xFFFFFFF0, v4  }
0xd7: {  	v3 =	vor.u32 v3, v4  }
0xd8: {  	v4 =	vperm.xlane v3, v0;
	_ =	sdelay $0x1  }
0xd9: {  	v3 =	vperm.xlane v3, v2;
	v4 =	vadd.s32 v1, v4;
	_ =	sdelay $0x1  }
0xda: {  	v3 =	vadd.s32 v1, v3;
	_ =	sdelay $0x1  }
0xdb: {  	s22 =	simm.s32 $0x19000  }
0xdc: {  	[tilespmem:s22], [sflag:$0x4] =	stream.indirect_vreg.gather [hbm4b:s4+s20], $0x80, v4, vm0, $0xb8;
	[tilespmem:$0x1C000] =	vst v63  }
0xdd: {  	s21 =	simm.s32 $0x19800  }
0xde: {  	[tilespmem:s21], [sflag:$0x4] =	stream.indirect_vreg.gather [hbm4b:s4+s20], $0x80, v3, vm0, $0xb8;
	[tilespmem:$0x1C000] =	vst v63  }
0xdf: {  	v3 =	vld [tilespmem:s14+$0x4030];
	_ =	sdelay $0x4  }
0xe0: {  	v4 =	vshll.u32 v3, $0x1  }
0xe1: {  	v3 =	vand.u32 $0x7, v3;
	v4 =	vand.u32 $0xFFFFFFF0, v4  }
0xe2: {  	v3 =	vor.u32 v3, v4  }
0xe3: {  	v4 =	vperm.xlane v3, v0;
	_ =	sdelay $0x1  }
0xe4: {  	v3 =	vperm.xlane v3, v2;
	v4 =	vadd.s32 v1, v4;
	_ =	sdelay $0x1  }
0xe5: {  	v3 =	vadd.s32 v1, v3;
	_ =	sdelay $0x1  }
0xe6: {  	s22 =	simm.s32 $0x1A000  }
0xe7: {  	[tilespmem:s22], [sflag:$0x4] =	stream.indirect_vreg.gather [hbm4b:s4+s20], $0x80, v4, vm0, $0xb8;
	[tilespmem:$0x1C000] =	vst v63  }
0xe8: {  	s21 =	simm.s32 $0x1A800  }
0xe9: {  	[tilespmem:s21], [sflag:$0x4] =	stream.indirect_vreg.gather [hbm4b:s4+s20], $0x80, v3, vm0, $0xb8;
	[tilespmem:$0x1C000] =	vst v63  }
0xea: {  	v3 =	vld [tilespmem:s14+$0x4040];
	_ =	sdelay $0x4  }
0xeb: {  	v4 =	vshll.u32 v3, $0x1  }
0xec: {  	v3 =	vand.u32 $0x7, v3;
	v4 =	vand.u32 $0xFFFFFFF0, v4  }
0xed: {  	v3 =	vor.u32 v3, v4  }
0xee: {  	v4 =	vperm.xlane v3, v0;
	_ =	sdelay $0x1  }
0xef: {  	v3 =	vperm.xlane v3, v2;
	v4 =	vadd.s32 v1, v4;
	_ =	sdelay $0x1  }
0xf0: {  	v3 =	vadd.s32 v1, v3;
	_ =	sdelay $0x2  }
0xf1: {  	[tilespmem:s15], [sflag:$0x4] =	stream.indirect_vreg.gather [hbm4b:s4+s20], $0x80, v4, vm0, $0xb8;
	[tilespmem:$0x1C000] =	vst v63  }
0xf2: {  	_ = 	snop  }
0xf3: {  	[tilespmem:s7], [sflag:$0x4] =	stream.indirect_vreg.gather [hbm4b:s4+s20], $0x80, v3, vm0, $0xb8;
	[tilespmem:$0x1C000] =	vst v63  }
0xf4: {  	_ =	swait.ge [sflag:s16], $0x5000  }
0xf5: {  	[sflag:s16] =	ssyncset.done $0x0  }
0xf6: {  	[sflag:s16] =	ssyncadd.s32 $0xFFFFB000  }
0xf7: {  	_ =	swait.ge [sflag:s8], $0x5000  }
0xf8: {  	s22 =	sand.u32 $0x7800, s20;
	s20 =	sand.u32 $0x380, s20;
	[sflag:s8] =	ssyncset.done $0x0  }
0xf9: {  	s20 =	sor.u32 s20, s22;
	[sflag:s8] =	ssyncadd.s32 $0xFFFFB000  }
0xfa: {  	v10 =	vld [tilespmem:s20+$0xD000]  }
0xfb: {  	v11 =	vld [tilespmem:s20+$0xD010]  }
0xfc: {  	v12 =	vld [tilespmem:s20+$0xD020]  }
0xfd: {  	v13 =	vld [tilespmem:s20+$0xD030]  }
0xfe: {  	v14 =	vld [tilespmem:s20+$0xD040]  }
0xff: {  	v15 =	vld [tilespmem:s20+$0xD050]  }
0x100: {  	v16 =	vld [tilespmem:s20+$0xD060]  }
0x101: {  	v17 =	vld [tilespmem:s20+$0xD070]  }
0x102: {  	v18 =	vld [tilespmem:s20+$0xD400]  }
0x103: {  	v9 =	vld [tilespmem:s20+$0xD410]  }
0x104: {  	v8 =	vld [tilespmem:s20+$0xD420]  }
0x105: {  	v7 =	vld [tilespmem:s20+$0xD430]  }
0x106: {  	v6 =	vld [tilespmem:s20+$0xD440]  }
0x107: {  	v5 =	vld [tilespmem:s20+$0xD450]  }
0x108: {  	v4 =	vld [tilespmem:s20+$0xD460]  }
0x109: {  	v3 =	vld [tilespmem:s20+$0xD470]  }
0x10a: {  	v19 =	vld [tilespmem:s20+$0x8000]  }
0x10b: {  	v20 =	vld [tilespmem:s20+$0x8010]  }
0x10c: {  	v21 =	vld [tilespmem:s20+$0x8020]  }
0x10d: {  	v22 =	vld [tilespmem:s20+$0x8030]  }
0x10e: {  	v23 =	vld [tilespmem:s20+$0x8040]  }
0x10f: {  	v10 =	vadd.f32 v10, v19;
	v19 =	vld [tilespmem:s20+$0x8050]  }
0x110: {  	v61 =	vld [tilespmem:s20+$0x8060];
	v11 =	vadd.f32 v11, v20  }
0x111: {  	v62 =	vld [tilespmem:s20+$0x8070];
	[tilespmem:s20+$0x8000] =	vst v10;
	v10 =	vadd.f32 v12, v21  }
0x112: {  	v63 =	vld [tilespmem:s20+$0x8400];
	[tilespmem:s20+$0x8010] =	vst v11;
	v11 =	vadd.f32 v13, v22  }
0x113: {  	v13 =	vld [tilespmem:s20+$0x8410];
	[tilespmem:s20+$0x8020] =	vst v10;
	v10 =	vadd.f32 v14, v23  }
0x114: {  	v12 =	vld [tilespmem:s20+$0x8420];
	[tilespmem:s20+$0x8030] =	vst v11;
	v11 =	vadd.f32 v15, v19  }
0x115: {  	v14 =	vadd.f32 v16, v61;
	[tilespmem:s20+$0x8040] =	vst v10;
	v10 =	vld [tilespmem:s20+$0x8430]  }
0x116: {  	v16 =	vadd.f32 v17, v62;
	[tilespmem:s20+$0x8050] =	vst v11;
	v11 =	vld [tilespmem:s20+$0x8440]  }
0x117: {  	s21 =	simm.s32 $0x100;
	s14 =	simm.s32 $0x80;
	v15 =	vadd.f32 v18, v63;
	[tilespmem:s20+$0x8060] =	vst v14;
	v14 =	vld [tilespmem:s20+$0x8450]  }
.LBB2_3:
0x118: {  	s10 =	sand.u32 $0x7800, s21;
	s22 =	sand.u32 $0x380, s14;
	p0 =	sne.s32 s21, $0x4F00;
	[tilespmem:s20+$0x8070] =	vst v16;
	v9 =	vadd.f32 v9, v13;
	v13 =	vld [tilespmem:s20+$0x8460]  }
0x119: {  	s10 =	sor.u32 s22, s10;
	[tilespmem:s20+$0x8400] =	vst v15;
	v8 =	vadd.f32 v8, v12;
	v12 =	vld [tilespmem:s20+$0x8470]  }
0x11a: {  	v15 =	vld [tilespmem:s10+$0xD000];
	[tilespmem:s20+$0x8410] =	vst v9;
	v7 =	vadd.f32 v7, v10  }
0x11b: {  	v10 =	vld [tilespmem:s10+$0xD010];
	[tilespmem:s20+$0x8420] =	vst v8;
	v6 =	vadd.f32 v6, v11  }
0x11c: {  	v11 =	vld [tilespmem:s10+$0xD020];
	[tilespmem:s20+$0x8430] =	vst v7;
	v5 =	vadd.f32 v5, v14  }
0x11d: {  	v14 =	vld [tilespmem:s10+$0xD030];
	[tilespmem:s20+$0x8440] =	vst v6;
	v4 =	vadd.f32 v4, v13  }
0x11e: {  	v13 =	vld [tilespmem:s10+$0xD040];
	[tilespmem:s20+$0x8450] =	vst v5;
	v3 =	vadd.f32 v3, v12  }
0x11f: {  	v12 =	vld [tilespmem:s10+$0xD050];
	[tilespmem:s20+$0x8460] =	vst v4  }
0x120: {  	v16 =	vld [tilespmem:s10+$0xD060];
	[tilespmem:s20+$0x8470] =	vst v3;
	s20 =	smov.u32 s10  }
0x121: {  	v17 =	vld [tilespmem:s20+$0xD070]  }
0x122: {  	v18 =	vld [tilespmem:s20+$0xD400]  }
0x123: {  	v9 =	vld [tilespmem:s20+$0xD410]  }
0x124: {  	v8 =	vld [tilespmem:s20+$0xD420]  }
0x125: {  	v7 =	vld [tilespmem:s20+$0xD430]  }
0x126: {  	v6 =	vld [tilespmem:s20+$0xD440]  }
0x127: {  	v5 =	vld [tilespmem:s20+$0xD450]  }
0x128: {  	v4 =	vld [tilespmem:s20+$0xD460]  }
0x129: {  	v3 =	vld [tilespmem:s20+$0xD470]  }
0x12a: {  	v19 =	vld [tilespmem:s20+$0x8000]  }
0x12b: {  	v20 =	vld [tilespmem:s20+$0x8010]  }
0x12c: {  	v21 =	vld [tilespmem:s20+$0x8020]  }
0x12d: {  	v22 =	vld [tilespmem:s20+$0x8030]  }
0x12e: {  	v23 =	vld [tilespmem:s20+$0x8040]  }
0x12f: {  	v15 =	vadd.f32 v15, v19;
	v19 =	vld [tilespmem:s20+$0x8050]  }
0x130: {  	v10 =	vadd.f32 v10, v20;
	v20 =	vld [tilespmem:s20+$0x8060]  }
0x131: {  	[tilespmem:s20+$0x8000] =	vst v15;
	v11 =	vadd.f32 v11, v21;
	v15 =	vld [tilespmem:s20+$0x8070]  }
0x132: {  	[tilespmem:s20+$0x8010] =	vst v10;
	v10 =	vadd.f32 v14, v22;
	v14 =	vld [tilespmem:s20+$0x8400]  }
.Ltmp0:
0x133: {  	[tilespmem:s20+$0x8020] =	vst v11;
	v11 =	vadd.f32 v13, v23;
	v13 =	vld [tilespmem:s20+$0x8410];
	(pc) =	sbr.rel @p0 .LBB2_3-.Ltmp0, $4  }
0x134: {  	[tilespmem:s20+$0x8030] =	vst v10;
	v19 =	vadd.f32 v12, v19;
	v12 =	vld [tilespmem:s20+$0x8420]  }
0x135: {  	[tilespmem:s20+$0x8040] =	vst v11;
	v20 =	vadd.f32 v16, v20;
	v10 =	vld [tilespmem:s20+$0x8430]  }
0x136: {  	[tilespmem:s20+$0x8050] =	vst v19;
	v16 =	vadd.f32 v17, v15;
	v11 =	vld [tilespmem:s20+$0x8440]  }
0x137: {  	s14 =	sadd.s32 $0x80, s14;
	s21 =	sadd.s32 $0x100, s21;
	[tilespmem:s20+$0x8060] =	vst v20;
	v15 =	vadd.f32 v18, v14;
	v14 =	vld [tilespmem:s20+$0x8450]  }
0x138: {  	[tilespmem:s20+$0x8070] =	vst v16;
	v9 =	vadd.f32 v9, v13;
	v13 =	vld [tilespmem:s20+$0x8460]  }
0x139: {  	[tilespmem:s20+$0x8400] =	vst v15;
	v8 =	vadd.f32 v8, v12;
	v12 =	vld [tilespmem:s20+$0x8470]  }
0x13a: {  	[tilespmem:s20+$0x8410] =	vst v9;
	v7 =	vadd.f32 v7, v10  }
0x13b: {  	[tilespmem:s20+$0x8420] =	vst v8;
	v6 =	vadd.f32 v6, v11  }
0x13c: {  	s10 =	smul.u32 $0xA0, s18;
	[tilespmem:s20+$0x8430] =	vst v7;
	v5 =	vadd.f32 v5, v14  }
0x13d: {  	[tilespmem:s20+$0x8440] =	vst v6;
	v4 =	vadd.f32 v4, v13  }
0x13e: {  	s10 =	sadd.s32 s6, s10;
	[tilespmem:s20+$0x8450] =	vst v5;
	v3 =	vadd.f32 v3, v12  }
0x13f: {  	s10 =	sshll.u32 s10, $0x5;
	[tilespmem:s20+$0x8460] =	vst v4  }
0x140: {  	s10 =	sadd.s32 s5, s10;
	[tilespmem:s20+$0x8470] =	vst v3;
	s20 =	simm.s32 $0x0  }
0x141: {  	[hbm4b:s10+s20] =	stream.linear.scatter [tilespmem:s13], [sflag:$0x5], $0x5000, $0x38;
	[tilespmem:$0x1C000] =	vst v63  }
0x142: {  	_ =	swait.ge [sflag:s11], $0x5000  }
0x143: {  	[sflag:s11] =	ssyncset.done $0x0  }
0x144: {  	s14 =	sshll.u32 s18, $0x8;
	[sflag:s11] =	ssyncadd.s32 $0xFFFFB000  }
0x145: {  	v3 =	vld [tilespmem:s14+$0x100];
	_ =	sdelay $0x4  }
0x146: {  	v4 =	vshll.u32 v3, $0x1  }
0x147: {  	v3 =	vand.u32 $0x7, v3;
	v4 =	vand.u32 $0xFFFFFFF0, v4  }
0x148: {  	v3 =	vor.u32 v3, v4  }
0x149: {  	v4 =	vperm.xlane v3, v0;
	_ =	sdelay $0x1  }
0x14a: {  	v3 =	vperm.xlane v3, v2;
	v4 =	vadd.s32 v1, v4;
	_ =	sdelay $0x1  }
0x14b: {  	v3 =	vadd.s32 v1, v3;
	_ =	sdelay $0x2  }
0x14c: {  	[tilespmem:s13], [sflag:$0x1] =	stream.indirect_vreg.gather [hbm4b:s3+s20], $0x80, v4, vm0, $0xb8;
	[tilespmem:$0x1C000] =	vst v63  }
0x14d: {  	s22 =	simm.s32 $0x8800  }
0x14e: {  	[tilespmem:s22], [sflag:$0x1] =	stream.indirect_vreg.gather [hbm4b:s3+s20], $0x80, v3, vm0, $0xb8;
	[tilespmem:$0x1C000] =	vst v63  }
0x14f: {  	v3 =	vld [tilespmem:s14+$0x110];
	_ =	sdelay $0x4  }
0x150: {  	v4 =	vshll.u32 v3, $0x1  }
0x151: {  	v3 =	vand.u32 $0x7, v3;
	v4 =	vand.u32 $0xFFFFFFF0, v4  }
0x152: {  	v3 =	vor.u32 v3, v4  }
0x153: {  	v4 =	vperm.xlane v3, v0;
	_ =	sdelay $0x1  }
0x154: {  	v3 =	vperm.xlane v3, v2;
	v4 =	vadd.s32 v1, v4;
	_ =	sdelay $0x1  }
0x155: {  	v3 =	vadd.s32 v1, v3;
	_ =	sdelay $0x1  }
0x156: {  	s21 =	simm.s32 $0x9000  }
0x157: {  	[tilespmem:s21], [sflag:$0x1] =	stream.indirect_vreg.gather [hbm4b:s3+s20], $0x80, v4, vm0, $0xb8;
	[tilespmem:$0x1C000] =	vst v63  }
0x158: {  	s22 =	simm.s32 $0x9800  }
0x159: {  	[tilespmem:s22], [sflag:$0x1] =	stream.indirect_vreg.gather [hbm4b:s3+s20], $0x80, v3, vm0, $0xb8;
	[tilespmem:$0x1C000] =	vst v63  }
0x15a: {  	v3 =	vld [tilespmem:s14+$0x120];
	_ =	sdelay $0x4  }
0x15b: {  	v4 =	vshll.u32 v3, $0x1  }
0x15c: {  	v3 =	vand.u32 $0x7, v3;
	v4 =	vand.u32 $0xFFFFFFF0, v4  }
0x15d: {  	v3 =	vor.u32 v3, v4  }
0x15e: {  	v4 =	vperm.xlane v3, v0;
	_ =	sdelay $0x1  }
0x15f: {  	v3 =	vperm.xlane v3, v2;
	v4 =	vadd.s32 v1, v4;
	_ =	sdelay $0x1  }
0x160: {  	v3 =	vadd.s32 v1, v3;
	_ =	sdelay $0x1  }
0x161: {  	s21 =	simm.s32 $0xA000  }
0x162: {  	[tilespmem:s21], [sflag:$0x1] =	stream.indirect_vreg.gather [hbm4b:s3+s20], $0x80, v4, vm0, $0xb8;
	[tilespmem:$0x1C000] =	vst v63  }
0x163: {  	s22 =	simm.s32 $0xA800  }
0x164: {  	[tilespmem:s22], [sflag:$0x1] =	stream.indirect_vreg.gather [hbm4b:s3+s20], $0x80, v3, vm0, $0xb8;
	[tilespmem:$0x1C000] =	vst v63  }
0x165: {  	v3 =	vld [tilespmem:s14+$0x130];
	_ =	sdelay $0x4  }
0x166: {  	v4 =	vshll.u32 v3, $0x1  }
0x167: {  	v3 =	vand.u32 $0x7, v3;
	v4 =	vand.u32 $0xFFFFFFF0, v4  }
0x168: {  	v3 =	vor.u32 v3, v4  }
0x169: {  	v4 =	vperm.xlane v3, v0;
	_ =	sdelay $0x1  }
0x16a: {  	v3 =	vperm.xlane v3, v2;
	v4 =	vadd.s32 v1, v4;
	_ =	sdelay $0x1  }
0x16b: {  	v3 =	vadd.s32 v1, v3;
	_ =	sdelay $0x1  }
0x16c: {  	s21 =	simm.s32 $0xB000  }
0x16d: {  	[tilespmem:s21], [sflag:$0x1] =	stream.indirect_vreg.gather [hbm4b:s3+s20], $0x80, v4, vm0, $0xb8;
	[tilespmem:$0x1C000] =	vst v63  }
0x16e: {  	s22 =	simm.s32 $0xB800  }
0x16f: {  	[tilespmem:s22], [sflag:$0x1] =	stream.indirect_vreg.gather [hbm4b:s3+s20], $0x80, v3, vm0, $0xb8;
	[tilespmem:$0x1C000] =	vst v63  }
0x170: {  	v3 =	vld [tilespmem:s14+$0x140];
	_ =	sdelay $0x4  }
0x171: {  	v4 =	vshll.u32 v3, $0x1  }
0x172: {  	v3 =	vand.u32 $0x7, v3;
	v4 =	vand.u32 $0xFFFFFFF0, v4  }
0x173: {  	v3 =	vor.u32 v3, v4  }
0x174: {  	v4 =	vperm.xlane v3, v0;
	_ =	sdelay $0x1  }
0x175: {  	v3 =	vperm.xlane v3, v2;
	v4 =	vadd.s32 v1, v4;
	_ =	sdelay $0x1  }
0x176: {  	v3 =	vadd.s32 v1, v3;
	_ =	sdelay $0x1  }
0x177: {  	s21 =	simm.s32 $0xC000  }
0x178: {  	[tilespmem:s21], [sflag:$0x1] =	stream.indirect_vreg.gather [hbm4b:s3+s20], $0x80, v4, vm0, $0xb8;
	[tilespmem:$0x1C000] =	vst v63  }
0x179: {  	s22 =	simm.s32 $0xC800  }
0x17a: {  	[tilespmem:s22], [sflag:$0x1] =	stream.indirect_vreg.gather [hbm4b:s3+s20], $0x80, v3, vm0, $0xb8;
	[tilespmem:$0x1C000] =	vst v63  }
0x17b: {  	v3 =	vld [tilespmem:s14+$0x4100];
	_ =	sdelay $0x4  }
0x17c: {  	v4 =	vshll.u32 v3, $0x1  }
0x17d: {  	v3 =	vand.u32 $0x7, v3;
	v4 =	vand.u32 $0xFFFFFFF0, v4  }
0x17e: {  	v3 =	vor.u32 v3, v4  }
0x17f: {  	v4 =	vperm.xlane v3, v0;
	_ =	sdelay $0x1  }
0x180: {  	v3 =	vperm.xlane v3, v2;
	v4 =	vadd.s32 v1, v4;
	_ =	sdelay $0x1  }
0x181: {  	v3 =	vadd.s32 v1, v3;
	_ =	sdelay $0x2  }
0x182: {  	[tilespmem:s23], [sflag:$0x2] =	stream.indirect_vreg.gather [hbm4b:s4+s20], $0x80, v4, vm0, $0xb8;
	[tilespmem:$0x1C000] =	vst v63  }
0x183: {  	_ = 	snop  }
0x184: {  	[tilespmem:s24], [sflag:$0x2] =	stream.indirect_vreg.gather [hbm4b:s4+s20], $0x80, v3, vm0, $0xb8;
	[tilespmem:$0x1C000] =	vst v63  }
0x185: {  	v3 =	vld [tilespmem:s14+$0x4110];
	_ =	sdelay $0x4  }
0x186: {  	v4 =	vshll.u32 v3, $0x1  }
0x187: {  	v3 =	vand.u32 $0x7, v3;
	v4 =	vand.u32 $0xFFFFFFF0, v4  }
0x188: {  	v3 =	vor.u32 v3, v4  }
0x189: {  	v4 =	vperm.xlane v3, v0;
	_ =	sdelay $0x1  }
0x18a: {  	v3 =	vperm.xlane v3, v2;
	v4 =	vadd.s32 v1, v4;
	_ =	sdelay $0x1  }
0x18b: {  	v3 =	vadd.s32 v1, v3;
	_ =	sdelay $0x2  }
0x18c: {  	[tilespmem:s25], [sflag:$0x2] =	stream.indirect_vreg.gather [hbm4b:s4+s20], $0x80, v4, vm0, $0xb8;
	[tilespmem:$0x1C000] =	vst v63  }
0x18d: {  	_ = 	snop  }
0x18e: {  	[tilespmem:s26], [sflag:$0x2] =	stream.indirect_vreg.gather [hbm4b:s4+s20], $0x80, v3, vm0, $0xb8;
	[tilespmem:$0x1C000] =	vst v63  }
0x18f: {  	v3 =	vld [tilespmem:s14+$0x4120];
	_ =	sdelay $0x4  }
0x190: {  	v4 =	vshll.u32 v3, $0x1  }
0x191: {  	v3 =	vand.u32 $0x7, v3;
	v4 =	vand.u32 $0xFFFFFFF0, v4  }
0x192: {  	v3 =	vor.u32 v3, v4  }
0x193: {  	v4 =	vperm.xlane v3, v0;
	_ =	sdelay $0x1  }
0x194: {  	v3 =	vperm.xlane v3, v2;
	v4 =	vadd.s32 v1, v4;
	_ =	sdelay $0x1  }
0x195: {  	v3 =	vadd.s32 v1, v3;
	_ =	sdelay $0x2  }
0x196: {  	[tilespmem:s28], [sflag:$0x2] =	stream.indirect_vreg.gather [hbm4b:s4+s20], $0x80, v4, vm0, $0xb8;
	[tilespmem:$0x1C000] =	vst v63  }
0x197: {  	_ = 	snop  }
0x198: {  	[tilespmem:s29], [sflag:$0x2] =	stream.indirect_vreg.gather [hbm4b:s4+s20], $0x80, v3, vm0, $0xb8;
	[tilespmem:$0x1C000] =	vst v63  }
0x199: {  	v3 =	vld [tilespmem:s14+$0x4130];
	_ =	sdelay $0x4  }
0x19a: {  	v4 =	vshll.u32 v3, $0x1  }
0x19b: {  	v3 =	vand.u32 $0x7, v3;
	v4 =	vand.u32 $0xFFFFFFF0, v4  }
0x19c: {  	v3 =	vor.u32 v3, v4  }
0x19d: {  	v4 =	vperm.xlane v3, v0;
	_ =	sdelay $0x1  }
0x19e: {  	v3 =	vperm.xlane v3, v2;
	v4 =	vadd.s32 v1, v4;
	_ =	sdelay $0x1  }
0x19f: {  	v3 =	vadd.s32 v1, v3;
	_ =	sdelay $0x2  }
0x1a0: {  	[tilespmem:s30], [sflag:$0x2] =	stream.indirect_vreg.gather [hbm4b:s4+s20], $0x80, v4, vm0, $0xb8;
	[tilespmem:$0x1C000] =	vst v63  }
0x1a1: {  	_ = 	snop  }
0x1a2: {  	[tilespmem:s31], [sflag:$0x2] =	stream.indirect_vreg.gather [hbm4b:s4+s20], $0x80, v3, vm0, $0xb8;
	[tilespmem:$0x1C000] =	vst v63  }
0x1a3: {  	v3 =	vld [tilespmem:s14+$0x4140];
	_ =	sdelay $0x4  }
0x1a4: {  	v4 =	vshll.u32 v3, $0x1  }
0x1a5: {  	v3 =	vand.u32 $0x7, v3;
	v4 =	vand.u32 $0xFFFFFFF0, v4  }
0x1a6: {  	v3 =	vor.u32 v3, v4  }
0x1a7: {  	v4 =	vperm.xlane v3, v0;
	_ =	sdelay $0x1  }
0x1a8: {  	v3 =	vperm.xlane v3, v2;
	v4 =	vadd.s32 v1, v4;
	_ =	sdelay $0x1  }
0x1a9: {  	v3 =	vadd.s32 v1, v3;
	_ =	sdelay $0x2  }
0x1aa: {  	[tilespmem:s0], [sflag:$0x2] =	stream.indirect_vreg.gather [hbm4b:s4+s20], $0x80, v4, vm0, $0xb8;
	[tilespmem:$0x1C000] =	vst v63  }
0x1ab: {  	_ = 	snop  }
0x1ac: {  	[tilespmem:s1], [sflag:$0x2] =	stream.indirect_vreg.gather [hbm4b:s4+s20], $0x80, v3, vm0, $0xb8;
	[tilespmem:$0x1C000] =	vst v63  }
0x1ad: {  	_ =	swait.ge [sflag:s17], $0x5000  }
0x1ae: {  	[sflag:s17] =	ssyncset.done $0x0  }
0x1af: {  	[sflag:s17] =	ssyncadd.s32 $0xFFFFB000  }
0x1b0: {  	_ =	swait.ge [sflag:s9], $0x5000  }
0x1b1: {  	s21 =	sand.u32 $0x7800, s20;
	s22 =	sand.u32 $0x380, s20;
	[sflag:s9] =	ssyncset.done $0x0  }
0x1b2: {  	s20 =	sor.u32 s22, s21;
	[sflag:s9] =	ssyncadd.s32 $0xFFFFB000  }
0x1b3: {  	v10 =	vld [tilespmem:s20+$0x17000]  }
0x1b4: {  	v11 =	vld [tilespmem:s20+$0x17010]  }
0x1b5: {  	v12 =	vld [tilespmem:s20+$0x17020]  }
0x1b6: {  	v13 =	vld [tilespmem:s20+$0x17030]  }
0x1b7: {  	v14 =	vld [tilespmem:s20+$0x17040]  }
0x1b8: {  	v15 =	vld [tilespmem:s20+$0x17050]  }
0x1b9: {  	v16 =	vld [tilespmem:s20+$0x17060]  }
0x1ba: {  	v17 =	vld [tilespmem:s20+$0x17070]  }
0x1bb: {  	v18 =	vld [tilespmem:s20+$0x17400]  }
0x1bc: {  	v9 =	vld [tilespmem:s20+$0x17410]  }
0x1bd: {  	v8 =	vld [tilespmem:s20+$0x17420]  }
0x1be: {  	v7 =	vld [tilespmem:s20+$0x17430]  }
0x1bf: {  	v6 =	vld [tilespmem:s20+$0x17440]  }
0x1c0: {  	v5 =	vld [tilespmem:s20+$0x17450]  }
0x1c1: {  	v4 =	vld [tilespmem:s20+$0x17460]  }
0x1c2: {  	v3 =	vld [tilespmem:s20+$0x17470]  }
0x1c3: {  	v19 =	vld [tilespmem:s20+$0x12000]  }
0x1c4: {  	v20 =	vld [tilespmem:s20+$0x12010]  }
0x1c5: {  	v21 =	vld [tilespmem:s20+$0x12020]  }
0x1c6: {  	v22 =	vld [tilespmem:s20+$0x12030]  }
0x1c7: {  	v23 =	vld [tilespmem:s20+$0x12040]  }
0x1c8: {  	v10 =	vadd.f32 v10, v19;
	v19 =	vld [tilespmem:s20+$0x12050]  }
0x1c9: {  	v61 =	vld [tilespmem:s20+$0x12060];
	v11 =	vadd.f32 v11, v20  }
0x1ca: {  	v62 =	vld [tilespmem:s20+$0x12070];
	[tilespmem:s20+$0x12000] =	vst v10;
	v10 =	vadd.f32 v12, v21  }
0x1cb: {  	v63 =	vld [tilespmem:s20+$0x12400];
	[tilespmem:s20+$0x12010] =	vst v11;
	v11 =	vadd.f32 v13, v22  }
0x1cc: {  	v13 =	vld [tilespmem:s20+$0x12410];
	[tilespmem:s20+$0x12020] =	vst v10;
	v10 =	vadd.f32 v14, v23  }
0x1cd: {  	v12 =	vld [tilespmem:s20+$0x12420];
	[tilespmem:s20+$0x12030] =	vst v11;
	v11 =	vadd.f32 v15, v19  }
0x1ce: {  	v14 =	vadd.f32 v16, v61;
	[tilespmem:s20+$0x12040] =	vst v10;
	v10 =	vld [tilespmem:s20+$0x12430]  }
0x1cf: {  	v16 =	vadd.f32 v17, v62;
	[tilespmem:s20+$0x12050] =	vst v11;
	v11 =	vld [tilespmem:s20+$0x12440]  }
0x1d0: {  	s14 =	simm.s32 $0x80;
	s21 =	simm.s32 $0x100;
	v15 =	vadd.f32 v18, v63;
	[tilespmem:s20+$0x12060] =	vst v14;
	v14 =	vld [tilespmem:s20+$0x12450]  }
.LBB2_5:
0x1d1: {  	s10 =	sand.u32 $0x7800, s21;
	s22 =	sand.u32 $0x380, s14;
	p0 =	sne.s32 s21, $0x4F00;
	[tilespmem:s20+$0x12070] =	vst v16;
	v9 =	vadd.f32 v9, v13;
	v13 =	vld [tilespmem:s20+$0x12460]  }
0x1d2: {  	s10 =	sor.u32 s22, s10;
	[tilespmem:s20+$0x12400] =	vst v15;
	v8 =	vadd.f32 v8, v12;
	v12 =	vld [tilespmem:s20+$0x12470]  }
0x1d3: {  	v15 =	vld [tilespmem:s10+$0x17000];
	[tilespmem:s20+$0x12410] =	vst v9;
	v7 =	vadd.f32 v7, v10  }
0x1d4: {  	v10 =	vld [tilespmem:s10+$0x17010];
	[tilespmem:s20+$0x12420] =	vst v8;
	v6 =	vadd.f32 v6, v11  }
0x1d5: {  	v11 =	vld [tilespmem:s10+$0x17020];
	[tilespmem:s20+$0x12430] =	vst v7;
	v5 =	vadd.f32 v5, v14  }
0x1d6: {  	v14 =	vld [tilespmem:s10+$0x17030];
	[tilespmem:s20+$0x12440] =	vst v6;
	v4 =	vadd.f32 v4, v13  }
0x1d7: {  	v13 =	vld [tilespmem:s10+$0x17040];
	[tilespmem:s20+$0x12450] =	vst v5;
	v3 =	vadd.f32 v3, v12  }
0x1d8: {  	v12 =	vld [tilespmem:s10+$0x17050];
	[tilespmem:s20+$0x12460] =	vst v4  }
0x1d9: {  	v16 =	vld [tilespmem:s10+$0x17060];
	[tilespmem:s20+$0x12470] =	vst v3;
	s20 =	smov.u32 s10  }
0x1da: {  	v17 =	vld [tilespmem:s20+$0x17070]  }
0x1db: {  	v18 =	vld [tilespmem:s20+$0x17400]  }
0x1dc: {  	v9 =	vld [tilespmem:s20+$0x17410]  }
0x1dd: {  	v8 =	vld [tilespmem:s20+$0x17420]  }
0x1de: {  	v7 =	vld [tilespmem:s20+$0x17430]  }
0x1df: {  	v6 =	vld [tilespmem:s20+$0x17440]  }
0x1e0: {  	v5 =	vld [tilespmem:s20+$0x17450]  }
0x1e1: {  	v4 =	vld [tilespmem:s20+$0x17460]  }
0x1e2: {  	v3 =	vld [tilespmem:s20+$0x17470]  }
0x1e3: {  	v19 =	vld [tilespmem:s20+$0x12000]  }
0x1e4: {  	v20 =	vld [tilespmem:s20+$0x12010]  }
0x1e5: {  	v21 =	vld [tilespmem:s20+$0x12020]  }
0x1e6: {  	v22 =	vld [tilespmem:s20+$0x12030]  }
0x1e7: {  	v23 =	vld [tilespmem:s20+$0x12040]  }
0x1e8: {  	v15 =	vadd.f32 v15, v19;
	v19 =	vld [tilespmem:s20+$0x12050]  }
0x1e9: {  	v10 =	vadd.f32 v10, v20;
	v20 =	vld [tilespmem:s20+$0x12060]  }
0x1ea: {  	[tilespmem:s20+$0x12000] =	vst v15;
	v11 =	vadd.f32 v11, v21;
	v15 =	vld [tilespmem:s20+$0x12070]  }
0x1eb: {  	[tilespmem:s20+$0x12010] =	vst v10;
	v10 =	vadd.f32 v14, v22;
	v14 =	vld [tilespmem:s20+$0x12400]  }
.Ltmp1:
0x1ec: {  	[tilespmem:s20+$0x12020] =	vst v11;
	v11 =	vadd.f32 v13, v23;
	v13 =	vld [tilespmem:s20+$0x12410];
	(pc) =	sbr.rel @p0 .LBB2_5-.Ltmp1, $4  }
0x1ed: {  	[tilespmem:s20+$0x12030] =	vst v10;
	v19 =	vadd.f32 v12, v19;
	v12 =	vld [tilespmem:s20+$0x12420]  }
0x1ee: {  	[tilespmem:s20+$0x12040] =	vst v11;
	v20 =	vadd.f32 v16, v20;
	v10 =	vld [tilespmem:s20+$0x12430]  }
0x1ef: {  	[tilespmem:s20+$0x12050] =	vst v19;
	v16 =	vadd.f32 v17, v15;
	v11 =	vld [tilespmem:s20+$0x12440]  }
0x1f0: {  	s14 =	sadd.s32 $0x80, s14;
	s21 =	sadd.s32 $0x100, s21;
	[tilespmem:s20+$0x12060] =	vst v20;
	v15 =	vadd.f32 v18, v14;
	v14 =	vld [tilespmem:s20+$0x12450]  }
0x1f1: {  	[tilespmem:s20+$0x12070] =	vst v16;
	v9 =	vadd.f32 v9, v13;
	v62 =	vld [tilespmem:s20+$0x12460]  }
0x1f2: {  	v63 =	vld [tilespmem:s20+$0x12470];
	[tilespmem:s20+$0x12400] =	vst v15;
	v8 =	vadd.f32 v8, v12  }
0x1f3: {  	[tilespmem:s20+$0x12410] =	vst v9;
	v7 =	vadd.f32 v7, v10  }
0x1f4: {  	[tilespmem:s20+$0x12420] =	vst v8;
	v6 =	vadd.f32 v6, v11  }
0x1f5: {  	s10 =	smul.u32 $0x50, s19;
	[tilespmem:s20+$0x12430] =	vst v7;
	v5 =	vadd.f32 v5, v14  }
0x1f6: {  	[tilespmem:s20+$0x12440] =	vst v6;
	v4 =	vadd.f32 v4, v62  }
0x1f7: {  	s18 =	sadd.s32 $0x1, s18;
	s10 =	sadd.s32 s6, s10;
	v3 =	vadd.f32 v3, v63;
	[tilespmem:s20+$0x12450] =	vst v5  }
0x1f8: {  	p0 =	sne.s32 s18, $0x3E;
	s10 =	sshll.u32 s10, $0x5;
	[tilespmem:s20+$0x12460] =	vst v4  }
.Ltmp2:
0x1f9: {  	s10 =	sadd.s32 s5, s10;
	[tilespmem:s20+$0x12470] =	vst v3;
	(pc) =	sbr.rel @p0 .LBB2_2-.Ltmp2, $4  }
0x1fa: {  	[hbm4b:s10+s2] =	stream.linear.scatter [tilespmem:s12], [sflag:$0x5], $0x5000, $0x38;
	[tilespmem:$0x1C000] =	vst v63  }
0x1fb: {  	_ =	swait.ge [sflag:s11], $0x5000  }
0x1fc: {  	[sflag:s11] =	ssyncset.done $0x0  }
0x1fd: {  	[sflag:s11] =	ssyncadd.s32 $0xFFFFB000  }
0x1fe: {  	_ =	swait.ge [sflag:s16], $0x5000  }
0x1ff: {  	[sflag:s16] =	ssyncset.done $0x0  }
0x200: {  	[sflag:s16] =	ssyncadd.s32 $0xFFFFB000  }
0x201: {  	s10 =	simm.s32 $0x0;
	_ =	swait.ge [sflag:s8], $0x5000  }
0x202: {  	s14 =	sand.u32 $0x7800, s10;
	s10 =	sand.u32 $0x380, s10;
	[sflag:s8] =	ssyncset.done $0x0  }
0x203: {  	s18 =	sor.u32 s10, s14;
	[sflag:s8] =	ssyncadd.s32 $0xFFFFB000  }
0x204: {  	v10 =	vld [tilespmem:s18+$0xD000]  }
0x205: {  	v11 =	vld [tilespmem:s18+$0xD010]  }
0x206: {  	v12 =	vld [tilespmem:s18+$0xD020]  }
0x207: {  	v13 =	vld [tilespmem:s18+$0xD030]  }
0x208: {  	v14 =	vld [tilespmem:s18+$0xD040]  }
0x209: {  	v15 =	vld [tilespmem:s18+$0xD050]  }
0x20a: {  	v16 =	vld [tilespmem:s18+$0xD060]  }
0x20b: {  	v17 =	vld [tilespmem:s18+$0xD070]  }
0x20c: {  	v18 =	vld [tilespmem:s18+$0xD400]  }
0x20d: {  	v9 =	vld [tilespmem:s18+$0xD410]  }
0x20e: {  	v8 =	vld [tilespmem:s18+$0xD420]  }
0x20f: {  	v7 =	vld [tilespmem:s18+$0xD430]  }
0x210: {  	v6 =	vld [tilespmem:s18+$0xD440]  }
0x211: {  	v5 =	vld [tilespmem:s18+$0xD450]  }
0x212: {  	v4 =	vld [tilespmem:s18+$0xD460]  }
0x213: {  	v3 =	vld [tilespmem:s18+$0xD470]  }
0x214: {  	v19 =	vld [tilespmem:s18+$0x8000]  }
0x215: {  	v20 =	vld [tilespmem:s18+$0x8010]  }
0x216: {  	v21 =	vld [tilespmem:s18+$0x8020]  }
0x217: {  	v22 =	vld [tilespmem:s18+$0x8030]  }
0x218: {  	v23 =	vld [tilespmem:s18+$0x8040]  }
0x219: {  	v10 =	vadd.f32 v10, v19;
	v19 =	vld [tilespmem:s18+$0x8050]  }
0x21a: {  	v61 =	vld [tilespmem:s18+$0x8060];
	v11 =	vadd.f32 v11, v20  }
0x21b: {  	v62 =	vld [tilespmem:s18+$0x8070];
	[tilespmem:s18+$0x8000] =	vst v10;
	v10 =	vadd.f32 v12, v21  }
0x21c: {  	v63 =	vld [tilespmem:s18+$0x8400];
	[tilespmem:s18+$0x8010] =	vst v11;
	v11 =	vadd.f32 v13, v22  }
0x21d: {  	v13 =	vld [tilespmem:s18+$0x8410];
	[tilespmem:s18+$0x8020] =	vst v10;
	v10 =	vadd.f32 v14, v23  }
0x21e: {  	v12 =	vld [tilespmem:s18+$0x8420];
	[tilespmem:s18+$0x8030] =	vst v11;
	v11 =	vadd.f32 v15, v19  }
0x21f: {  	v14 =	vadd.f32 v16, v61;
	[tilespmem:s18+$0x8040] =	vst v10;
	v10 =	vld [tilespmem:s18+$0x8430]  }
0x220: {  	v16 =	vadd.f32 v17, v62;
	[tilespmem:s18+$0x8050] =	vst v11;
	v11 =	vld [tilespmem:s18+$0x8440]  }
0x221: {  	s19 =	simm.s32 $0x100;
	s14 =	simm.s32 $0x80;
	v15 =	vadd.f32 v18, v63;
	[tilespmem:s18+$0x8060] =	vst v14;
	v14 =	vld [tilespmem:s18+$0x8450]  }
.LBB2_8:
0x222: {  	s10 =	sand.u32 $0x7800, s19;
	s20 =	sand.u32 $0x380, s14;
	p0 =	sne.s32 s19, $0x4F00;
	[tilespmem:s18+$0x8070] =	vst v16;
	v9 =	vadd.f32 v9, v13;
	v13 =	vld [tilespmem:s18+$0x8460]  }
0x223: {  	s10 =	sor.u32 s20, s10;
	[tilespmem:s18+$0x8400] =	vst v15;
	v8 =	vadd.f32 v8, v12;
	v12 =	vld [tilespmem:s18+$0x8470]  }
0x224: {  	v15 =	vld [tilespmem:s10+$0xD000];
	[tilespmem:s18+$0x8410] =	vst v9;
	v7 =	vadd.f32 v7, v10  }
0x225: {  	v10 =	vld [tilespmem:s10+$0xD010];
	[tilespmem:s18+$0x8420] =	vst v8;
	v6 =	vadd.f32 v6, v11  }
0x226: {  	v11 =	vld [tilespmem:s10+$0xD020];
	[tilespmem:s18+$0x8430] =	vst v7;
	v5 =	vadd.f32 v5, v14  }
0x227: {  	v14 =	vld [tilespmem:s10+$0xD030];
	[tilespmem:s18+$0x8440] =	vst v6;
	v4 =	vadd.f32 v4, v13  }
0x228: {  	v13 =	vld [tilespmem:s10+$0xD040];
	[tilespmem:s18+$0x8450] =	vst v5;
	v3 =	vadd.f32 v3, v12  }
0x229: {  	v12 =	vld [tilespmem:s10+$0xD050];
	[tilespmem:s18+$0x8460] =	vst v4  }
0x22a: {  	v16 =	vld [tilespmem:s10+$0xD060];
	[tilespmem:s18+$0x8470] =	vst v3;
	s18 =	smov.u32 s10  }
0x22b: {  	v17 =	vld [tilespmem:s18+$0xD070]  }
0x22c: {  	v18 =	vld [tilespmem:s18+$0xD400]  }
0x22d: {  	v9 =	vld [tilespmem:s18+$0xD410]  }
0x22e: {  	v8 =	vld [tilespmem:s18+$0xD420]  }
0x22f: {  	v7 =	vld [tilespmem:s18+$0xD430]  }
0x230: {  	v6 =	vld [tilespmem:s18+$0xD440]  }
0x231: {  	v5 =	vld [tilespmem:s18+$0xD450]  }
0x232: {  	v4 =	vld [tilespmem:s18+$0xD460]  }
0x233: {  	v3 =	vld [tilespmem:s18+$0xD470]  }
0x234: {  	v19 =	vld [tilespmem:s18+$0x8000]  }
0x235: {  	v20 =	vld [tilespmem:s18+$0x8010]  }
0x236: {  	v21 =	vld [tilespmem:s18+$0x8020]  }
0x237: {  	v22 =	vld [tilespmem:s18+$0x8030]  }
0x238: {  	v23 =	vld [tilespmem:s18+$0x8040]  }
0x239: {  	v15 =	vadd.f32 v15, v19;
	v19 =	vld [tilespmem:s18+$0x8050]  }
0x23a: {  	v10 =	vadd.f32 v10, v20;
	v20 =	vld [tilespmem:s18+$0x8060]  }
0x23b: {  	[tilespmem:s18+$0x8000] =	vst v15;
	v11 =	vadd.f32 v11, v21;
	v15 =	vld [tilespmem:s18+$0x8070]  }
0x23c: {  	[tilespmem:s18+$0x8010] =	vst v10;
	v10 =	vadd.f32 v14, v22;
	v14 =	vld [tilespmem:s18+$0x8400]  }
.Ltmp3:
0x23d: {  	[tilespmem:s18+$0x8020] =	vst v11;
	v11 =	vadd.f32 v13, v23;
	v13 =	vld [tilespmem:s18+$0x8410];
	(pc) =	sbr.rel @p0 .LBB2_8-.Ltmp3, $4  }
0x23e: {  	[tilespmem:s18+$0x8030] =	vst v10;
	v19 =	vadd.f32 v12, v19;
	v12 =	vld [tilespmem:s18+$0x8420]  }
0x23f: {  	[tilespmem:s18+$0x8040] =	vst v11;
	v20 =	vadd.f32 v16, v20;
	v10 =	vld [tilespmem:s18+$0x8430]  }
0x240: {  	[tilespmem:s18+$0x8050] =	vst v19;
	v16 =	vadd.f32 v17, v15;
	v11 =	vld [tilespmem:s18+$0x8440]  }
0x241: {  	s14 =	sadd.s32 $0x80, s14;
	s19 =	sadd.s32 $0x100, s19;
	[tilespmem:s18+$0x8060] =	vst v20;
	v15 =	vadd.f32 v18, v14;
	v14 =	vld [tilespmem:s18+$0x8450]  }
0x242: {  	[tilespmem:s18+$0x8070] =	vst v16;
	v9 =	vadd.f32 v9, v13;
	v62 =	vld [tilespmem:s18+$0x8460]  }
0x243: {  	v63 =	vld [tilespmem:s18+$0x8470];
	[tilespmem:s18+$0x8400] =	vst v15;
	v8 =	vadd.f32 v8, v12  }
0x244: {  	[tilespmem:s18+$0x8410] =	vst v9;
	v7 =	vadd.f32 v7, v10  }
0x245: {  	[tilespmem:s18+$0x8420] =	vst v8;
	v6 =	vadd.f32 v6, v11  }
0x246: {  	[tilespmem:s18+$0x8430] =	vst v7;
	v5 =	vadd.f32 v5, v14  }
0x247: {  	[tilespmem:s18+$0x8440] =	vst v6;
	v4 =	vadd.f32 v4, v62  }
0x248: {  	v3 =	vadd.f32 v3, v63;
	[tilespmem:s18+$0x8450] =	vst v5  }
0x249: {  	[tilespmem:s18+$0x8460] =	vst v4  }
0x24a: {  	s10 =	rddreg [dreg:$0x5];
	[tilespmem:s18+$0x8470] =	vst v3  }
0x24b: {  	[hbm4b:s10+s2] =	stream.linear.scatter [tilespmem:s13], [sflag:$0x5], $0x5000, $0x38;
	[tilespmem:$0x1C000] =	vst v63  }
0x24c: {  	_ =	swait.ge [sflag:s11], $0x5000  }
0x24d: {  	s14 =	rddreg [dreg:$0x7]  }
0x24e: {  	s22 =	rddreg [dreg:$0x6];
	s14 =	sadd.s32 $0x1, s14  }
0x24f: {  	p0 =	sne.s32 s14, s22  }
.Ltmp4:
0x250: {  	_ = 	snop;
	(pc) =	sbr.rel @p0 .LBB2_1-.Ltmp4, $3  }
0x251: {  	_ =	sdelay $0x1  }
0x252: {  	[sflag:s11] =	ssyncset.done $0x0  }
0x253: {  	[sflag:s11] =	ssyncadd.s32 $0xFFFFB000  }
0x254: {  	_ =	sfence.sel $0x180000  }
0x255: {  	[bflag:$0x0] =	sbarrier.arrive $0xFFFF  }
0x256: {  	_ =	strace $0x90000047  }
0x257: {  	s0 =	stileid.u32;
	[bflag:$0x2] =	sbarrier.arrive $0xFFFF  }
0x258: {  	p0 =	sne.s32 s0, $0x0;
	s0 =	rddreg [dreg:$0x2]  }
0x259: {  	s0 =	sadd.s32 @!p0 $0x100000, s0  }
0x25a: {  	[sflag:s0] =	ssyncadd.tile.s32 @!p0 $0x1;
	_ =	shalt  }
.Lfunc_end2:
_tile_overlayer_lowered:
.L_overlay_start_2:
0x25b: {  	(tag) =	ssettag $0x2  }
0x25c: {  	s0 =	rddreg [dreg:$0x0];
	s2 =	stileid.u32  }
0x25d: {  	s1 =	rddreg [dreg:$0x1];
	p0 =	sne.s32 s2, $0x0  }
0x25e: {  	s3 =	rddreg [dreg:$0x2];
	[bflag:$0x3] =	sbarrier.arrive $0xFFFF;
	s2 =	simm.s32 @!p0 $0x1C05  }
0x25f: {  	[timem:s3], [sflag:s2] =	dma.local @!p0 [hbm:s0], s1  }
0x260: {  	s0 =	simm.s32 @!p0 $0x5  }
0x261: {  	_ =	swait.ge @!p0 [sflag:s0], s1  }
0x262: {  	s1 =	ssub.s32 @!p0 $0x0, s1;
	[sflag:s0] =	ssyncset.done @!p0 $0x0  }
0x263: {  	[sflag:s0] =	ssyncadd.s32 @!p0 s1  }
0x264: {  	[bflag:$0x3] =	sbarrier.arrive $0xFFFF  }
0x265: {  	_ =	shalt  }

</sc_bundles>
